<compile_context>
chip_gen: v7x
topology: tpu7x:2x2x1
jax: 0.10.2.dev20260603
libtpu: 0.0.44.dev20260713+nightly
codegen_flags: <defaults>
</compile_context>

<pallas_src>
import functools

import jax
import jax.numpy as jnp
from jax import lax
from jax.experimental import pallas as pl
from jax.experimental.pallas import tpu as pltpu
from jax.experimental.pallas import tpu_sc as plsc

_SIZE = 65536
_EDGES = 4194304
_NC = 2
_NS = 16
_NW = _NC * _NS
_EPT = _EDGES // _NW
_C = 4096
_NCH = _EPT // _C
_XP = _SIZE // 2
_RED = _SIZE // _NS


def _sc_body(src_hbm, dst_hbm, w_hbm, xp_hbm, accs_hbm, parts_hbm,
             xp_v, acc_v, sb0, db0, wb0, sb1, db1, wb1,
             sem0, sem1, semx):
    cid = lax.axis_index("c")
    sid = lax.axis_index("s")
    wid = sid * _NC + cid

    cpx = pltpu.async_copy(xp_hbm, xp_v, semx)

    e0 = wid * _EPT

    def _issue(k, sb, db, wb, sem):
        pltpu.async_copy(src_hbm.at[pl.ds(e0 + k * _C, _C)], sb, sem)
        pltpu.async_copy(dst_hbm.at[pl.ds(e0 + k * _C, _C)], db, sem)
        pltpu.async_copy(w_hbm.at[pl.ds(e0 + k * _C, _C)], wb, sem)

    def _drain(sb, db, wb, sem):
        pltpu.make_async_copy(src_hbm.at[pl.ds(0, _C)], sb, sem).wait()
        pltpu.make_async_copy(dst_hbm.at[pl.ds(0, _C)], db, sem).wait()
        pltpu.make_async_copy(w_hbm.at[pl.ds(0, _C)], wb, sem).wait()

    def _compute(sb, db, wb):
        @plsc.parallel_loop(0, _C // 16, unroll=32)
        def _grp(g):
            sl = pl.ds(g * 16, 16)
            s = sb[sl]
            word = plsc.load_gather(xp_v, [lax.shift_right_logical(s, 1)])
            odd = lax.bitwise_and(s, 1) != 0
            hi = lax.bitwise_and(word, jnp.int32(-65536))
            lo = lax.shift_left(word, 16)
            val = plsc.bitcast(jnp.where(odd, hi, lo), jnp.float32)
            plsc.addupdate_scatter(acc_v, [db[sl]], val * wb[sl])

    _issue(0, sb0, db0, wb0, sem0)
    _issue(1, sb1, db1, wb1, sem1)

    @plsc.parallel_loop(0, _SIZE // 16, unroll=8)
    def _zero(i):
        acc_v[pl.ds(i * 16, 16)] = jnp.zeros((16,), jnp.float32)
    cpx.wait()

    def _pair(j, carry):
        k0 = j * 2
        _drain(sb0, db0, wb0, sem0)
        _compute(sb0, db0, wb0)

        @pl.when(k0 + 2 < _NCH)
        def _():
            _issue(k0 + 2, sb0, db0, wb0, sem0)

        _drain(sb1, db1, wb1, sem1)
        _compute(sb1, db1, wb1)

        @pl.when(k0 + 3 < _NCH)
        def _():
            _issue(k0 + 3, sb1, db1, wb1, sem1)
        return carry

    lax.fori_loop(0, _NCH // 2, _pair, None)

    pltpu.sync_copy(acc_v, accs_hbm.at[wid])

    plsc.subcore_barrier()
    o = sid * _RED

    def _issue_red(d, buf, sem):
        row = lax.rem(sid + d, _NS) * _NC + cid
        pltpu.async_copy(accs_hbm.at[row, pl.ds(o, _RED)], buf, sem)

    def _drain_red(buf, sem):
        pltpu.make_async_copy(accs_hbm.at[0, pl.ds(0, _RED)], buf, sem).wait()

    _issue_red(1, wb0, sem0)
    for d in range(1, _NS):
        buf, sem = (wb0, sem0) if d % 2 else (wb1, sem1)
        if d + 1 < _NS:
            nbuf, nsem = (wb0, sem0) if (d + 1) % 2 else (wb1, sem1)
            _issue_red(d + 1, nbuf, nsem)
        _drain_red(buf, sem)

        @plsc.parallel_loop(0, _RED // 16, unroll=8)
        def _acc_red(g):
            sl = pl.ds(o + g * 16, 16)
            acc_v[sl] = acc_v[sl] + buf[pl.ds(g * 16, 16)]

    pltpu.sync_copy(acc_v.at[pl.ds(o, _RED)],
                    parts_hbm.at[cid, pl.ds(o, _RED)])


_sc_edge_kernel = functools.partial(
    pl.kernel,
    out_type=(jax.ShapeDtypeStruct((_NW, _SIZE), jnp.float32),
              jax.ShapeDtypeStruct((_NC, _SIZE), jnp.float32)),
    mesh=plsc.VectorSubcoreMesh(core_axis_name="c", subcore_axis_name="s"),
    compiler_params=pltpu.CompilerParams(needs_layout_passes=False,
                                         skip_device_barrier=True),
    scratch_types=[
        pltpu.VMEM((_XP,), jnp.int32),
        pltpu.VMEM((_SIZE,), jnp.float32),
        pltpu.VMEM((_C,), jnp.int32),
        pltpu.VMEM((_C,), jnp.int32),
        pltpu.VMEM((_C,), jnp.float32),
        pltpu.VMEM((_C,), jnp.int32),
        pltpu.VMEM((_C,), jnp.int32),
        pltpu.VMEM((_C,), jnp.float32),
        pltpu.SemaphoreType.DMA,
        pltpu.SemaphoreType.DMA,
        pltpu.SemaphoreType.DMA,
    ],
)(_sc_body)


def _combine_body(p_ref, b_ref, o_ref):
    o_ref[...] = p_ref[0] + p_ref[1] + b_ref[...]


def _combine(parts, bias):
    return pl.pallas_call(
        _combine_body,
        out_shape=jax.ShapeDtypeStruct((_SIZE // 128, 128), jnp.float32),
    )(parts.reshape(_NC, _SIZE // 128, 128),
      bias.reshape(_SIZE // 128, 128))


def kernel(x, src, dst, edge_weights, bias):
    xp = lax.bitcast_convert_type(
        x.astype(jnp.bfloat16).reshape(_XP, 2), jnp.int32)
    _, parts = _sc_edge_kernel(src, dst, edge_weights, xp)
    return _combine(parts, bias).reshape(_SIZE)

# --- scband reference (transcript-rebuilt; emitter-appended) ---
"""Pipeline reference for scband-self-wiring-layer-31525059952785 (READ-ONLY COPY).

The authoritative reference and input builder live on the scoring server;
editing this copy changes nothing except your own understanding.
"""

import jax, jax.numpy as jnp
import numpy as np

SIZE = 65536
MAX_EDGES = 4194304

def setup_inputs(seed: int = 0) -> dict:
    key = jax.random.key(seed)
    k1, k2, k3, k4 = jax.random.split(key, 4)
    x = jax.random.normal(k1, (SIZE,), dtype=jnp.float32)
    src = jax.random.randint(k2, (MAX_EDGES,), 0, SIZE, dtype=jnp.int32)
    dst = jax.random.randint(k3, (MAX_EDGES,), 0, SIZE, dtype=jnp.int32)
    # n_init = min(size*size*init_density, max_edges) == max_edges here, so all
    # edge weights are initialized randn * sqrt(2/size)
    edge_weights = jax.random.normal(k4, (MAX_EDGES,), dtype=jnp.float32) * (2.0 / SIZE) ** 0.5
    bias = jnp.zeros((SIZE,), dtype=jnp.float32)
    return {"x": x, "src": src, "dst": dst, "edge_weights": edge_weights, "bias": bias}

def reference(x, src, dst, edge_weights, bias):
    # gather source activations along edges
    src_vals = jnp.take(x, src, axis=0)
    weighted = src_vals * edge_weights
    # scatter-add into destination nodes
    out = jnp.zeros((SIZE,), dtype=x.dtype).at[dst].add(weighted)
    out = out + bias
    return out

if __name__ == "__main__":
    import jax
    _d = setup_inputs()
    print(jax.jit(kernel)(*tuple(_d.values())))

</pallas_src>

<mosaic_0001>
#map = affine_map<(d0, d1) -> (0)>
#map1 = affine_map<(d0, d1) -> (0, 0)>
module attributes {stable_mosaic.version = 14 : i64} {
  func.func @_sc_body(%arg0: i32, %arg1: i32, %arg2: memref<4194304xi32, #tpu.memory_space<hbm>>, %arg3: memref<4194304xi32, #tpu.memory_space<hbm>>, %arg4: memref<4194304xf32, #tpu.memory_space<hbm>>, %arg5: memref<32768xi32, #tpu.memory_space<hbm>>, %arg6: memref<32x65536xf32, #tpu.memory_space<hbm>>, %arg7: memref<2x65536xf32, #tpu.memory_space<hbm>>, %arg8: memref<32768xi32, #tpu.memory_space<vmem>>, %arg9: memref<65536xf32, #tpu.memory_space<vmem>>, %arg10: memref<4096xi32, #tpu.memory_space<vmem>>, %arg11: memref<4096xi32, #tpu.memory_space<vmem>>, %arg12: memref<4096xf32, #tpu.memory_space<vmem>>, %arg13: memref<4096xi32, #tpu.memory_space<vmem>>, %arg14: memref<4096xi32, #tpu.memory_space<vmem>>, %arg15: memref<4096xf32, #tpu.memory_space<vmem>>, %arg16: memref<!tpu.dma_semaphore, #tpu.memory_space<semaphore_mem>>, %arg17: memref<!tpu.dma_semaphore, #tpu.memory_space<semaphore_mem>>, %arg18: memref<!tpu.dma_semaphore, #tpu.memory_space<semaphore_mem>>) attributes {dimension_semantics = [#tpu.dimension_semantics<core_parallel>, #tpu.dimension_semantics<subcore_parallel>], iteration_bounds = array<i64: 2, 16>, scalar_prefetch = 0 : i64, scratch_operands = 11 : i64, tpu.core_type = #tpu.core_type<sc_vector_subcore>, window_params = [{transform_indices = #map}, {transform_indices = #map}, {transform_indices = #map}, {transform_indices = #map}, {transform_indices = #map1}, {transform_indices = #map1}]} {
    %mul3A = arith.constant 2 : i32
    %mul3A_0 = arith.muli %arg1, %mul3A : i32
    %add3A = arith.addi %mul3A_0, %arg0 : i32
    tpu.enqueue_dma source(%arg5 : memref<32768xi32, #tpu.memory_space<hbm>>) target(%arg8 : memref<32768xi32, #tpu.memory_space<vmem>>) target_semaphore(%arg18 : memref<!tpu.dma_semaphore, #tpu.memory_space<semaphore_mem>>)
    %mul3A_1 = arith.constant 131072 : i32
    %mul3A_2 = arith.muli %add3A, %mul3A_1 : i32
    %add3A_3 = arith.constant 0 : i32
    %add3A_4 = arith.addi %mul3A_2, %add3A_3 : i32
    %dma_start3A = tpu.memref_slice %arg2[%add3A_4] : memref<4194304xi32, #tpu.memory_space<hbm>> -> memref<4096xi32, #tpu.memory_space<hbm>>
    %dma_start3A_5 = tpu.memref_slice %arg2[%add3A_4] : memref<4194304xi32, #tpu.memory_space<hbm>> -> memref<4096xi32, #tpu.memory_space<hbm>>
    tpu.enqueue_dma source(%dma_start3A_5 : memref<4096xi32, #tpu.memory_space<hbm>>) target(%arg10 : memref<4096xi32, #tpu.memory_space<vmem>>) target_semaphore(%arg16 : memref<!tpu.dma_semaphore, #tpu.memory_space<semaphore_mem>>)
    %add3A_6 = arith.constant 0 : i32
    %add3A_7 = arith.addi %mul3A_2, %add3A_6 : i32
    %dma_start3A_8 = tpu.memref_slice %arg3[%add3A_7] : memref<4194304xi32, #tpu.memory_space<hbm>> -> memref<4096xi32, #tpu.memory_space<hbm>>
    %dma_start3A_9 = tpu.memref_slice %arg3[%add3A_7] : memref<4194304xi32, #tpu.memory_space<hbm>> -> memref<4096xi32, #tpu.memory_space<hbm>>
    tpu.enqueue_dma source(%dma_start3A_9 : memref<4096xi32, #tpu.memory_space<hbm>>) target(%arg11 : memref<4096xi32, #tpu.memory_space<vmem>>) target_semaphore(%arg16 : memref<!tpu.dma_semaphore, #tpu.memory_space<semaphore_mem>>)
    %add3A_10 = arith.constant 0 : i32
    %add3A_11 = arith.addi %mul3A_2, %add3A_10 : i32
    %dma_start3A_12 = tpu.memref_slice %arg4[%add3A_11] : memref<4194304xf32, #tpu.memory_space<hbm>> -> memref<4096xf32, #tpu.memory_space<hbm>>
    %dma_start3A_13 = tpu.memref_slice %arg4[%add3A_11] : memref<4194304xf32, #tpu.memory_space<hbm>> -> memref<4096xf32, #tpu.memory_space<hbm>>
    tpu.enqueue_dma source(%dma_start3A_13 : memref<4096xf32, #tpu.memory_space<hbm>>) target(%arg12 : memref<4096xf32, #tpu.memory_space<vmem>>) target_semaphore(%arg16 : memref<!tpu.dma_semaphore, #tpu.memory_space<semaphore_mem>>)
    %add3A_14 = arith.constant 4096 : i32
    %add3A_15 = arith.addi %mul3A_2, %add3A_14 : i32
    %dma_start3A_16 = tpu.memref_slice %arg2[%add3A_15] : memref<4194304xi32, #tpu.memory_space<hbm>> -> memref<4096xi32, #tpu.memory_space<hbm>>
    %dma_start3A_17 = tpu.memref_slice %arg2[%add3A_15] : memref<4194304xi32, #tpu.memory_space<hbm>> -> memref<4096xi32, #tpu.memory_space<hbm>>
    tpu.enqueue_dma source(%dma_start3A_17 : memref<4096xi32, #tpu.memory_space<hbm>>) target(%arg13 : memref<4096xi32, #tpu.memory_space<vmem>>) target_semaphore(%arg17 : memref<!tpu.dma_semaphore, #tpu.memory_space<semaphore_mem>>)
    %add3A_18 = arith.constant 4096 : i32
    %add3A_19 = arith.addi %mul3A_2, %add3A_18 : i32
    %dma_start3A_20 = tpu.memref_slice %arg3[%add3A_19] : memref<4194304xi32, #tpu.memory_space<hbm>> -> memref<4096xi32, #tpu.memory_space<hbm>>
    %dma_start3A_21 = tpu.memref_slice %arg3[%add3A_19] : memref<4194304xi32, #tpu.memory_space<hbm>> -> memref<4096xi32, #tpu.memory_space<hbm>>
    tpu.enqueue_dma source(%dma_start3A_21 : memref<4096xi32, #tpu.memory_space<hbm>>) target(%arg14 : memref<4096xi32, #tpu.memory_space<vmem>>) target_semaphore(%arg17 : memref<!tpu.dma_semaphore, #tpu.memory_space<semaphore_mem>>)
    %add3A_22 = arith.constant 4096 : i32
    %add3A_23 = arith.addi %mul3A_2, %add3A_22 : i32
    %dma_start3A_24 = tpu.memref_slice %arg4[%add3A_23] : memref<4194304xf32, #tpu.memory_space<hbm>> -> memref<4096xf32, #tpu.memory_space<hbm>>
    %dma_start3A_25 = tpu.memref_slice %arg4[%add3A_23] : memref<4194304xf32, #tpu.memory_space<hbm>> -> memref<4096xf32, #tpu.memory_space<hbm>>
    tpu.enqueue_dma source(%dma_start3A_25 : memref<4096xf32, #tpu.memory_space<hbm>>) target(%arg15 : memref<4096xf32, #tpu.memory_space<vmem>>) target_semaphore(%arg17 : memref<!tpu.dma_semaphore, #tpu.memory_space<semaphore_mem>>)
    %parallel_loop3A = arith.constant 0 : i32
    %parallel_loop3A_26 = arith.constant 4096 : i32
    %parallel_loop3A_27 = arith.constant 1 : i32
    scf.for %parallel_loop3A_347 = %parallel_loop3A to %parallel_loop3A_26 step %parallel_loop3A_27  : i32 {
      %parallel_loop3A_348 = arith.constant 0.000000e+00 : f32
      %parallel_loop3A_349 = vector.broadcast %parallel_loop3A_348 : f32 to vector<16xf32>
      %parallel_loop3A_350 = arith.constant 16 : i32
      %parallel_loop3A_351 = arith.muli %parallel_loop3A_347, %parallel_loop3A_350 : i32
      %parallel_loop3A_352 = arith.index_cast %parallel_loop3A_351 : i32 to index
      %parallel_loop3A_353 = tpu.vector_load %arg9[%parallel_loop3A_352] {strides = array<i32>} : memref<65536xf32, #tpu.memory_space<vmem>>, vector<16xf32>,
      tpu.vector_store %arg9[%parallel_loop3A_352], %parallel_loop3A_349 {strides = array<i32>} : memref<65536xf32, #tpu.memory_space<vmem>>, vector<16xf32>,
    } {sc.loop_unroll_factor = 8 : i64, sc.parallel_access}
    tpu.wait_dma2 semaphore(%arg18 : memref<!tpu.dma_semaphore, #tpu.memory_space<semaphore_mem>>) src(%arg5 : memref<32768xi32, #tpu.memory_space<hbm>>) dst(%arg8 : memref<32768xi32, #tpu.memory_space<vmem>>)
    %scan3A = arith.constant 0 : i32
    %scan3A_28 = arith.constant 16 : i32
    %scan3A_29 = arith.addi %scan3A, %scan3A_28 : i32
    %scan3A_30 = arith.constant 1 : i32
    scf.for %scan3A_347 = %scan3A to %scan3A_29 step %scan3A_30  : i32 {
      %mul3A_348 = arith.constant 2 : i32
      %mul3A_349 = arith.muli %scan3A_347, %mul3A_348 : i32
      %dma_wait3A_350 = arith.constant 0 : i32
      %dma_wait3A_351 = tpu.memref_slice %arg2[%dma_wait3A_350] : memref<4194304xi32, #tpu.memory_space<hbm>> -> memref<4096xi32, #tpu.memory_space<hbm>>
      %dma_wait3A_352 = arith.constant 0 : i32
      %dma_wait3A_353 = tpu.memref_slice %arg2[%dma_wait3A_352] : memref<4194304xi32, #tpu.memory_space<hbm>> -> memref<4096xi32, #tpu.memory_space<hbm>>
      tpu.wait_dma2 semaphore(%arg16 : memref<!tpu.dma_semaphore, #tpu.memory_space<semaphore_mem>>) src(%dma_wait3A_353 : memref<4096xi32, #tpu.memory_space<hbm>>) dst(%arg10 : memref<4096xi32, #tpu.memory_space<vmem>>)
      %dma_wait3A_354 = arith.constant 0 : i32
      %dma_wait3A_355 = tpu.memref_slice %arg3[%dma_wait3A_354] : memref<4194304xi32, #tpu.memory_space<hbm>> -> memref<4096xi32, #tpu.memory_space<hbm>>
      %dma_wait3A_356 = arith.constant 0 : i32
      %dma_wait3A_357 = tpu.memref_slice %arg3[%dma_wait3A_356] : memref<4194304xi32, #tpu.memory_space<hbm>> -> memref<4096xi32, #tpu.memory_space<hbm>>
      tpu.wait_dma2 semaphore(%arg16 : memref<!tpu.dma_semaphore, #tpu.memory_space<semaphore_mem>>) src(%dma_wait3A_357 : memref<4096xi32, #tpu.memory_space<hbm>>) dst(%arg11 : memref<4096xi32, #tpu.memory_space<vmem>>)
      %dma_wait3A_358 = arith.constant 0 : i32
      %dma_wait3A_359 = tpu.memref_slice %arg4[%dma_wait3A_358] : memref<4194304xf32, #tpu.memory_space<hbm>> -> memref<4096xf32, #tpu.memory_space<hbm>>
      %dma_wait3A_360 = arith.constant 0 : i32
      %dma_wait3A_361 = tpu.memref_slice %arg4[%dma_wait3A_360] : memref<4194304xf32, #tpu.memory_space<hbm>> -> memref<4096xf32, #tpu.memory_space<hbm>>
      tpu.wait_dma2 semaphore(%arg16 : memref<!tpu.dma_semaphore, #tpu.memory_space<semaphore_mem>>) src(%dma_wait3A_361 : memref<4096xf32, #tpu.memory_space<hbm>>) dst(%arg12 : memref<4096xf32, #tpu.memory_space<vmem>>)
      %parallel_loop3A_362 = arith.constant 0 : i32
      %parallel_loop3A_363 = arith.constant 256 : i32
      %parallel_loop3A_364 = arith.constant 1 : i32
      scf.for %parallel_loop3A_391 = %parallel_loop3A_362 to %parallel_loop3A_363 step %parallel_loop3A_364  : i32 {
        %parallel_loop3A_392 = arith.constant 16 : i32
        %parallel_loop3A_393 = arith.muli %parallel_loop3A_391, %parallel_loop3A_392 : i32
        %parallel_loop3A_394 = arith.index_cast %parallel_loop3A_393 : i32 to index
        %parallel_loop3A_395 = tpu.vector_load %arg10[%parallel_loop3A_394] {strides = array<i32>} : memref<4096xi32, #tpu.memory_space<vmem>>, vector<16xi32>,
        %parallel_loop3A_396 = arith.constant 1 : i32
        %parallel_loop3A_397 = vector.broadcast %parallel_loop3A_396 : i32 to vector<16xi32>
        %parallel_loop3A_398 = arith.shrui %parallel_loop3A_395, %parallel_loop3A_397 : vector<16xi32>
        %parallel_loop3A_399 = tpu.vector_load_idx %arg8[%parallel_loop3A_398] : memref<32768xi32, #tpu.memory_space<vmem>>[vector<16xi32>], vector<16xi32>,
        %parallel_loop3A_400 = arith.constant 1 : i32
        %parallel_loop3A_401 = vector.broadcast %parallel_loop3A_400 : i32 to vector<16xi32>
        %parallel_loop3A_402 = arith.andi %parallel_loop3A_395, %parallel_loop3A_401 : vector<16xi32>
        %parallel_loop3A_403 = arith.constant 0 : i32
        %parallel_loop3A_404 = vector.broadcast %parallel_loop3A_403 : i32 to vector<16xi32>
        %parallel_loop3A_405 = arith.cmpi ne, %parallel_loop3A_402, %parallel_loop3A_404 : vector<16xi32>
        %parallel_loop3A_406 = arith.constant -65536 : i32
        %parallel_loop3A_407 = vector.broadcast %parallel_loop3A_406 : i32 to vector<16xi32>
        %parallel_loop3A_408 = arith.andi %parallel_loop3A_399, %parallel_loop3A_407 : vector<16xi32>
        %parallel_loop3A_409 = arith.constant 16 : i32
        %parallel_loop3A_410 = vector.broadcast %parallel_loop3A_409 : i32 to vector<16xi32>
        %parallel_loop3A_411 = arith.shli %parallel_loop3A_399, %parallel_loop3A_410 : vector<16xi32>
        %parallel_loop3A_412 = arith.select %parallel_loop3A_405, %parallel_loop3A_408, %parallel_loop3A_411 : vector<16xi1>, vector<16xi32>
        %parallel_loop3A_413 = vector.bitcast %parallel_loop3A_412 : vector<16xi32> to vector<16xf32>
        %parallel_loop3A_414 = arith.index_cast %parallel_loop3A_393 : i32 to index
        %parallel_loop3A_415 = tpu.vector_load %arg11[%parallel_loop3A_414] {strides = array<i32>} : memref<4096xi32, #tpu.memory_space<vmem>>, vector<16xi32>,
        %parallel_loop3A_416 = arith.index_cast %parallel_loop3A_393 : i32 to index
        %parallel_loop3A_417 = tpu.vector_load %arg12[%parallel_loop3A_416] {strides = array<i32>} : memref<4096xf32, #tpu.memory_space<vmem>>, vector<16xf32>,
        %parallel_loop3A_418 = arith.mulf %parallel_loop3A_413, %parallel_loop3A_417 : vector<16xf32>
        tpu.vector_store_idx %arg9[%parallel_loop3A_415], %parallel_loop3A_418 {add = true} : memref<65536xf32, #tpu.memory_space<vmem>>[vector<16xi32>], vector<16xf32>,
      } {sc.loop_unroll_factor = 32 : i64, sc.parallel_access}
      %add3A_365 = arith.constant 2 : i32
      %add3A_366 = arith.addi %mul3A_349, %add3A_365 : i32
      %lt3A = arith.constant 32 : i32
      %lt3A_367 = arith.cmpi slt, %add3A_366, %lt3A : i32
      %convert_element_type3A = arith.extui %lt3A_367 : i1 to i32
      %cond3A = arith.constant 0 : i32
      %cond3A_368 = arith.cmpi ne, %convert_element_type3A, %cond3A : i32
      scf.if %cond3A_368 {
        %add3A_391 = arith.constant 2 : i32
        %add3A_392 = arith.addi %mul3A_349, %add3A_391 : i32
        %mul3A_393 = arith.constant 4096 : i32
        %mul3A_394 = arith.muli %add3A_392, %mul3A_393 : i32
        %add3A_395 = arith.addi %mul3A_2, %mul3A_394 : i32
        %dma_start3A_396 = tpu.memref_slice %arg2[%add3A_395] : memref<4194304xi32, #tpu.memory_space<hbm>> -> memref<4096xi32, #tpu.memory_space<hbm>>
        %dma_start3A_397 = tpu.memref_slice %arg2[%add3A_395] : memref<4194304xi32, #tpu.memory_space<hbm>> -> memref<4096xi32, #tpu.memory_space<hbm>>
        tpu.enqueue_dma source(%dma_start3A_397 : memref<4096xi32, #tpu.memory_space<hbm>>) target(%arg10 : memref<4096xi32, #tpu.memory_space<vmem>>) target_semaphore(%arg16 : memref<!tpu.dma_semaphore, #tpu.memory_space<semaphore_mem>>)
        %mul3A_398 = arith.constant 4096 : i32
        %mul3A_399 = arith.muli %add3A_392, %mul3A_398 : i32
        %add3A_400 = arith.addi %mul3A_2, %mul3A_399 : i32
        %dma_start3A_401 = tpu.memref_slice %arg3[%add3A_400] : memref<4194304xi32, #tpu.memory_space<hbm>> -> memref<4096xi32, #tpu.memory_space<hbm>>
        %dma_start3A_402 = tpu.memref_slice %arg3[%add3A_400] : memref<4194304xi32, #tpu.memory_space<hbm>> -> memref<4096xi32, #tpu.memory_space<hbm>>
        tpu.enqueue_dma source(%dma_start3A_402 : memref<4096xi32, #tpu.memory_space<hbm>>) target(%arg11 : memref<4096xi32, #tpu.memory_space<vmem>>) target_semaphore(%arg16 : memref<!tpu.dma_semaphore, #tpu.memory_space<semaphore_mem>>)
        %mul3A_403 = arith.constant 4096 : i32
        %mul3A_404 = arith.muli %add3A_392, %mul3A_403 : i32
        %add3A_405 = arith.addi %mul3A_2, %mul3A_404 : i32
        %dma_start3A_406 = tpu.memref_slice %arg4[%add3A_405] : memref<4194304xf32, #tpu.memory_space<hbm>> -> memref<4096xf32, #tpu.memory_space<hbm>>
        %dma_start3A_407 = tpu.memref_slice %arg4[%add3A_405] : memref<4194304xf32, #tpu.memory_space<hbm>> -> memref<4096xf32, #tpu.memory_space<hbm>>
        tpu.enqueue_dma source(%dma_start3A_407 : memref<4096xf32, #tpu.memory_space<hbm>>) target(%arg12 : memref<4096xf32, #tpu.memory_space<vmem>>) target_semaphore(%arg16 : memref<!tpu.dma_semaphore, #tpu.memory_space<semaphore_mem>>)
      } else {
      }
      %dma_wait3A_369 = arith.constant 0 : i32
      %dma_wait3A_370 = tpu.memref_slice %arg2[%dma_wait3A_369] : memref<4194304xi32, #tpu.memory_space<hbm>> -> memref<4096xi32, #tpu.memory_space<hbm>>
      %dma_wait3A_371 = arith.constant 0 : i32
      %dma_wait3A_372 = tpu.memref_slice %arg2[%dma_wait3A_371] : memref<4194304xi32, #tpu.memory_space<hbm>> -> memref<4096xi32, #tpu.memory_space<hbm>>
      tpu.wait_dma2 semaphore(%arg17 : memref<!tpu.dma_semaphore, #tpu.memory_space<semaphore_mem>>) src(%dma_wait3A_372 : memref<4096xi32, #tpu.memory_space<hbm>>) dst(%arg13 : memref<4096xi32, #tpu.memory_space<vmem>>)
      %dma_wait3A_373 = arith.constant 0 : i32
      %dma_wait3A_374 = tpu.memref_slice %arg3[%dma_wait3A_373] : memref<4194304xi32, #tpu.memory_space<hbm>> -> memref<4096xi32, #tpu.memory_space<hbm>>
      %dma_wait3A_375 = arith.constant 0 : i32
      %dma_wait3A_376 = tpu.memref_slice %arg3[%dma_wait3A_375] : memref<4194304xi32, #tpu.memory_space<hbm>> -> memref<4096xi32, #tpu.memory_space<hbm>>
      tpu.wait_dma2 semaphore(%arg17 : memref<!tpu.dma_semaphore, #tpu.memory_space<semaphore_mem>>) src(%dma_wait3A_376 : memref<4096xi32, #tpu.memory_space<hbm>>) dst(%arg14 : memref<4096xi32, #tpu.memory_space<vmem>>)
      %dma_wait3A_377 = arith.constant 0 : i32
      %dma_wait3A_378 = tpu.memref_slice %arg4[%dma_wait3A_377] : memref<4194304xf32, #tpu.memory_space<hbm>> -> memref<4096xf32, #tpu.memory_space<hbm>>
      %dma_wait3A_379 = arith.constant 0 : i32
      %dma_wait3A_380 = tpu.memref_slice %arg4[%dma_wait3A_379] : memref<4194304xf32, #tpu.memory_space<hbm>> -> memref<4096xf32, #tpu.memory_space<hbm>>
      tpu.wait_dma2 semaphore(%arg17 : memref<!tpu.dma_semaphore, #tpu.memory_space<semaphore_mem>>) src(%dma_wait3A_380 : memref<4096xf32, #tpu.memory_space<hbm>>) dst(%arg15 : memref<4096xf32, #tpu.memory_space<vmem>>)
      %parallel_loop3A_381 = arith.constant 0 : i32
      %parallel_loop3A_382 = arith.constant 256 : i32
      %parallel_loop3A_383 = arith.constant 1 : i32
      scf.for %parallel_loop3A_391 = %parallel_loop3A_381 to %parallel_loop3A_382 step %parallel_loop3A_383  : i32 {
        %parallel_loop3A_392 = arith.constant 16 : i32
        %parallel_loop3A_393 = arith.muli %parallel_loop3A_391, %parallel_loop3A_392 : i32
        %parallel_loop3A_394 = arith.index_cast %parallel_loop3A_393 : i32 to index
        %parallel_loop3A_395 = tpu.vector_load %arg13[%parallel_loop3A_394] {strides = array<i32>} : memref<4096xi32, #tpu.memory_space<vmem>>, vector<16xi32>,
        %parallel_loop3A_396 = arith.constant 1 : i32
        %parallel_loop3A_397 = vector.broadcast %parallel_loop3A_396 : i32 to vector<16xi32>
        %parallel_loop3A_398 = arith.shrui %parallel_loop3A_395, %parallel_loop3A_397 : vector<16xi32>
        %parallel_loop3A_399 = tpu.vector_load_idx %arg8[%parallel_loop3A_398] : memref<32768xi32, #tpu.memory_space<vmem>>[vector<16xi32>], vector<16xi32>,
        %parallel_loop3A_400 = arith.constant 1 : i32
        %parallel_loop3A_401 = vector.broadcast %parallel_loop3A_400 : i32 to vector<16xi32>
        %parallel_loop3A_402 = arith.andi %parallel_loop3A_395, %parallel_loop3A_401 : vector<16xi32>
        %parallel_loop3A_403 = arith.constant 0 : i32
        %parallel_loop3A_404 = vector.broadcast %parallel_loop3A_403 : i32 to vector<16xi32>
        %parallel_loop3A_405 = arith.cmpi ne, %parallel_loop3A_402, %parallel_loop3A_404 : vector<16xi32>
        %parallel_loop3A_406 = arith.constant -65536 : i32
        %parallel_loop3A_407 = vector.broadcast %parallel_loop3A_406 : i32 to vector<16xi32>
        %parallel_loop3A_408 = arith.andi %parallel_loop3A_399, %parallel_loop3A_407 : vector<16xi32>
        %parallel_loop3A_409 = arith.constant 16 : i32
        %parallel_loop3A_410 = vector.broadcast %parallel_loop3A_409 : i32 to vector<16xi32>
        %parallel_loop3A_411 = arith.shli %parallel_loop3A_399, %parallel_loop3A_410 : vector<16xi32>
        %parallel_loop3A_412 = arith.select %parallel_loop3A_405, %parallel_loop3A_408, %parallel_loop3A_411 : vector<16xi1>, vector<16xi32>
        %parallel_loop3A_413 = vector.bitcast %parallel_loop3A_412 : vector<16xi32> to vector<16xf32>
        %parallel_loop3A_414 = arith.index_cast %parallel_loop3A_393 : i32 to index
        %parallel_loop3A_415 = tpu.vector_load %arg14[%parallel_loop3A_414] {strides = array<i32>} : memref<4096xi32, #tpu.memory_space<vmem>>, vector<16xi32>,
        %parallel_loop3A_416 = arith.index_cast %parallel_loop3A_393 : i32 to index
        %parallel_loop3A_417 = tpu.vector_load %arg15[%parallel_loop3A_416] {strides = array<i32>} : memref<4096xf32, #tpu.memory_space<vmem>>, vector<16xf32>,
        %parallel_loop3A_418 = arith.mulf %parallel_loop3A_413, %parallel_loop3A_417 : vector<16xf32>
        tpu.vector_store_idx %arg9[%parallel_loop3A_415], %parallel_loop3A_418 {add = true} : memref<65536xf32, #tpu.memory_space<vmem>>[vector<16xi32>], vector<16xf32>,
      } {sc.loop_unroll_factor = 32 : i64, sc.parallel_access}
      %add3A_384 = arith.constant 3 : i32
      %add3A_385 = arith.addi %mul3A_349, %add3A_384 : i32
      %lt3A_386 = arith.constant 32 : i32
      %lt3A_387 = arith.cmpi slt, %add3A_385, %lt3A_386 : i32
      %convert_element_type3A_388 = arith.extui %lt3A_387 : i1 to i32
      %cond3A_389 = arith.constant 0 : i32
      %cond3A_390 = arith.cmpi ne, %convert_element_type3A_388, %cond3A_389 : i32
      scf.if %cond3A_390 {
        %add3A_391 = arith.constant 3 : i32
        %add3A_392 = arith.addi %mul3A_349, %add3A_391 : i32
        %mul3A_393 = arith.constant 4096 : i32
        %mul3A_394 = arith.muli %add3A_392, %mul3A_393 : i32
        %add3A_395 = arith.addi %mul3A_2, %mul3A_394 : i32
        %dma_start3A_396 = tpu.memref_slice %arg2[%add3A_395] : memref<4194304xi32, #tpu.memory_space<hbm>> -> memref<4096xi32, #tpu.memory_space<hbm>>
        %dma_start3A_397 = tpu.memref_slice %arg2[%add3A_395] : memref<4194304xi32, #tpu.memory_space<hbm>> -> memref<4096xi32, #tpu.memory_space<hbm>>
        tpu.enqueue_dma source(%dma_start3A_397 : memref<4096xi32, #tpu.memory_space<hbm>>) target(%arg13 : memref<4096xi32, #tpu.memory_space<vmem>>) target_semaphore(%arg17 : memref<!tpu.dma_semaphore, #tpu.memory_space<semaphore_mem>>)
        %mul3A_398 = arith.constant 4096 : i32
        %mul3A_399 = arith.muli %add3A_392, %mul3A_398 : i32
        %add3A_400 = arith.addi %mul3A_2, %mul3A_399 : i32
        %dma_start3A_401 = tpu.memref_slice %arg3[%add3A_400] : memref<4194304xi32, #tpu.memory_space<hbm>> -> memref<4096xi32, #tpu.memory_space<hbm>>
        %dma_start3A_402 = tpu.memref_slice %arg3[%add3A_400] : memref<4194304xi32, #tpu.memory_space<hbm>> -> memref<4096xi32, #tpu.memory_space<hbm>>
        tpu.enqueue_dma source(%dma_start3A_402 : memref<4096xi32, #tpu.memory_space<hbm>>) target(%arg14 : memref<4096xi32, #tpu.memory_space<vmem>>) target_semaphore(%arg17 : memref<!tpu.dma_semaphore, #tpu.memory_space<semaphore_mem>>)
        %mul3A_403 = arith.constant 4096 : i32
        %mul3A_404 = arith.muli %add3A_392, %mul3A_403 : i32
        %add3A_405 = arith.addi %mul3A_2, %mul3A_404 : i32
        %dma_start3A_406 = tpu.memref_slice %arg4[%add3A_405] : memref<4194304xf32, #tpu.memory_space<hbm>> -> memref<4096xf32, #tpu.memory_space<hbm>>
        %dma_start3A_407 = tpu.memref_slice %arg4[%add3A_405] : memref<4194304xf32, #tpu.memory_space<hbm>> -> memref<4096xf32, #tpu.memory_space<hbm>>
        tpu.enqueue_dma source(%dma_start3A_407 : memref<4096xf32, #tpu.memory_space<hbm>>) target(%arg15 : memref<4096xf32, #tpu.memory_space<vmem>>) target_semaphore(%arg17 : memref<!tpu.dma_semaphore, #tpu.memory_space<semaphore_mem>>)
      } else {
      }
    }
    %scan3A_31 = arith.constant 16 : i32
    "tpu.region"() ({
      %run_scoped3A = tpu.sem_alloc : memref<!tpu.dma_semaphore, #tpu.memory_space<semaphore_mem>>
      %dma_start3A_347 = arith.constant 0 : i32
      %dma_start3A_348 = tpu.memref_slice %arg6[%add3A, %dma_start3A_347] : memref<32x65536xf32, #tpu.memory_space<hbm>> -> memref<1x65536xf32, #tpu.memory_space<hbm>>
      %dma_start3A_349 = tpu.memref_squeeze %dma_start3A_348 : memref<1x65536xf32, #tpu.memory_space<hbm>> -> memref<65536xf32, #tpu.memory_space<hbm>>
      %dma_start3A_350 = arith.constant 0 : i32
      %dma_start3A_351 = tpu.memref_slice %arg6[%add3A, %dma_start3A_350] : memref<32x65536xf32, #tpu.memory_space<hbm>> -> memref<1x65536xf32, #tpu.memory_space<hbm>>
      %dma_start3A_352 = tpu.memref_squeeze %dma_start3A_351 : memref<1x65536xf32, #tpu.memory_space<hbm>> -> memref<65536xf32, #tpu.memory_space<hbm>>
      tpu.enqueue_dma source(%arg9 : memref<65536xf32, #tpu.memory_space<vmem>>) target(%dma_start3A_352 : memref<65536xf32, #tpu.memory_space<hbm>>) target_semaphore(%run_scoped3A : memref<!tpu.dma_semaphore, #tpu.memory_space<semaphore_mem>>)
      %dma_wait3A_353 = arith.constant 0 : i32
      %dma_wait3A_354 = tpu.memref_slice %arg6[%add3A, %dma_wait3A_353] : memref<32x65536xf32, #tpu.memory_space<hbm>> -> memref<1x65536xf32, #tpu.memory_space<hbm>>
      %dma_wait3A_355 = tpu.memref_squeeze %dma_wait3A_354 : memref<1x65536xf32, #tpu.memory_space<hbm>> -> memref<65536xf32, #tpu.memory_space<hbm>>
      %dma_wait3A_356 = arith.constant 0 : i32
      %dma_wait3A_357 = tpu.memref_slice %arg6[%add3A, %dma_wait3A_356] : memref<32x65536xf32, #tpu.memory_space<hbm>> -> memref<1x65536xf32, #tpu.memory_space<hbm>>
      %dma_wait3A_358 = tpu.memref_squeeze %dma_wait3A_357 : memref<1x65536xf32, #tpu.memory_space<hbm>> -> memref<65536xf32, #tpu.memory_space<hbm>>
      tpu.wait_dma2 semaphore(%run_scoped3A : memref<!tpu.dma_semaphore, #tpu.memory_space<semaphore_mem>>) src(%arg9 : memref<65536xf32, #tpu.memory_space<vmem>>) dst(%dma_wait3A_358 : memref<65536xf32, #tpu.memory_space<hbm>>)
      tpu.yield
    }) : () -> ()
    %barrier3A = arith.constant 0 : index
    tpu.barrier barrier_id(%barrier3A)
    %mul3A_32 = arith.constant 4096 : i32
    %mul3A_33 = arith.muli %arg1, %mul3A_32 : i32
    %add3A_34 = arith.constant 1 : i32
    %add3A_35 = arith.addi %arg1, %add3A_34 : i32
    %rem3A = arith.constant 16 : i32
    %rem3A_36 = arith.remsi %add3A_35, %rem3A : i32
    %mul3A_37 = arith.constant 2 : i32
    %mul3A_38 = arith.muli %rem3A_36, %mul3A_37 : i32
    %add3A_39 = arith.addi %mul3A_38, %arg0 : i32
    %dma_start3A_40 = tpu.memref_slice %arg6[%add3A_39, %mul3A_33] : memref<32x65536xf32, #tpu.memory_space<hbm>> -> memref<1x4096xf32, #tpu.memory_space<hbm>>
    %dma_start3A_41 = tpu.memref_squeeze %dma_start3A_40 : memref<1x4096xf32, #tpu.memory_space<hbm>> -> memref<4096xf32, #tpu.memory_space<hbm>>
    %dma_start3A_42 = tpu.memref_slice %arg6[%add3A_39, %mul3A_33] : memref<32x65536xf32, #tpu.memory_space<hbm>> -> memref<1x4096xf32, #tpu.memory_space<hbm>>
    %dma_start3A_43 = tpu.memref_squeeze %dma_start3A_42 : memref<1x4096xf32, #tpu.memory_space<hbm>> -> memref<4096xf32, #tpu.memory_space<hbm>>
    tpu.enqueue_dma source(%dma_start3A_43 : memref<4096xf32, #tpu.memory_space<hbm>>) target(%arg12 : memref<4096xf32, #tpu.memory_space<vmem>>) target_semaphore(%arg16 : memref<!tpu.dma_semaphore, #tpu.memory_space<semaphore_mem>>)
    %add3A_44 = arith.constant 2 : i32
    %add3A_45 = arith.addi %arg1, %add3A_44 : i32
    %rem3A_46 = arith.constant 16 : i32
    %rem3A_47 = arith.remsi %add3A_45, %rem3A_46 : i32
    %mul3A_48 = arith.constant 2 : i32
    %mul3A_49 = arith.muli %rem3A_47, %mul3A_48 : i32
    %add3A_50 = arith.addi %mul3A_49, %arg0 : i32
    %dma_start3A_51 = tpu.memref_slice %arg6[%add3A_50, %mul3A_33] : memref<32x65536xf32, #tpu.memory_space<hbm>> -> memref<1x4096xf32, #tpu.memory_space<hbm>>
    %dma_start3A_52 = tpu.memref_squeeze %dma_start3A_51 : memref<1x4096xf32, #tpu.memory_space<hbm>> -> memref<4096xf32, #tpu.memory_space<hbm>>
    %dma_start3A_53 = tpu.memref_slice %arg6[%add3A_50, %mul3A_33] : memref<32x65536xf32, #tpu.memory_space<hbm>> -> memref<1x4096xf32, #tpu.memory_space<hbm>>
    %dma_start3A_54 = tpu.memref_squeeze %dma_start3A_53 : memref<1x4096xf32, #tpu.memory_space<hbm>> -> memref<4096xf32, #tpu.memory_space<hbm>>
    tpu.enqueue_dma source(%dma_start3A_54 : memref<4096xf32, #tpu.memory_space<hbm>>) target(%arg15 : memref<4096xf32, #tpu.memory_space<vmem>>) target_semaphore(%arg17 : memref<!tpu.dma_semaphore, #tpu.memory_space<semaphore_mem>>)
    %dma_wait3A = arith.constant 0 : i32
    %dma_wait3A_55 = arith.constant 0 : i32
    %dma_wait3A_56 = tpu.memref_slice %arg6[%dma_wait3A, %dma_wait3A_55] : memref<32x65536xf32, #tpu.memory_space<hbm>> -> memref<1x4096xf32, #tpu.memory_space<hbm>>
    %dma_wait3A_57 = tpu.memref_squeeze %dma_wait3A_56 : memref<1x4096xf32, #tpu.memory_space<hbm>> -> memref<4096xf32, #tpu.memory_space<hbm>>
    %dma_wait3A_58 = arith.constant 0 : i32
    %dma_wait3A_59 = tpu.memref_slice %arg6[%dma_wait3A, %dma_wait3A_58] : memref<32x65536xf32, #tpu.memory_space<hbm>> -> memref<1x4096xf32, #tpu.memory_space<hbm>>
    %dma_wait3A_60 = tpu.memref_squeeze %dma_wait3A_59 : memref<1x4096xf32, #tpu.memory_space<hbm>> -> memref<4096xf32, #tpu.memory_space<hbm>>
    tpu.wait_dma2 semaphore(%arg16 : memref<!tpu.dma_semaphore, #tpu.memory_space<semaphore_mem>>) src(%dma_wait3A_60 : memref<4096xf32, #tpu.memory_space<hbm>>) dst(%arg12 : memref<4096xf32, #tpu.memory_space<vmem>>)
    %parallel_loop3A_61 = arith.constant 0 : i32
    %parallel_loop3A_62 = arith.constant 256 : i32
    %parallel_loop3A_63 = arith.constant 1 : i32
    scf.for %parallel_loop3A_347 = %parallel_loop3A_61 to %parallel_loop3A_62 step %parallel_loop3A_63  : i32 {
      %parallel_loop3A_348 = arith.constant 16 : i32
      %parallel_loop3A_349 = arith.muli %parallel_loop3A_347, %parallel_loop3A_348 : i32
      %parallel_loop3A_350 = arith.addi %mul3A_33, %parallel_loop3A_349 : i32
      %parallel_loop3A_351 = arith.index_cast %parallel_loop3A_350 : i32 to index
      %parallel_loop3A_352 = tpu.vector_load %arg9[%parallel_loop3A_351] {strides = array<i32>} : memref<65536xf32, #tpu.memory_space<vmem>>, vector<16xf32>,
      %parallel_loop3A_353 = arith.constant 16 : i32
      %parallel_loop3A_354 = arith.muli %parallel_loop3A_347, %parallel_loop3A_353 : i32
      %parallel_loop3A_355 = arith.index_cast %parallel_loop3A_354 : i32 to index
      %parallel_loop3A_356 = tpu.vector_load %arg12[%parallel_loop3A_355] {strides = array<i32>} : memref<4096xf32, #tpu.memory_space<vmem>>, vector<16xf32>,
      %parallel_loop3A_357 = arith.addf %parallel_loop3A_352, %parallel_loop3A_356 : vector<16xf32>
      %parallel_loop3A_358 = arith.index_cast %parallel_loop3A_350 : i32 to index
      %parallel_loop3A_359 = tpu.vector_load %arg9[%parallel_loop3A_358] {strides = array<i32>} : memref<65536xf32, #tpu.memory_space<vmem>>, vector<16xf32>,
      tpu.vector_store %arg9[%parallel_loop3A_358], %parallel_loop3A_357 {strides = array<i32>} : memref<65536xf32, #tpu.memory_space<vmem>>, vector<16xf32>,
    } {sc.loop_unroll_factor = 8 : i64, sc.parallel_access}
    %add3A_64 = arith.constant 3 : i32
    %add3A_65 = arith.addi %arg1, %add3A_64 : i32
    %rem3A_66 = arith.constant 16 : i32
    %rem3A_67 = arith.remsi %add3A_65, %rem3A_66 : i32
    %mul3A_68 = arith.constant 2 : i32
    %mul3A_69 = arith.muli %rem3A_67, %mul3A_68 : i32
    %add3A_70 = arith.addi %mul3A_69, %arg0 : i32
    %dma_start3A_71 = tpu.memref_slice %arg6[%add3A_70, %mul3A_33] : memref<32x65536xf32, #tpu.memory_space<hbm>> -> memref<1x4096xf32, #tpu.memory_space<hbm>>
    %dma_start3A_72 = tpu.memref_squeeze %dma_start3A_71 : memref<1x4096xf32, #tpu.memory_space<hbm>> -> memref<4096xf32, #tpu.memory_space<hbm>>
    %dma_start3A_73 = tpu.memref_slice %arg6[%add3A_70, %mul3A_33] : memref<32x65536xf32, #tpu.memory_space<hbm>> -> memref<1x4096xf32, #tpu.memory_space<hbm>>
    %dma_start3A_74 = tpu.memref_squeeze %dma_start3A_73 : memref<1x4096xf32, #tpu.memory_space<hbm>> -> memref<4096xf32, #tpu.memory_space<hbm>>
    tpu.enqueue_dma source(%dma_start3A_74 : memref<4096xf32, #tpu.memory_space<hbm>>) target(%arg12 : memref<4096xf32, #tpu.memory_space<vmem>>) target_semaphore(%arg16 : memref<!tpu.dma_semaphore, #tpu.memory_space<semaphore_mem>>)
    %dma_wait3A_75 = arith.constant 0 : i32
    %dma_wait3A_76 = arith.constant 0 : i32
    %dma_wait3A_77 = tpu.memref_slice %arg6[%dma_wait3A_75, %dma_wait3A_76] : memref<32x65536xf32, #tpu.memory_space<hbm>> -> memref<1x4096xf32, #tpu.memory_space<hbm>>
    %dma_wait3A_78 = tpu.memref_squeeze %dma_wait3A_77 : memref<1x4096xf32, #tpu.memory_space<hbm>> -> memref<4096xf32, #tpu.memory_space<hbm>>
    %dma_wait3A_79 = arith.constant 0 : i32
    %dma_wait3A_80 = tpu.memref_slice %arg6[%dma_wait3A_75, %dma_wait3A_79] : memref<32x65536xf32, #tpu.memory_space<hbm>> -> memref<1x4096xf32, #tpu.memory_space<hbm>>
    %dma_wait3A_81 = tpu.memref_squeeze %dma_wait3A_80 : memref<1x4096xf32, #tpu.memory_space<hbm>> -> memref<4096xf32, #tpu.memory_space<hbm>>
    tpu.wait_dma2 semaphore(%arg17 : memref<!tpu.dma_semaphore, #tpu.memory_space<semaphore_mem>>) src(%dma_wait3A_81 : memref<4096xf32, #tpu.memory_space<hbm>>) dst(%arg15 : memref<4096xf32, #tpu.memory_space<vmem>>)
    %parallel_loop3A_82 = arith.constant 0 : i32
    %parallel_loop3A_83 = arith.constant 256 : i32
    %parallel_loop3A_84 = arith.constant 1 : i32
    scf.for %parallel_loop3A_347 = %parallel_loop3A_82 to %parallel_loop3A_83 step %parallel_loop3A_84  : i32 {
      %parallel_loop3A_348 = arith.constant 16 : i32
      %parallel_loop3A_349 = arith.muli %parallel_loop3A_347, %parallel_loop3A_348 : i32
      %parallel_loop3A_350 = arith.addi %mul3A_33, %parallel_loop3A_349 : i32
      %parallel_loop3A_351 = arith.index_cast %parallel_loop3A_350 : i32 to index
      %parallel_loop3A_352 = tpu.vector_load %arg9[%parallel_loop3A_351] {strides = array<i32>} : memref<65536xf32, #tpu.memory_space<vmem>>, vector<16xf32>,
      %parallel_loop3A_353 = arith.constant 16 : i32
      %parallel_loop3A_354 = arith.muli %parallel_loop3A_347, %parallel_loop3A_353 : i32
      %parallel_loop3A_355 = arith.index_cast %parallel_loop3A_354 : i32 to index
      %parallel_loop3A_356 = tpu.vector_load %arg15[%parallel_loop3A_355] {strides = array<i32>} : memref<4096xf32, #tpu.memory_space<vmem>>, vector<16xf32>,
      %parallel_loop3A_357 = arith.addf %parallel_loop3A_352, %parallel_loop3A_356 : vector<16xf32>
      %parallel_loop3A_358 = arith.index_cast %parallel_loop3A_350 : i32 to index
      %parallel_loop3A_359 = tpu.vector_load %arg9[%parallel_loop3A_358] {strides = array<i32>} : memref<65536xf32, #tpu.memory_space<vmem>>, vector<16xf32>,
      tpu.vector_store %arg9[%parallel_loop3A_358], %parallel_loop3A_357 {strides = array<i32>} : memref<65536xf32, #tpu.memory_space<vmem>>, vector<16xf32>,
    } {sc.loop_unroll_factor = 8 : i64, sc.parallel_access}
    %add3A_85 = arith.constant 4 : i32
    %add3A_86 = arith.addi %arg1, %add3A_85 : i32
    %rem3A_87 = arith.constant 16 : i32
    %rem3A_88 = arith.remsi %add3A_86, %rem3A_87 : i32
    %mul3A_89 = arith.constant 2 : i32
    %mul3A_90 = arith.muli %rem3A_88, %mul3A_89 : i32
    %add3A_91 = arith.addi %mul3A_90, %arg0 : i32
    %dma_start3A_92 = tpu.memref_slice %arg6[%add3A_91, %mul3A_33] : memref<32x65536xf32, #tpu.memory_space<hbm>> -> memref<1x4096xf32, #tpu.memory_space<hbm>>
    %dma_start3A_93 = tpu.memref_squeeze %dma_start3A_92 : memref<1x4096xf32, #tpu.memory_space<hbm>> -> memref<4096xf32, #tpu.memory_space<hbm>>
    %dma_start3A_94 = tpu.memref_slice %arg6[%add3A_91, %mul3A_33] : memref<32x65536xf32, #tpu.memory_space<hbm>> -> memref<1x4096xf32, #tpu.memory_space<hbm>>
    %dma_start3A_95 = tpu.memref_squeeze %dma_start3A_94 : memref<1x4096xf32, #tpu.memory_space<hbm>> -> memref<4096xf32, #tpu.memory_space<hbm>>
    tpu.enqueue_dma source(%dma_start3A_95 : memref<4096xf32, #tpu.memory_space<hbm>>) target(%arg15 : memref<4096xf32, #tpu.memory_space<vmem>>) target_semaphore(%arg17 : memref<!tpu.dma_semaphore, #tpu.memory_space<semaphore_mem>>)
    %dma_wait3A_96 = arith.constant 0 : i32
    %dma_wait3A_97 = arith.constant 0 : i32
    %dma_wait3A_98 = tpu.memref_slice %arg6[%dma_wait3A_96, %dma_wait3A_97] : memref<32x65536xf32, #tpu.memory_space<hbm>> -> memref<1x4096xf32, #tpu.memory_space<hbm>>
    %dma_wait3A_99 = tpu.memref_squeeze %dma_wait3A_98 : memref<1x4096xf32, #tpu.memory_space<hbm>> -> memref<4096xf32, #tpu.memory_space<hbm>>
    %dma_wait3A_100 = arith.constant 0 : i32
    %dma_wait3A_101 = tpu.memref_slice %arg6[%dma_wait3A_96, %dma_wait3A_100] : memref<32x65536xf32, #tpu.memory_space<hbm>> -> memref<1x4096xf32, #tpu.memory_space<hbm>>
    %dma_wait3A_102 = tpu.memref_squeeze %dma_wait3A_101 : memref<1x4096xf32, #tpu.memory_space<hbm>> -> memref<4096xf32, #tpu.memory_space<hbm>>
    tpu.wait_dma2 semaphore(%arg16 : memref<!tpu.dma_semaphore, #tpu.memory_space<semaphore_mem>>) src(%dma_wait3A_102 : memref<4096xf32, #tpu.memory_space<hbm>>) dst(%arg12 : memref<4096xf32, #tpu.memory_space<vmem>>)
    %parallel_loop3A_103 = arith.constant 0 : i32
    %parallel_loop3A_104 = arith.constant 256 : i32
    %parallel_loop3A_105 = arith.constant 1 : i32
    scf.for %parallel_loop3A_347 = %parallel_loop3A_103 to %parallel_loop3A_104 step %parallel_loop3A_105  : i32 {
      %parallel_loop3A_348 = arith.constant 16 : i32
      %parallel_loop3A_349 = arith.muli %parallel_loop3A_347, %parallel_loop3A_348 : i32
      %parallel_loop3A_350 = arith.addi %mul3A_33, %parallel_loop3A_349 : i32
      %parallel_loop3A_351 = arith.index_cast %parallel_loop3A_350 : i32 to index
      %parallel_loop3A_352 = tpu.vector_load %arg9[%parallel_loop3A_351] {strides = array<i32>} : memref<65536xf32, #tpu.memory_space<vmem>>, vector<16xf32>,
      %parallel_loop3A_353 = arith.constant 16 : i32
      %parallel_loop3A_354 = arith.muli %parallel_loop3A_347, %parallel_loop3A_353 : i32
      %parallel_loop3A_355 = arith.index_cast %parallel_loop3A_354 : i32 to index
      %parallel_loop3A_356 = tpu.vector_load %arg12[%parallel_loop3A_355] {strides = array<i32>} : memref<4096xf32, #tpu.memory_space<vmem>>, vector<16xf32>,
      %parallel_loop3A_357 = arith.addf %parallel_loop3A_352, %parallel_loop3A_356 : vector<16xf32>
      %parallel_loop3A_358 = arith.index_cast %parallel_loop3A_350 : i32 to index
      %parallel_loop3A_359 = tpu.vector_load %arg9[%parallel_loop3A_358] {strides = array<i32>} : memref<65536xf32, #tpu.memory_space<vmem>>, vector<16xf32>,
      tpu.vector_store %arg9[%parallel_loop3A_358], %parallel_loop3A_357 {strides = array<i32>} : memref<65536xf32, #tpu.memory_space<vmem>>, vector<16xf32>,
    } {sc.loop_unroll_factor = 8 : i64, sc.parallel_access}
    %add3A_106 = arith.constant 5 : i32
    %add3A_107 = arith.addi %arg1, %add3A_106 : i32
    %rem3A_108 = arith.constant 16 : i32
    %rem3A_109 = arith.remsi %add3A_107, %rem3A_108 : i32
    %mul3A_110 = arith.constant 2 : i32
    %mul3A_111 = arith.muli %rem3A_109, %mul3A_110 : i32
    %add3A_112 = arith.addi %mul3A_111, %arg0 : i32
    %dma_start3A_113 = tpu.memref_slice %arg6[%add3A_112, %mul3A_33] : memref<32x65536xf32, #tpu.memory_space<hbm>> -> memref<1x4096xf32, #tpu.memory_space<hbm>>
    %dma_start3A_114 = tpu.memref_squeeze %dma_start3A_113 : memref<1x4096xf32, #tpu.memory_space<hbm>> -> memref<4096xf32, #tpu.memory_space<hbm>>
    %dma_start3A_115 = tpu.memref_slice %arg6[%add3A_112, %mul3A_33] : memref<32x65536xf32, #tpu.memory_space<hbm>> -> memref<1x4096xf32, #tpu.memory_space<hbm>>
    %dma_start3A_116 = tpu.memref_squeeze %dma_start3A_115 : memref<1x4096xf32, #tpu.memory_space<hbm>> -> memref<4096xf32, #tpu.memory_space<hbm>>
    tpu.enqueue_dma source(%dma_start3A_116 : memref<4096xf32, #tpu.memory_space<hbm>>) target(%arg12 : memref<4096xf32, #tpu.memory_space<vmem>>) target_semaphore(%arg16 : memref<!tpu.dma_semaphore, #tpu.memory_space<semaphore_mem>>)
    %dma_wait3A_117 = arith.constant 0 : i32
    %dma_wait3A_118 = arith.constant 0 : i32
    %dma_wait3A_119 = tpu.memref_slice %arg6[%dma_wait3A_117, %dma_wait3A_118] : memref<32x65536xf32, #tpu.memory_space<hbm>> -> memref<1x4096xf32, #tpu.memory_space<hbm>>
    %dma_wait3A_120 = tpu.memref_squeeze %dma_wait3A_119 : memref<1x4096xf32, #tpu.memory_space<hbm>> -> memref<4096xf32, #tpu.memory_space<hbm>>
    %dma_wait3A_121 = arith.constant 0 : i32
    %dma_wait3A_122 = tpu.memref_slice %arg6[%dma_wait3A_117, %dma_wait3A_121] : memref<32x65536xf32, #tpu.memory_space<hbm>> -> memref<1x4096xf32, #tpu.memory_space<hbm>>
    %dma_wait3A_123 = tpu.memref_squeeze %dma_wait3A_122 : memref<1x4096xf32, #tpu.memory_space<hbm>> -> memref<4096xf32, #tpu.memory_space<hbm>>
    tpu.wait_dma2 semaphore(%arg17 : memref<!tpu.dma_semaphore, #tpu.memory_space<semaphore_mem>>) src(%dma_wait3A_123 : memref<4096xf32, #tpu.memory_space<hbm>>) dst(%arg15 : memref<4096xf32, #tpu.memory_space<vmem>>)
    %parallel_loop3A_124 = arith.constant 0 : i32
    %parallel_loop3A_125 = arith.constant 256 : i32
    %parallel_loop3A_126 = arith.constant 1 : i32
    scf.for %parallel_loop3A_347 = %parallel_loop3A_124 to %parallel_loop3A_125 step %parallel_loop3A_126  : i32 {
      %parallel_loop3A_348 = arith.constant 16 : i32
      %parallel_loop3A_349 = arith.muli %parallel_loop3A_347, %parallel_loop3A_348 : i32
      %parallel_loop3A_350 = arith.addi %mul3A_33, %parallel_loop3A_349 : i32
      %parallel_loop3A_351 = arith.index_cast %parallel_loop3A_350 : i32 to index
      %parallel_loop3A_352 = tpu.vector_load %arg9[%parallel_loop3A_351] {strides = array<i32>} : memref<65536xf32, #tpu.memory_space<vmem>>, vector<16xf32>,
      %parallel_loop3A_353 = arith.constant 16 : i32
      %parallel_loop3A_354 = arith.muli %parallel_loop3A_347, %parallel_loop3A_353 : i32
      %parallel_loop3A_355 = arith.index_cast %parallel_loop3A_354 : i32 to index
      %parallel_loop3A_356 = tpu.vector_load %arg15[%parallel_loop3A_355] {strides = array<i32>} : memref<4096xf32, #tpu.memory_space<vmem>>, vector<16xf32>,
      %parallel_loop3A_357 = arith.addf %parallel_loop3A_352, %parallel_loop3A_356 : vector<16xf32>
      %parallel_loop3A_358 = arith.index_cast %parallel_loop3A_350 : i32 to index
      %parallel_loop3A_359 = tpu.vector_load %arg9[%parallel_loop3A_358] {strides = array<i32>} : memref<65536xf32, #tpu.memory_space<vmem>>, vector<16xf32>,
      tpu.vector_store %arg9[%parallel_loop3A_358], %parallel_loop3A_357 {strides = array<i32>} : memref<65536xf32, #tpu.memory_space<vmem>>, vector<16xf32>,
    } {sc.loop_unroll_factor = 8 : i64, sc.parallel_access}
    %add3A_127 = arith.constant 6 : i32
    %add3A_128 = arith.addi %arg1, %add3A_127 : i32
    %rem3A_129 = arith.constant 16 : i32
    %rem3A_130 = arith.remsi %add3A_128, %rem3A_129 : i32
    %mul3A_131 = arith.constant 2 : i32
    %mul3A_132 = arith.muli %rem3A_130, %mul3A_131 : i32
    %add3A_133 = arith.addi %mul3A_132, %arg0 : i32
    %dma_start3A_134 = tpu.memref_slice %arg6[%add3A_133, %mul3A_33] : memref<32x65536xf32, #tpu.memory_space<hbm>> -> memref<1x4096xf32, #tpu.memory_space<hbm>>
    %dma_start3A_135 = tpu.memref_squeeze %dma_start3A_134 : memref<1x4096xf32, #tpu.memory_space<hbm>> -> memref<4096xf32, #tpu.memory_space<hbm>>
    %dma_start3A_136 = tpu.memref_slice %arg6[%add3A_133, %mul3A_33] : memref<32x65536xf32, #tpu.memory_space<hbm>> -> memref<1x4096xf32, #tpu.memory_space<hbm>>
    %dma_start3A_137 = tpu.memref_squeeze %dma_start3A_136 : memref<1x4096xf32, #tpu.memory_space<hbm>> -> memref<4096xf32, #tpu.memory_space<hbm>>
    tpu.enqueue_dma source(%dma_start3A_137 : memref<4096xf32, #tpu.memory_space<hbm>>) target(%arg15 : memref<4096xf32, #tpu.memory_space<vmem>>) target_semaphore(%arg17 : memref<!tpu.dma_semaphore, #tpu.memory_space<semaphore_mem>>)
    %dma_wait3A_138 = arith.constant 0 : i32
    %dma_wait3A_139 = arith.constant 0 : i32
    %dma_wait3A_140 = tpu.memref_slice %arg6[%dma_wait3A_138, %dma_wait3A_139] : memref<32x65536xf32, #tpu.memory_space<hbm>> -> memref<1x4096xf32, #tpu.memory_space<hbm>>
    %dma_wait3A_141 = tpu.memref_squeeze %dma_wait3A_140 : memref<1x4096xf32, #tpu.memory_space<hbm>> -> memref<4096xf32, #tpu.memory_space<hbm>>
    %dma_wait3A_142 = arith.constant 0 : i32
    %dma_wait3A_143 = tpu.memref_slice %arg6[%dma_wait3A_138, %dma_wait3A_142] : memref<32x65536xf32, #tpu.memory_space<hbm>> -> memref<1x4096xf32, #tpu.memory_space<hbm>>
    %dma_wait3A_144 = tpu.memref_squeeze %dma_wait3A_143 : memref<1x4096xf32, #tpu.memory_space<hbm>> -> memref<4096xf32, #tpu.memory_space<hbm>>
    tpu.wait_dma2 semaphore(%arg16 : memref<!tpu.dma_semaphore, #tpu.memory_space<semaphore_mem>>) src(%dma_wait3A_144 : memref<4096xf32, #tpu.memory_space<hbm>>) dst(%arg12 : memref<4096xf32, #tpu.memory_space<vmem>>)
    %parallel_loop3A_145 = arith.constant 0 : i32
    %parallel_loop3A_146 = arith.constant 256 : i32
    %parallel_loop3A_147 = arith.constant 1 : i32
    scf.for %parallel_loop3A_347 = %parallel_loop3A_145 to %parallel_loop3A_146 step %parallel_loop3A_147  : i32 {
      %parallel_loop3A_348 = arith.constant 16 : i32
      %parallel_loop3A_349 = arith.muli %parallel_loop3A_347, %parallel_loop3A_348 : i32
      %parallel_loop3A_350 = arith.addi %mul3A_33, %parallel_loop3A_349 : i32
      %parallel_loop3A_351 = arith.index_cast %parallel_loop3A_350 : i32 to index
      %parallel_loop3A_352 = tpu.vector_load %arg9[%parallel_loop3A_351] {strides = array<i32>} : memref<65536xf32, #tpu.memory_space<vmem>>, vector<16xf32>,
      %parallel_loop3A_353 = arith.constant 16 : i32
      %parallel_loop3A_354 = arith.muli %parallel_loop3A_347, %parallel_loop3A_353 : i32
      %parallel_loop3A_355 = arith.index_cast %parallel_loop3A_354 : i32 to index
      %parallel_loop3A_356 = tpu.vector_load %arg12[%parallel_loop3A_355] {strides = array<i32>} : memref<4096xf32, #tpu.memory_space<vmem>>, vector<16xf32>,
      %parallel_loop3A_357 = arith.addf %parallel_loop3A_352, %parallel_loop3A_356 : vector<16xf32>
      %parallel_loop3A_358 = arith.index_cast %parallel_loop3A_350 : i32 to index
      %parallel_loop3A_359 = tpu.vector_load %arg9[%parallel_loop3A_358] {strides = array<i32>} : memref<65536xf32, #tpu.memory_space<vmem>>, vector<16xf32>,
      tpu.vector_store %arg9[%parallel_loop3A_358], %parallel_loop3A_357 {strides = array<i32>} : memref<65536xf32, #tpu.memory_space<vmem>>, vector<16xf32>,
    } {sc.loop_unroll_factor = 8 : i64, sc.parallel_access}
    %add3A_148 = arith.constant 7 : i32
    %add3A_149 = arith.addi %arg1, %add3A_148 : i32
    %rem3A_150 = arith.constant 16 : i32
    %rem3A_151 = arith.remsi %add3A_149, %rem3A_150 : i32
    %mul3A_152 = arith.constant 2 : i32
    %mul3A_153 = arith.muli %rem3A_151, %mul3A_152 : i32
    %add3A_154 = arith.addi %mul3A_153, %arg0 : i32
    %dma_start3A_155 = tpu.memref_slice %arg6[%add3A_154, %mul3A_33] : memref<32x65536xf32, #tpu.memory_space<hbm>> -> memref<1x4096xf32, #tpu.memory_space<hbm>>
    %dma_start3A_156 = tpu.memref_squeeze %dma_start3A_155 : memref<1x4096xf32, #tpu.memory_space<hbm>> -> memref<4096xf32, #tpu.memory_space<hbm>>
    %dma_start3A_157 = tpu.memref_slice %arg6[%add3A_154, %mul3A_33] : memref<32x65536xf32, #tpu.memory_space<hbm>> -> memref<1x4096xf32, #tpu.memory_space<hbm>>
    %dma_start3A_158 = tpu.memref_squeeze %dma_start3A_157 : memref<1x4096xf32, #tpu.memory_space<hbm>> -> memref<4096xf32, #tpu.memory_space<hbm>>
    tpu.enqueue_dma source(%dma_start3A_158 : memref<4096xf32, #tpu.memory_space<hbm>>) target(%arg12 : memref<4096xf32, #tpu.memory_space<vmem>>) target_semaphore(%arg16 : memref<!tpu.dma_semaphore, #tpu.memory_space<semaphore_mem>>)
    %dma_wait3A_159 = arith.constant 0 : i32
    %dma_wait3A_160 = arith.constant 0 : i32
    %dma_wait3A_161 = tpu.memref_slice %arg6[%dma_wait3A_159, %dma_wait3A_160] : memref<32x65536xf32, #tpu.memory_space<hbm>> -> memref<1x4096xf32, #tpu.memory_space<hbm>>
    %dma_wait3A_162 = tpu.memref_squeeze %dma_wait3A_161 : memref<1x4096xf32, #tpu.memory_space<hbm>> -> memref<4096xf32, #tpu.memory_space<hbm>>
    %dma_wait3A_163 = arith.constant 0 : i32
    %dma_wait3A_164 = tpu.memref_slice %arg6[%dma_wait3A_159, %dma_wait3A_163] : memref<32x65536xf32, #tpu.memory_space<hbm>> -> memref<1x4096xf32, #tpu.memory_space<hbm>>
    %dma_wait3A_165 = tpu.memref_squeeze %dma_wait3A_164 : memref<1x4096xf32, #tpu.memory_space<hbm>> -> memref<4096xf32, #tpu.memory_space<hbm>>
    tpu.wait_dma2 semaphore(%arg17 : memref<!tpu.dma_semaphore, #tpu.memory_space<semaphore_mem>>) src(%dma_wait3A_165 : memref<4096xf32, #tpu.memory_space<hbm>>) dst(%arg15 : memref<4096xf32, #tpu.memory_space<vmem>>)
    %parallel_loop3A_166 = arith.constant 0 : i32
    %parallel_loop3A_167 = arith.constant 256 : i32
    %parallel_loop3A_168 = arith.constant 1 : i32
    scf.for %parallel_loop3A_347 = %parallel_loop3A_166 to %parallel_loop3A_167 step %parallel_loop3A_168  : i32 {
      %parallel_loop3A_348 = arith.constant 16 : i32
      %parallel_loop3A_349 = arith.muli %parallel_loop3A_347, %parallel_loop3A_348 : i32
      %parallel_loop3A_350 = arith.addi %mul3A_33, %parallel_loop3A_349 : i32
      %parallel_loop3A_351 = arith.index_cast %parallel_loop3A_350 : i32 to index
      %parallel_loop3A_352 = tpu.vector_load %arg9[%parallel_loop3A_351] {strides = array<i32>} : memref<65536xf32, #tpu.memory_space<vmem>>, vector<16xf32>,
      %parallel_loop3A_353 = arith.constant 16 : i32
      %parallel_loop3A_354 = arith.muli %parallel_loop3A_347, %parallel_loop3A_353 : i32
      %parallel_loop3A_355 = arith.index_cast %parallel_loop3A_354 : i32 to index
      %parallel_loop3A_356 = tpu.vector_load %arg15[%parallel_loop3A_355] {strides = array<i32>} : memref<4096xf32, #tpu.memory_space<vmem>>, vector<16xf32>,
      %parallel_loop3A_357 = arith.addf %parallel_loop3A_352, %parallel_loop3A_356 : vector<16xf32>
      %parallel_loop3A_358 = arith.index_cast %parallel_loop3A_350 : i32 to index
      %parallel_loop3A_359 = tpu.vector_load %arg9[%parallel_loop3A_358] {strides = array<i32>} : memref<65536xf32, #tpu.memory_space<vmem>>, vector<16xf32>,
      tpu.vector_store %arg9[%parallel_loop3A_358], %parallel_loop3A_357 {strides = array<i32>} : memref<65536xf32, #tpu.memory_space<vmem>>, vector<16xf32>,
    } {sc.loop_unroll_factor = 8 : i64, sc.parallel_access}
    %add3A_169 = arith.constant 8 : i32
    %add3A_170 = arith.addi %arg1, %add3A_169 : i32
    %rem3A_171 = arith.constant 16 : i32
    %rem3A_172 = arith.remsi %add3A_170, %rem3A_171 : i32
    %mul3A_173 = arith.constant 2 : i32
    %mul3A_174 = arith.muli %rem3A_172, %mul3A_173 : i32
    %add3A_175 = arith.addi %mul3A_174, %arg0 : i32
    %dma_start3A_176 = tpu.memref_slice %arg6[%add3A_175, %mul3A_33] : memref<32x65536xf32, #tpu.memory_space<hbm>> -> memref<1x4096xf32, #tpu.memory_space<hbm>>
    %dma_start3A_177 = tpu.memref_squeeze %dma_start3A_176 : memref<1x4096xf32, #tpu.memory_space<hbm>> -> memref<4096xf32, #tpu.memory_space<hbm>>
    %dma_start3A_178 = tpu.memref_slice %arg6[%add3A_175, %mul3A_33] : memref<32x65536xf32, #tpu.memory_space<hbm>> -> memref<1x4096xf32, #tpu.memory_space<hbm>>
    %dma_start3A_179 = tpu.memref_squeeze %dma_start3A_178 : memref<1x4096xf32, #tpu.memory_space<hbm>> -> memref<4096xf32, #tpu.memory_space<hbm>>
    tpu.enqueue_dma source(%dma_start3A_179 : memref<4096xf32, #tpu.memory_space<hbm>>) target(%arg15 : memref<4096xf32, #tpu.memory_space<vmem>>) target_semaphore(%arg17 : memref<!tpu.dma_semaphore, #tpu.memory_space<semaphore_mem>>)
    %dma_wait3A_180 = arith.constant 0 : i32
    %dma_wait3A_181 = arith.constant 0 : i32
    %dma_wait3A_182 = tpu.memref_slice %arg6[%dma_wait3A_180, %dma_wait3A_181] : memref<32x65536xf32, #tpu.memory_space<hbm>> -> memref<1x4096xf32, #tpu.memory_space<hbm>>
    %dma_wait3A_183 = tpu.memref_squeeze %dma_wait3A_182 : memref<1x4096xf32, #tpu.memory_space<hbm>> -> memref<4096xf32, #tpu.memory_space<hbm>>
    %dma_wait3A_184 = arith.constant 0 : i32
    %dma_wait3A_185 = tpu.memref_slice %arg6[%dma_wait3A_180, %dma_wait3A_184] : memref<32x65536xf32, #tpu.memory_space<hbm>> -> memref<1x4096xf32, #tpu.memory_space<hbm>>
    %dma_wait3A_186 = tpu.memref_squeeze %dma_wait3A_185 : memref<1x4096xf32, #tpu.memory_space<hbm>> -> memref<4096xf32, #tpu.memory_space<hbm>>
    tpu.wait_dma2 semaphore(%arg16 : memref<!tpu.dma_semaphore, #tpu.memory_space<semaphore_mem>>) src(%dma_wait3A_186 : memref<4096xf32, #tpu.memory_space<hbm>>) dst(%arg12 : memref<4096xf32, #tpu.memory_space<vmem>>)
    %parallel_loop3A_187 = arith.constant 0 : i32
    %parallel_loop3A_188 = arith.constant 256 : i32
    %parallel_loop3A_189 = arith.constant 1 : i32
    scf.for %parallel_loop3A_347 = %parallel_loop3A_187 to %parallel_loop3A_188 step %parallel_loop3A_189  : i32 {
      %parallel_loop3A_348 = arith.constant 16 : i32
      %parallel_loop3A_349 = arith.muli %parallel_loop3A_347, %parallel_loop3A_348 : i32
      %parallel_loop3A_350 = arith.addi %mul3A_33, %parallel_loop3A_349 : i32
      %parallel_loop3A_351 = arith.index_cast %parallel_loop3A_350 : i32 to index
      %parallel_loop3A_352 = tpu.vector_load %arg9[%parallel_loop3A_351] {strides = array<i32>} : memref<65536xf32, #tpu.memory_space<vmem>>, vector<16xf32>,
      %parallel_loop3A_353 = arith.constant 16 : i32
      %parallel_loop3A_354 = arith.muli %parallel_loop3A_347, %parallel_loop3A_353 : i32
      %parallel_loop3A_355 = arith.index_cast %parallel_loop3A_354 : i32 to index
      %parallel_loop3A_356 = tpu.vector_load %arg12[%parallel_loop3A_355] {strides = array<i32>} : memref<4096xf32, #tpu.memory_space<vmem>>, vector<16xf32>,
      %parallel_loop3A_357 = arith.addf %parallel_loop3A_352, %parallel_loop3A_356 : vector<16xf32>
      %parallel_loop3A_358 = arith.index_cast %parallel_loop3A_350 : i32 to index
      %parallel_loop3A_359 = tpu.vector_load %arg9[%parallel_loop3A_358] {strides = array<i32>} : memref<65536xf32, #tpu.memory_space<vmem>>, vector<16xf32>,
      tpu.vector_store %arg9[%parallel_loop3A_358], %parallel_loop3A_357 {strides = array<i32>} : memref<65536xf32, #tpu.memory_space<vmem>>, vector<16xf32>,
    } {sc.loop_unroll_factor = 8 : i64, sc.parallel_access}
    %add3A_190 = arith.constant 9 : i32
    %add3A_191 = arith.addi %arg1, %add3A_190 : i32
    %rem3A_192 = arith.constant 16 : i32
    %rem3A_193 = arith.remsi %add3A_191, %rem3A_192 : i32
    %mul3A_194 = arith.constant 2 : i32
    %mul3A_195 = arith.muli %rem3A_193, %mul3A_194 : i32
    %add3A_196 = arith.addi %mul3A_195, %arg0 : i32
    %dma_start3A_197 = tpu.memref_slice %arg6[%add3A_196, %mul3A_33] : memref<32x65536xf32, #tpu.memory_space<hbm>> -> memref<1x4096xf32, #tpu.memory_space<hbm>>
    %dma_start3A_198 = tpu.memref_squeeze %dma_start3A_197 : memref<1x4096xf32, #tpu.memory_space<hbm>> -> memref<4096xf32, #tpu.memory_space<hbm>>
    %dma_start3A_199 = tpu.memref_slice %arg6[%add3A_196, %mul3A_33] : memref<32x65536xf32, #tpu.memory_space<hbm>> -> memref<1x4096xf32, #tpu.memory_space<hbm>>
    %dma_start3A_200 = tpu.memref_squeeze %dma_start3A_199 : memref<1x4096xf32, #tpu.memory_space<hbm>> -> memref<4096xf32, #tpu.memory_space<hbm>>
    tpu.enqueue_dma source(%dma_start3A_200 : memref<4096xf32, #tpu.memory_space<hbm>>) target(%arg12 : memref<4096xf32, #tpu.memory_space<vmem>>) target_semaphore(%arg16 : memref<!tpu.dma_semaphore, #tpu.memory_space<semaphore_mem>>)
    %dma_wait3A_201 = arith.constant 0 : i32
    %dma_wait3A_202 = arith.constant 0 : i32
    %dma_wait3A_203 = tpu.memref_slice %arg6[%dma_wait3A_201, %dma_wait3A_202] : memref<32x65536xf32, #tpu.memory_space<hbm>> -> memref<1x4096xf32, #tpu.memory_space<hbm>>
    %dma_wait3A_204 = tpu.memref_squeeze %dma_wait3A_203 : memref<1x4096xf32, #tpu.memory_space<hbm>> -> memref<4096xf32, #tpu.memory_space<hbm>>
    %dma_wait3A_205 = arith.constant 0 : i32
    %dma_wait3A_206 = tpu.memref_slice %arg6[%dma_wait3A_201, %dma_wait3A_205] : memref<32x65536xf32, #tpu.memory_space<hbm>> -> memref<1x4096xf32, #tpu.memory_space<hbm>>
    %dma_wait3A_207 = tpu.memref_squeeze %dma_wait3A_206 : memref<1x4096xf32, #tpu.memory_space<hbm>> -> memref<4096xf32, #tpu.memory_space<hbm>>
    tpu.wait_dma2 semaphore(%arg17 : memref<!tpu.dma_semaphore, #tpu.memory_space<semaphore_mem>>) src(%dma_wait3A_207 : memref<4096xf32, #tpu.memory_space<hbm>>) dst(%arg15 : memref<4096xf32, #tpu.memory_space<vmem>>)
    %parallel_loop3A_208 = arith.constant 0 : i32
    %parallel_loop3A_209 = arith.constant 256 : i32
    %parallel_loop3A_210 = arith.constant 1 : i32
    scf.for %parallel_loop3A_347 = %parallel_loop3A_208 to %parallel_loop3A_209 step %parallel_loop3A_210  : i32 {
      %parallel_loop3A_348 = arith.constant 16 : i32
      %parallel_loop3A_349 = arith.muli %parallel_loop3A_347, %parallel_loop3A_348 : i32
      %parallel_loop3A_350 = arith.addi %mul3A_33, %parallel_loop3A_349 : i32
      %parallel_loop3A_351 = arith.index_cast %parallel_loop3A_350 : i32 to index
      %parallel_loop3A_352 = tpu.vector_load %arg9[%parallel_loop3A_351] {strides = array<i32>} : memref<65536xf32, #tpu.memory_space<vmem>>, vector<16xf32>,
      %parallel_loop3A_353 = arith.constant 16 : i32
      %parallel_loop3A_354 = arith.muli %parallel_loop3A_347, %parallel_loop3A_353 : i32
      %parallel_loop3A_355 = arith.index_cast %parallel_loop3A_354 : i32 to index
      %parallel_loop3A_356 = tpu.vector_load %arg15[%parallel_loop3A_355] {strides = array<i32>} : memref<4096xf32, #tpu.memory_space<vmem>>, vector<16xf32>,
      %parallel_loop3A_357 = arith.addf %parallel_loop3A_352, %parallel_loop3A_356 : vector<16xf32>
      %parallel_loop3A_358 = arith.index_cast %parallel_loop3A_350 : i32 to index
      %parallel_loop3A_359 = tpu.vector_load %arg9[%parallel_loop3A_358] {strides = array<i32>} : memref<65536xf32, #tpu.memory_space<vmem>>, vector<16xf32>,
      tpu.vector_store %arg9[%parallel_loop3A_358], %parallel_loop3A_357 {strides = array<i32>} : memref<65536xf32, #tpu.memory_space<vmem>>, vector<16xf32>,
    } {sc.loop_unroll_factor = 8 : i64, sc.parallel_access}
    %add3A_211 = arith.constant 10 : i32
    %add3A_212 = arith.addi %arg1, %add3A_211 : i32
    %rem3A_213 = arith.constant 16 : i32
    %rem3A_214 = arith.remsi %add3A_212, %rem3A_213 : i32
    %mul3A_215 = arith.constant 2 : i32
    %mul3A_216 = arith.muli %rem3A_214, %mul3A_215 : i32
    %add3A_217 = arith.addi %mul3A_216, %arg0 : i32
    %dma_start3A_218 = tpu.memref_slice %arg6[%add3A_217, %mul3A_33] : memref<32x65536xf32, #tpu.memory_space<hbm>> -> memref<1x4096xf32, #tpu.memory_space<hbm>>
    %dma_start3A_219 = tpu.memref_squeeze %dma_start3A_218 : memref<1x4096xf32, #tpu.memory_space<hbm>> -> memref<4096xf32, #tpu.memory_space<hbm>>
    %dma_start3A_220 = tpu.memref_slice %arg6[%add3A_217, %mul3A_33] : memref<32x65536xf32, #tpu.memory_space<hbm>> -> memref<1x4096xf32, #tpu.memory_space<hbm>>
    %dma_start3A_221 = tpu.memref_squeeze %dma_start3A_220 : memref<1x4096xf32, #tpu.memory_space<hbm>> -> memref<4096xf32, #tpu.memory_space<hbm>>
    tpu.enqueue_dma source(%dma_start3A_221 : memref<4096xf32, #tpu.memory_space<hbm>>) target(%arg15 : memref<4096xf32, #tpu.memory_space<vmem>>) target_semaphore(%arg17 : memref<!tpu.dma_semaphore, #tpu.memory_space<semaphore_mem>>)
    %dma_wait3A_222 = arith.constant 0 : i32
    %dma_wait3A_223 = arith.constant 0 : i32
    %dma_wait3A_224 = tpu.memref_slice %arg6[%dma_wait3A_222, %dma_wait3A_223] : memref<32x65536xf32, #tpu.memory_space<hbm>> -> memref<1x4096xf32, #tpu.memory_space<hbm>>
    %dma_wait3A_225 = tpu.memref_squeeze %dma_wait3A_224 : memref<1x4096xf32, #tpu.memory_space<hbm>> -> memref<4096xf32, #tpu.memory_space<hbm>>
    %dma_wait3A_226 = arith.constant 0 : i32
    %dma_wait3A_227 = tpu.memref_slice %arg6[%dma_wait3A_222, %dma_wait3A_226] : memref<32x65536xf32, #tpu.memory_space<hbm>> -> memref<1x4096xf32, #tpu.memory_space<hbm>>
    %dma_wait3A_228 = tpu.memref_squeeze %dma_wait3A_227 : memref<1x4096xf32, #tpu.memory_space<hbm>> -> memref<4096xf32, #tpu.memory_space<hbm>>
    tpu.wait_dma2 semaphore(%arg16 : memref<!tpu.dma_semaphore, #tpu.memory_space<semaphore_mem>>) src(%dma_wait3A_228 : memref<4096xf32, #tpu.memory_space<hbm>>) dst(%arg12 : memref<4096xf32, #tpu.memory_space<vmem>>)
    %parallel_loop3A_229 = arith.constant 0 : i32
    %parallel_loop3A_230 = arith.constant 256 : i32
    %parallel_loop3A_231 = arith.constant 1 : i32
    scf.for %parallel_loop3A_347 = %parallel_loop3A_229 to %parallel_loop3A_230 step %parallel_loop3A_231  : i32 {
      %parallel_loop3A_348 = arith.constant 16 : i32
      %parallel_loop3A_349 = arith.muli %parallel_loop3A_347, %parallel_loop3A_348 : i32
      %parallel_loop3A_350 = arith.addi %mul3A_33, %parallel_loop3A_349 : i32
      %parallel_loop3A_351 = arith.index_cast %parallel_loop3A_350 : i32 to index
      %parallel_loop3A_352 = tpu.vector_load %arg9[%parallel_loop3A_351] {strides = array<i32>} : memref<65536xf32, #tpu.memory_space<vmem>>, vector<16xf32>,
      %parallel_loop3A_353 = arith.constant 16 : i32
      %parallel_loop3A_354 = arith.muli %parallel_loop3A_347, %parallel_loop3A_353 : i32
      %parallel_loop3A_355 = arith.index_cast %parallel_loop3A_354 : i32 to index
      %parallel_loop3A_356 = tpu.vector_load %arg12[%parallel_loop3A_355] {strides = array<i32>} : memref<4096xf32, #tpu.memory_space<vmem>>, vector<16xf32>,
      %parallel_loop3A_357 = arith.addf %parallel_loop3A_352, %parallel_loop3A_356 : vector<16xf32>
      %parallel_loop3A_358 = arith.index_cast %parallel_loop3A_350 : i32 to index
      %parallel_loop3A_359 = tpu.vector_load %arg9[%parallel_loop3A_358] {strides = array<i32>} : memref<65536xf32, #tpu.memory_space<vmem>>, vector<16xf32>,
      tpu.vector_store %arg9[%parallel_loop3A_358], %parallel_loop3A_357 {strides = array<i32>} : memref<65536xf32, #tpu.memory_space<vmem>>, vector<16xf32>,
    } {sc.loop_unroll_factor = 8 : i64, sc.parallel_access}
    %add3A_232 = arith.constant 11 : i32
    %add3A_233 = arith.addi %arg1, %add3A_232 : i32
    %rem3A_234 = arith.constant 16 : i32
    %rem3A_235 = arith.remsi %add3A_233, %rem3A_234 : i32
    %mul3A_236 = arith.constant 2 : i32
    %mul3A_237 = arith.muli %rem3A_235, %mul3A_236 : i32
    %add3A_238 = arith.addi %mul3A_237, %arg0 : i32
    %dma_start3A_239 = tpu.memref_slice %arg6[%add3A_238, %mul3A_33] : memref<32x65536xf32, #tpu.memory_space<hbm>> -> memref<1x4096xf32, #tpu.memory_space<hbm>>
    %dma_start3A_240 = tpu.memref_squeeze %dma_start3A_239 : memref<1x4096xf32, #tpu.memory_space<hbm>> -> memref<4096xf32, #tpu.memory_space<hbm>>
    %dma_start3A_241 = tpu.memref_slice %arg6[%add3A_238, %mul3A_33] : memref<32x65536xf32, #tpu.memory_space<hbm>> -> memref<1x4096xf32, #tpu.memory_space<hbm>>
    %dma_start3A_242 = tpu.memref_squeeze %dma_start3A_241 : memref<1x4096xf32, #tpu.memory_space<hbm>> -> memref<4096xf32, #tpu.memory_space<hbm>>
    tpu.enqueue_dma source(%dma_start3A_242 : memref<4096xf32, #tpu.memory_space<hbm>>) target(%arg12 : memref<4096xf32, #tpu.memory_space<vmem>>) target_semaphore(%arg16 : memref<!tpu.dma_semaphore, #tpu.memory_space<semaphore_mem>>)
    %dma_wait3A_243 = arith.constant 0 : i32
    %dma_wait3A_244 = arith.constant 0 : i32
    %dma_wait3A_245 = tpu.memref_slice %arg6[%dma_wait3A_243, %dma_wait3A_244] : memref<32x65536xf32, #tpu.memory_space<hbm>> -> memref<1x4096xf32, #tpu.memory_space<hbm>>
    %dma_wait3A_246 = tpu.memref_squeeze %dma_wait3A_245 : memref<1x4096xf32, #tpu.memory_space<hbm>> -> memref<4096xf32, #tpu.memory_space<hbm>>
    %dma_wait3A_247 = arith.constant 0 : i32
    %dma_wait3A_248 = tpu.memref_slice %arg6[%dma_wait3A_243, %dma_wait3A_247] : memref<32x65536xf32, #tpu.memory_space<hbm>> -> memref<1x4096xf32, #tpu.memory_space<hbm>>
    %dma_wait3A_249 = tpu.memref_squeeze %dma_wait3A_248 : memref<1x4096xf32, #tpu.memory_space<hbm>> -> memref<4096xf32, #tpu.memory_space<hbm>>
    tpu.wait_dma2 semaphore(%arg17 : memref<!tpu.dma_semaphore, #tpu.memory_space<semaphore_mem>>) src(%dma_wait3A_249 : memref<4096xf32, #tpu.memory_space<hbm>>) dst(%arg15 : memref<4096xf32, #tpu.memory_space<vmem>>)
    %parallel_loop3A_250 = arith.constant 0 : i32
    %parallel_loop3A_251 = arith.constant 256 : i32
    %parallel_loop3A_252 = arith.constant 1 : i32
    scf.for %parallel_loop3A_347 = %parallel_loop3A_250 to %parallel_loop3A_251 step %parallel_loop3A_252  : i32 {
      %parallel_loop3A_348 = arith.constant 16 : i32
      %parallel_loop3A_349 = arith.muli %parallel_loop3A_347, %parallel_loop3A_348 : i32
      %parallel_loop3A_350 = arith.addi %mul3A_33, %parallel_loop3A_349 : i32
      %parallel_loop3A_351 = arith.index_cast %parallel_loop3A_350 : i32 to index
      %parallel_loop3A_352 = tpu.vector_load %arg9[%parallel_loop3A_351] {strides = array<i32>} : memref<65536xf32, #tpu.memory_space<vmem>>, vector<16xf32>,
      %parallel_loop3A_353 = arith.constant 16 : i32
      %parallel_loop3A_354 = arith.muli %parallel_loop3A_347, %parallel_loop3A_353 : i32
      %parallel_loop3A_355 = arith.index_cast %parallel_loop3A_354 : i32 to index
      %parallel_loop3A_356 = tpu.vector_load %arg15[%parallel_loop3A_355] {strides = array<i32>} : memref<4096xf32, #tpu.memory_space<vmem>>, vector<16xf32>,
      %parallel_loop3A_357 = arith.addf %parallel_loop3A_352, %parallel_loop3A_356 : vector<16xf32>
      %parallel_loop3A_358 = arith.index_cast %parallel_loop3A_350 : i32 to index
      %parallel_loop3A_359 = tpu.vector_load %arg9[%parallel_loop3A_358] {strides = array<i32>} : memref<65536xf32, #tpu.memory_space<vmem>>, vector<16xf32>,
      tpu.vector_store %arg9[%parallel_loop3A_358], %parallel_loop3A_357 {strides = array<i32>} : memref<65536xf32, #tpu.memory_space<vmem>>, vector<16xf32>,
    } {sc.loop_unroll_factor = 8 : i64, sc.parallel_access}
    %add3A_253 = arith.constant 12 : i32
    %add3A_254 = arith.addi %arg1, %add3A_253 : i32
    %rem3A_255 = arith.constant 16 : i32
    %rem3A_256 = arith.remsi %add3A_254, %rem3A_255 : i32
    %mul3A_257 = arith.constant 2 : i32
    %mul3A_258 = arith.muli %rem3A_256, %mul3A_257 : i32
    %add3A_259 = arith.addi %mul3A_258, %arg0 : i32
    %dma_start3A_260 = tpu.memref_slice %arg6[%add3A_259, %mul3A_33] : memref<32x65536xf32, #tpu.memory_space<hbm>> -> memref<1x4096xf32, #tpu.memory_space<hbm>>
    %dma_start3A_261 = tpu.memref_squeeze %dma_start3A_260 : memref<1x4096xf32, #tpu.memory_space<hbm>> -> memref<4096xf32, #tpu.memory_space<hbm>>
    %dma_start3A_262 = tpu.memref_slice %arg6[%add3A_259, %mul3A_33] : memref<32x65536xf32, #tpu.memory_space<hbm>> -> memref<1x4096xf32, #tpu.memory_space<hbm>>
    %dma_start3A_263 = tpu.memref_squeeze %dma_start3A_262 : memref<1x4096xf32, #tpu.memory_space<hbm>> -> memref<4096xf32, #tpu.memory_space<hbm>>
    tpu.enqueue_dma source(%dma_start3A_263 : memref<4096xf32, #tpu.memory_space<hbm>>) target(%arg15 : memref<4096xf32, #tpu.memory_space<vmem>>) target_semaphore(%arg17 : memref<!tpu.dma_semaphore, #tpu.memory_space<semaphore_mem>>)
    %dma_wait3A_264 = arith.constant 0 : i32
    %dma_wait3A_265 = arith.constant 0 : i32
    %dma_wait3A_266 = tpu.memref_slice %arg6[%dma_wait3A_264, %dma_wait3A_265] : memref<32x65536xf32, #tpu.memory_space<hbm>> -> memref<1x4096xf32, #tpu.memory_space<hbm>>
    %dma_wait3A_267 = tpu.memref_squeeze %dma_wait3A_266 : memref<1x4096xf32, #tpu.memory_space<hbm>> -> memref<4096xf32, #tpu.memory_space<hbm>>
    %dma_wait3A_268 = arith.constant 0 : i32
    %dma_wait3A_269 = tpu.memref_slice %arg6[%dma_wait3A_264, %dma_wait3A_268] : memref<32x65536xf32, #tpu.memory_space<hbm>> -> memref<1x4096xf32, #tpu.memory_space<hbm>>
    %dma_wait3A_270 = tpu.memref_squeeze %dma_wait3A_269 : memref<1x4096xf32, #tpu.memory_space<hbm>> -> memref<4096xf32, #tpu.memory_space<hbm>>
    tpu.wait_dma2 semaphore(%arg16 : memref<!tpu.dma_semaphore, #tpu.memory_space<semaphore_mem>>) src(%dma_wait3A_270 : memref<4096xf32, #tpu.memory_space<hbm>>) dst(%arg12 : memref<4096xf32, #tpu.memory_space<vmem>>)
    %parallel_loop3A_271 = arith.constant 0 : i32
    %parallel_loop3A_272 = arith.constant 256 : i32
    %parallel_loop3A_273 = arith.constant 1 : i32
    scf.for %parallel_loop3A_347 = %parallel_loop3A_271 to %parallel_loop3A_272 step %parallel_loop3A_273  : i32 {
      %parallel_loop3A_348 = arith.constant 16 : i32
      %parallel_loop3A_349 = arith.muli %parallel_loop3A_347, %parallel_loop3A_348 : i32
      %parallel_loop3A_350 = arith.addi %mul3A_33, %parallel_loop3A_349 : i32
      %parallel_loop3A_351 = arith.index_cast %parallel_loop3A_350 : i32 to index
      %parallel_loop3A_352 = tpu.vector_load %arg9[%parallel_loop3A_351] {strides = array<i32>} : memref<65536xf32, #tpu.memory_space<vmem>>, vector<16xf32>,
      %parallel_loop3A_353 = arith.constant 16 : i32
      %parallel_loop3A_354 = arith.muli %parallel_loop3A_347, %parallel_loop3A_353 : i32
      %parallel_loop3A_355 = arith.index_cast %parallel_loop3A_354 : i32 to index
      %parallel_loop3A_356 = tpu.vector_load %arg12[%parallel_loop3A_355] {strides = array<i32>} : memref<4096xf32, #tpu.memory_space<vmem>>, vector<16xf32>,
      %parallel_loop3A_357 = arith.addf %parallel_loop3A_352, %parallel_loop3A_356 : vector<16xf32>
      %parallel_loop3A_358 = arith.index_cast %parallel_loop3A_350 : i32 to index
      %parallel_loop3A_359 = tpu.vector_load %arg9[%parallel_loop3A_358] {strides = array<i32>} : memref<65536xf32, #tpu.memory_space<vmem>>, vector<16xf32>,
      tpu.vector_store %arg9[%parallel_loop3A_358], %parallel_loop3A_357 {strides = array<i32>} : memref<65536xf32, #tpu.memory_space<vmem>>, vector<16xf32>,
    } {sc.loop_unroll_factor = 8 : i64, sc.parallel_access}
    %add3A_274 = arith.constant 13 : i32
    %add3A_275 = arith.addi %arg1, %add3A_274 : i32
    %rem3A_276 = arith.constant 16 : i32
    %rem3A_277 = arith.remsi %add3A_275, %rem3A_276 : i32
    %mul3A_278 = arith.constant 2 : i32
    %mul3A_279 = arith.muli %rem3A_277, %mul3A_278 : i32
    %add3A_280 = arith.addi %mul3A_279, %arg0 : i32
    %dma_start3A_281 = tpu.memref_slice %arg6[%add3A_280, %mul3A_33] : memref<32x65536xf32, #tpu.memory_space<hbm>> -> memref<1x4096xf32, #tpu.memory_space<hbm>>
    %dma_start3A_282 = tpu.memref_squeeze %dma_start3A_281 : memref<1x4096xf32, #tpu.memory_space<hbm>> -> memref<4096xf32, #tpu.memory_space<hbm>>
    %dma_start3A_283 = tpu.memref_slice %arg6[%add3A_280, %mul3A_33] : memref<32x65536xf32, #tpu.memory_space<hbm>> -> memref<1x4096xf32, #tpu.memory_space<hbm>>
    %dma_start3A_284 = tpu.memref_squeeze %dma_start3A_283 : memref<1x4096xf32, #tpu.memory_space<hbm>> -> memref<4096xf32, #tpu.memory_space<hbm>>
    tpu.enqueue_dma source(%dma_start3A_284 : memref<4096xf32, #tpu.memory_space<hbm>>) target(%arg12 : memref<4096xf32, #tpu.memory_space<vmem>>) target_semaphore(%arg16 : memref<!tpu.dma_semaphore, #tpu.memory_space<semaphore_mem>>)
    %dma_wait3A_285 = arith.constant 0 : i32
    %dma_wait3A_286 = arith.constant 0 : i32
    %dma_wait3A_287 = tpu.memref_slice %arg6[%dma_wait3A_285, %dma_wait3A_286] : memref<32x65536xf32, #tpu.memory_space<hbm>> -> memref<1x4096xf32, #tpu.memory_space<hbm>>
    %dma_wait3A_288 = tpu.memref_squeeze %dma_wait3A_287 : memref<1x4096xf32, #tpu.memory_space<hbm>> -> memref<4096xf32, #tpu.memory_space<hbm>>
    %dma_wait3A_289 = arith.constant 0 : i32
    %dma_wait3A_290 = tpu.memref_slice %arg6[%dma_wait3A_285, %dma_wait3A_289] : memref<32x65536xf32, #tpu.memory_space<hbm>> -> memref<1x4096xf32, #tpu.memory_space<hbm>>
    %dma_wait3A_291 = tpu.memref_squeeze %dma_wait3A_290 : memref<1x4096xf32, #tpu.memory_space<hbm>> -> memref<4096xf32, #tpu.memory_space<hbm>>
    tpu.wait_dma2 semaphore(%arg17 : memref<!tpu.dma_semaphore, #tpu.memory_space<semaphore_mem>>) src(%dma_wait3A_291 : memref<4096xf32, #tpu.memory_space<hbm>>) dst(%arg15 : memref<4096xf32, #tpu.memory_space<vmem>>)
    %parallel_loop3A_292 = arith.constant 0 : i32
    %parallel_loop3A_293 = arith.constant 256 : i32
    %parallel_loop3A_294 = arith.constant 1 : i32
    scf.for %parallel_loop3A_347 = %parallel_loop3A_292 to %parallel_loop3A_293 step %parallel_loop3A_294  : i32 {
      %parallel_loop3A_348 = arith.constant 16 : i32
      %parallel_loop3A_349 = arith.muli %parallel_loop3A_347, %parallel_loop3A_348 : i32
      %parallel_loop3A_350 = arith.addi %mul3A_33, %parallel_loop3A_349 : i32
      %parallel_loop3A_351 = arith.index_cast %parallel_loop3A_350 : i32 to index
      %parallel_loop3A_352 = tpu.vector_load %arg9[%parallel_loop3A_351] {strides = array<i32>} : memref<65536xf32, #tpu.memory_space<vmem>>, vector<16xf32>,
      %parallel_loop3A_353 = arith.constant 16 : i32
      %parallel_loop3A_354 = arith.muli %parallel_loop3A_347, %parallel_loop3A_353 : i32
      %parallel_loop3A_355 = arith.index_cast %parallel_loop3A_354 : i32 to index
      %parallel_loop3A_356 = tpu.vector_load %arg15[%parallel_loop3A_355] {strides = array<i32>} : memref<4096xf32, #tpu.memory_space<vmem>>, vector<16xf32>,
      %parallel_loop3A_357 = arith.addf %parallel_loop3A_352, %parallel_loop3A_356 : vector<16xf32>
      %parallel_loop3A_358 = arith.index_cast %parallel_loop3A_350 : i32 to index
      %parallel_loop3A_359 = tpu.vector_load %arg9[%parallel_loop3A_358] {strides = array<i32>} : memref<65536xf32, #tpu.memory_space<vmem>>, vector<16xf32>,
      tpu.vector_store %arg9[%parallel_loop3A_358], %parallel_loop3A_357 {strides = array<i32>} : memref<65536xf32, #tpu.memory_space<vmem>>, vector<16xf32>,
    } {sc.loop_unroll_factor = 8 : i64, sc.parallel_access}
    %add3A_295 = arith.constant 14 : i32
    %add3A_296 = arith.addi %arg1, %add3A_295 : i32
    %rem3A_297 = arith.constant 16 : i32
    %rem3A_298 = arith.remsi %add3A_296, %rem3A_297 : i32
    %mul3A_299 = arith.constant 2 : i32
    %mul3A_300 = arith.muli %rem3A_298, %mul3A_299 : i32
    %add3A_301 = arith.addi %mul3A_300, %arg0 : i32
    %dma_start3A_302 = tpu.memref_slice %arg6[%add3A_301, %mul3A_33] : memref<32x65536xf32, #tpu.memory_space<hbm>> -> memref<1x4096xf32, #tpu.memory_space<hbm>>
    %dma_start3A_303 = tpu.memref_squeeze %dma_start3A_302 : memref<1x4096xf32, #tpu.memory_space<hbm>> -> memref<4096xf32, #tpu.memory_space<hbm>>
    %dma_start3A_304 = tpu.memref_slice %arg6[%add3A_301, %mul3A_33] : memref<32x65536xf32, #tpu.memory_space<hbm>> -> memref<1x4096xf32, #tpu.memory_space<hbm>>
    %dma_start3A_305 = tpu.memref_squeeze %dma_start3A_304 : memref<1x4096xf32, #tpu.memory_space<hbm>> -> memref<4096xf32, #tpu.memory_space<hbm>>
    tpu.enqueue_dma source(%dma_start3A_305 : memref<4096xf32, #tpu.memory_space<hbm>>) target(%arg15 : memref<4096xf32, #tpu.memory_space<vmem>>) target_semaphore(%arg17 : memref<!tpu.dma_semaphore, #tpu.memory_space<semaphore_mem>>)
    %dma_wait3A_306 = arith.constant 0 : i32
    %dma_wait3A_307 = arith.constant 0 : i32
    %dma_wait3A_308 = tpu.memref_slice %arg6[%dma_wait3A_306, %dma_wait3A_307] : memref<32x65536xf32, #tpu.memory_space<hbm>> -> memref<1x4096xf32, #tpu.memory_space<hbm>>
    %dma_wait3A_309 = tpu.memref_squeeze %dma_wait3A_308 : memref<1x4096xf32, #tpu.memory_space<hbm>> -> memref<4096xf32, #tpu.memory_space<hbm>>
    %dma_wait3A_310 = arith.constant 0 : i32
    %dma_wait3A_311 = tpu.memref_slice %arg6[%dma_wait3A_306, %dma_wait3A_310] : memref<32x65536xf32, #tpu.memory_space<hbm>> -> memref<1x4096xf32, #tpu.memory_space<hbm>>
    %dma_wait3A_312 = tpu.memref_squeeze %dma_wait3A_311 : memref<1x4096xf32, #tpu.memory_space<hbm>> -> memref<4096xf32, #tpu.memory_space<hbm>>
    tpu.wait_dma2 semaphore(%arg16 : memref<!tpu.dma_semaphore, #tpu.memory_space<semaphore_mem>>) src(%dma_wait3A_312 : memref<4096xf32, #tpu.memory_space<hbm>>) dst(%arg12 : memref<4096xf32, #tpu.memory_space<vmem>>)
    %parallel_loop3A_313 = arith.constant 0 : i32
    %parallel_loop3A_314 = arith.constant 256 : i32
    %parallel_loop3A_315 = arith.constant 1 : i32
    scf.for %parallel_loop3A_347 = %parallel_loop3A_313 to %parallel_loop3A_314 step %parallel_loop3A_315  : i32 {
      %parallel_loop3A_348 = arith.constant 16 : i32
      %parallel_loop3A_349 = arith.muli %parallel_loop3A_347, %parallel_loop3A_348 : i32
      %parallel_loop3A_350 = arith.addi %mul3A_33, %parallel_loop3A_349 : i32
      %parallel_loop3A_351 = arith.index_cast %parallel_loop3A_350 : i32 to index
      %parallel_loop3A_352 = tpu.vector_load %arg9[%parallel_loop3A_351] {strides = array<i32>} : memref<65536xf32, #tpu.memory_space<vmem>>, vector<16xf32>,
      %parallel_loop3A_353 = arith.constant 16 : i32
      %parallel_loop3A_354 = arith.muli %parallel_loop3A_347, %parallel_loop3A_353 : i32
      %parallel_loop3A_355 = arith.index_cast %parallel_loop3A_354 : i32 to index
      %parallel_loop3A_356 = tpu.vector_load %arg12[%parallel_loop3A_355] {strides = array<i32>} : memref<4096xf32, #tpu.memory_space<vmem>>, vector<16xf32>,
      %parallel_loop3A_357 = arith.addf %parallel_loop3A_352, %parallel_loop3A_356 : vector<16xf32>
      %parallel_loop3A_358 = arith.index_cast %parallel_loop3A_350 : i32 to index
      %parallel_loop3A_359 = tpu.vector_load %arg9[%parallel_loop3A_358] {strides = array<i32>} : memref<65536xf32, #tpu.memory_space<vmem>>, vector<16xf32>,
      tpu.vector_store %arg9[%parallel_loop3A_358], %parallel_loop3A_357 {strides = array<i32>} : memref<65536xf32, #tpu.memory_space<vmem>>, vector<16xf32>,
    } {sc.loop_unroll_factor = 8 : i64, sc.parallel_access}
    %add3A_316 = arith.constant 15 : i32
    %add3A_317 = arith.addi %arg1, %add3A_316 : i32
    %rem3A_318 = arith.constant 16 : i32
    %rem3A_319 = arith.remsi %add3A_317, %rem3A_318 : i32
    %mul3A_320 = arith.constant 2 : i32
    %mul3A_321 = arith.muli %rem3A_319, %mul3A_320 : i32
    %add3A_322 = arith.addi %mul3A_321, %arg0 : i32
    %dma_start3A_323 = tpu.memref_slice %arg6[%add3A_322, %mul3A_33] : memref<32x65536xf32, #tpu.memory_space<hbm>> -> memref<1x4096xf32, #tpu.memory_space<hbm>>
    %dma_start3A_324 = tpu.memref_squeeze %dma_start3A_323 : memref<1x4096xf32, #tpu.memory_space<hbm>> -> memref<4096xf32, #tpu.memory_space<hbm>>
    %dma_start3A_325 = tpu.memref_slice %arg6[%add3A_322, %mul3A_33] : memref<32x65536xf32, #tpu.memory_space<hbm>> -> memref<1x4096xf32, #tpu.memory_space<hbm>>
    %dma_start3A_326 = tpu.memref_squeeze %dma_start3A_325 : memref<1x4096xf32, #tpu.memory_space<hbm>> -> memref<4096xf32, #tpu.memory_space<hbm>>
    tpu.enqueue_dma source(%dma_start3A_326 : memref<4096xf32, #tpu.memory_space<hbm>>) target(%arg12 : memref<4096xf32, #tpu.memory_space<vmem>>) target_semaphore(%arg16 : memref<!tpu.dma_semaphore, #tpu.memory_space<semaphore_mem>>)
    %dma_wait3A_327 = arith.constant 0 : i32
    %dma_wait3A_328 = arith.constant 0 : i32
    %dma_wait3A_329 = tpu.memref_slice %arg6[%dma_wait3A_327, %dma_wait3A_328] : memref<32x65536xf32, #tpu.memory_space<hbm>> -> memref<1x4096xf32, #tpu.memory_space<hbm>>
    %dma_wait3A_330 = tpu.memref_squeeze %dma_wait3A_329 : memref<1x4096xf32, #tpu.memory_space<hbm>> -> memref<4096xf32, #tpu.memory_space<hbm>>
    %dma_wait3A_331 = arith.constant 0 : i32
    %dma_wait3A_332 = tpu.memref_slice %arg6[%dma_wait3A_327, %dma_wait3A_331] : memref<32x65536xf32, #tpu.memory_space<hbm>> -> memref<1x4096xf32, #tpu.memory_space<hbm>>
    %dma_wait3A_333 = tpu.memref_squeeze %dma_wait3A_332 : memref<1x4096xf32, #tpu.memory_space<hbm>> -> memref<4096xf32, #tpu.memory_space<hbm>>
    tpu.wait_dma2 semaphore(%arg17 : memref<!tpu.dma_semaphore, #tpu.memory_space<semaphore_mem>>) src(%dma_wait3A_333 : memref<4096xf32, #tpu.memory_space<hbm>>) dst(%arg15 : memref<4096xf32, #tpu.memory_space<vmem>>)
    %parallel_loop3A_334 = arith.constant 0 : i32
    %parallel_loop3A_335 = arith.constant 256 : i32
    %parallel_loop3A_336 = arith.constant 1 : i32
    scf.for %parallel_loop3A_347 = %parallel_loop3A_334 to %parallel_loop3A_335 step %parallel_loop3A_336  : i32 {
      %parallel_loop3A_348 = arith.constant 16 : i32
      %parallel_loop3A_349 = arith.muli %parallel_loop3A_347, %parallel_loop3A_348 : i32
      %parallel_loop3A_350 = arith.addi %mul3A_33, %parallel_loop3A_349 : i32
      %parallel_loop3A_351 = arith.index_cast %parallel_loop3A_350 : i32 to index
      %parallel_loop3A_352 = tpu.vector_load %arg9[%parallel_loop3A_351] {strides = array<i32>} : memref<65536xf32, #tpu.memory_space<vmem>>, vector<16xf32>,
      %parallel_loop3A_353 = arith.constant 16 : i32
      %parallel_loop3A_354 = arith.muli %parallel_loop3A_347, %parallel_loop3A_353 : i32
      %parallel_loop3A_355 = arith.index_cast %parallel_loop3A_354 : i32 to index
      %parallel_loop3A_356 = tpu.vector_load %arg15[%parallel_loop3A_355] {strides = array<i32>} : memref<4096xf32, #tpu.memory_space<vmem>>, vector<16xf32>,
      %parallel_loop3A_357 = arith.addf %parallel_loop3A_352, %parallel_loop3A_356 : vector<16xf32>
      %parallel_loop3A_358 = arith.index_cast %parallel_loop3A_350 : i32 to index
      %parallel_loop3A_359 = tpu.vector_load %arg9[%parallel_loop3A_358] {strides = array<i32>} : memref<65536xf32, #tpu.memory_space<vmem>>, vector<16xf32>,
      tpu.vector_store %arg9[%parallel_loop3A_358], %parallel_loop3A_357 {strides = array<i32>} : memref<65536xf32, #tpu.memory_space<vmem>>, vector<16xf32>,
    } {sc.loop_unroll_factor = 8 : i64, sc.parallel_access}
    %dma_wait3A_337 = arith.constant 0 : i32
    %dma_wait3A_338 = arith.constant 0 : i32
    %dma_wait3A_339 = tpu.memref_slice %arg6[%dma_wait3A_337, %dma_wait3A_338] : memref<32x65536xf32, #tpu.memory_space<hbm>> -> memref<1x4096xf32, #tpu.memory_space<hbm>>
    %dma_wait3A_340 = tpu.memref_squeeze %dma_wait3A_339 : memref<1x4096xf32, #tpu.memory_space<hbm>> -> memref<4096xf32, #tpu.memory_space<hbm>>
    %dma_wait3A_341 = arith.constant 0 : i32
    %dma_wait3A_342 = tpu.memref_slice %arg6[%dma_wait3A_337, %dma_wait3A_341] : memref<32x65536xf32, #tpu.memory_space<hbm>> -> memref<1x4096xf32, #tpu.memory_space<hbm>>
    %dma_wait3A_343 = tpu.memref_squeeze %dma_wait3A_342 : memref<1x4096xf32, #tpu.memory_space<hbm>> -> memref<4096xf32, #tpu.memory_space<hbm>>
    tpu.wait_dma2 semaphore(%arg16 : memref<!tpu.dma_semaphore, #tpu.memory_space<semaphore_mem>>) src(%dma_wait3A_343 : memref<4096xf32, #tpu.memory_space<hbm>>) dst(%arg12 : memref<4096xf32, #tpu.memory_space<vmem>>)
    %parallel_loop3A_344 = arith.constant 0 : i32
    %parallel_loop3A_345 = arith.constant 256 : i32
    %parallel_loop3A_346 = arith.constant 1 : i32
    scf.for %parallel_loop3A_347 = %parallel_loop3A_344 to %parallel_loop3A_345 step %parallel_loop3A_346  : i32 {
      %parallel_loop3A_348 = arith.constant 16 : i32
      %parallel_loop3A_349 = arith.muli %parallel_loop3A_347, %parallel_loop3A_348 : i32
      %parallel_loop3A_350 = arith.addi %mul3A_33, %parallel_loop3A_349 : i32
      %parallel_loop3A_351 = arith.index_cast %parallel_loop3A_350 : i32 to index
      %parallel_loop3A_352 = tpu.vector_load %arg9[%parallel_loop3A_351] {strides = array<i32>} : memref<65536xf32, #tpu.memory_space<vmem>>, vector<16xf32>,
      %parallel_loop3A_353 = arith.constant 16 : i32
      %parallel_loop3A_354 = arith.muli %parallel_loop3A_347, %parallel_loop3A_353 : i32
      %parallel_loop3A_355 = arith.index_cast %parallel_loop3A_354 : i32 to index
      %parallel_loop3A_356 = tpu.vector_load %arg12[%parallel_loop3A_355] {strides = array<i32>} : memref<4096xf32, #tpu.memory_space<vmem>>, vector<16xf32>,
      %parallel_loop3A_357 = arith.addf %parallel_loop3A_352, %parallel_loop3A_356 : vector<16xf32>
      %parallel_loop3A_358 = arith.index_cast %parallel_loop3A_350 : i32 to index
      %parallel_loop3A_359 = tpu.vector_load %arg9[%parallel_loop3A_358] {strides = array<i32>} : memref<65536xf32, #tpu.memory_space<vmem>>, vector<16xf32>,
      tpu.vector_store %arg9[%parallel_loop3A_358], %parallel_loop3A_357 {strides = array<i32>} : memref<65536xf32, #tpu.memory_space<vmem>>, vector<16xf32>,
    } {sc.loop_unroll_factor = 8 : i64, sc.parallel_access}
    "tpu.region"() ({
      %run_scoped3A = tpu.sem_alloc : memref<!tpu.dma_semaphore, #tpu.memory_space<semaphore_mem>>
      %dma_start3A_347 = tpu.memref_slice %arg9[%mul3A_33] : memref<65536xf32, #tpu.memory_space<vmem>> -> memref<4096xf32, #tpu.memory_space<vmem>>
      %dma_start3A_348 = tpu.memref_slice %arg7[%arg0, %mul3A_33] : memref<2x65536xf32, #tpu.memory_space<hbm>> -> memref<1x4096xf32, #tpu.memory_space<hbm>>
      %dma_start3A_349 = tpu.memref_squeeze %dma_start3A_348 : memref<1x4096xf32, #tpu.memory_space<hbm>> -> memref<4096xf32, #tpu.memory_space<hbm>>
      %dma_start3A_350 = tpu.memref_slice %arg7[%arg0, %mul3A_33] : memref<2x65536xf32, #tpu.memory_space<hbm>> -> memref<1x4096xf32, #tpu.memory_space<hbm>>
      %dma_start3A_351 = tpu.memref_squeeze %dma_start3A_350 : memref<1x4096xf32, #tpu.memory_space<hbm>> -> memref<4096xf32, #tpu.memory_space<hbm>>
      %dma_start3A_352 = tpu.memref_slice %arg9[%mul3A_33] : memref<65536xf32, #tpu.memory_space<vmem>> -> memref<4096xf32, #tpu.memory_space<vmem>>
      tpu.enqueue_dma source(%dma_start3A_352 : memref<4096xf32, #tpu.memory_space<vmem>>) target(%dma_start3A_351 : memref<4096xf32, #tpu.memory_space<hbm>>) target_semaphore(%run_scoped3A : memref<!tpu.dma_semaphore, #tpu.memory_space<semaphore_mem>>)
      %dma_wait3A_353 = tpu.memref_slice %arg9[%mul3A_33] : memref<65536xf32, #tpu.memory_space<vmem>> -> memref<4096xf32, #tpu.memory_space<vmem>>
      %dma_wait3A_354 = tpu.memref_slice %arg7[%arg0, %mul3A_33] : memref<2x65536xf32, #tpu.memory_space<hbm>> -> memref<1x4096xf32, #tpu.memory_space<hbm>>
      %dma_wait3A_355 = tpu.memref_squeeze %dma_wait3A_354 : memref<1x4096xf32, #tpu.memory_space<hbm>> -> memref<4096xf32, #tpu.memory_space<hbm>>
      %dma_wait3A_356 = tpu.memref_slice %arg7[%arg0, %mul3A_33] : memref<2x65536xf32, #tpu.memory_space<hbm>> -> memref<1x4096xf32, #tpu.memory_space<hbm>>
      %dma_wait3A_357 = tpu.memref_squeeze %dma_wait3A_356 : memref<1x4096xf32, #tpu.memory_space<hbm>> -> memref<4096xf32, #tpu.memory_space<hbm>>
      %dma_wait3A_358 = tpu.memref_slice %arg9[%mul3A_33] : memref<65536xf32, #tpu.memory_space<vmem>> -> memref<4096xf32, #tpu.memory_space<vmem>>
      tpu.wait_dma2 semaphore(%run_scoped3A : memref<!tpu.dma_semaphore, #tpu.memory_space<semaphore_mem>>) src(%dma_wait3A_358 : memref<4096xf32, #tpu.memory_space<vmem>>) dst(%dma_wait3A_357 : memref<4096xf32, #tpu.memory_space<hbm>>)
      tpu.yield
    }) : () -> ()
    return
  }
}

module attributes {stable_mosaic.version = 14 : i64} {
  func.func @_combine_body(%arg0: memref<2x512x128xf32, #tpu.memory_space<vmem>>, %arg1: memref<512x128xf32, #tpu.memory_space<vmem>>, %arg2: memref<512x128xf32, #tpu.memory_space<vmem>>) attributes {dimension_semantics = [], scalar_prefetch = 0 : i64, scratch_operands = 0 : i64, tpu.core_type = #tpu.core_type<tc>} {
    %get3A = arith.constant 0 : index
    %get3A_0 = arith.constant 0 : index
    %get3A_1 = arith.constant 0 : index
    %get3A_2 = vector.load %arg0[%get3A, %get3A_0, %get3A_1] : memref<2x512x128xf32, #tpu.memory_space<vmem>>, vector<1x512x128xf32>
    %get3A_3 = vector.shape_cast %get3A_2 : vector<1x512x128xf32> to vector<512x128xf32>
    %get3A_4 = arith.constant 1 : index
    %get3A_5 = arith.constant 0 : index
    %get3A_6 = arith.constant 0 : index
    %get3A_7 = vector.load %arg0[%get3A_4, %get3A_5, %get3A_6] : memref<2x512x128xf32, #tpu.memory_space<vmem>>, vector<1x512x128xf32>
    %get3A_8 = vector.shape_cast %get3A_7 : vector<1x512x128xf32> to vector<512x128xf32>
    %add3A = arith.addf %get3A_3, %get3A_8 : vector<512x128xf32>
    %get3A_9 = arith.constant 0 : index
    %get3A_10 = arith.constant 0 : index
    %get3A_11 = vector.load %arg1[%get3A_9, %get3A_10] : memref<512x128xf32, #tpu.memory_space<vmem>>, vector<512x128xf32>
    %add3A_12 = arith.addf %add3A, %get3A_11 : vector<512x128xf32>
    %swap3A = arith.constant 0 : index
    %swap3A_13 = arith.constant 0 : index
    %swap3A_14 = vector.load %arg2[%swap3A, %swap3A_13] : memref<512x128xf32, #tpu.memory_space<vmem>>, vector<512x128xf32>
    tpu.vector_store %arg2[%swap3A, %swap3A_13], %add3A_12 {strides = array<i32>} : memref<512x128xf32, #tpu.memory_space<vmem>>, vector<512x128xf32>,
    return
  }
}

</mosaic_0001>

<sc_bundles>
// kernel: kernel.4.cloned.1.call-start
scs
__scs_entry_jumppad:
0x0: {  	(pc) =	sbr.rel $0x88, $3  }
0x1: {  	(tag) =	ssettag $0x0;
	lr =	simm.s32 $0x1  }
0x2: {  	[smem:$0x3F9C] =	sst lr;
	_ =	strace $0xD0000000  }
0x3: {  	_ = 	snop  }
0x4: {  	_ = 	snop  }
0x5: {  	_ = 	snop  }
0x6: {  	_ = 	snop  }
0x7: {  	_ = 	snop  }
__scs_overlays_trampoline_lowered:
0x8: {  	[smem:$0x3FAB] =	sst s0  }
0x9: {  	[smem:$0x3FAC] =	sst s1  }
0xa: {  	[smem:$0x3FAD] =	sst s2  }
0xb: {  	[smem:$0x3FAE] =	sst s3  }
0xc: {  	[smem:$0x3FAF] =	sst s4  }
0xd: {  	[smem:$0x3FB0] =	sst s5  }
0xe: {  	[smem:$0x3FB1] =	sst s6  }
0xf: {  	[smem:$0x3FB2] =	sst s7  }
0x10: {  	[smem:$0x3FB3] =	sst s8  }
0x11: {  	[smem:$0x3FB4] =	sst s9;
	s0 =	simm.s32 @!p0 $0x0  }
0x12: {  	s1 =	sld [smem:$0x3F9A];
	s0 =	simm.s32 @p0 $0x1  }
0x13: {  	[smem:$0x3FB5] =	sst s0;
	s0 =	simm.s32 @!p1 $0x0  }
0x14: {  	s2 =	sld [smem:$0x3F99];
	s0 =	simm.s32 @p1 $0x1  }
0x15: {  	[smem:$0x3FB6] =	sst s0;
	s0 =	simm.s32 @!p2 $0x0  }
0x16: {  	s3 =	sld [smem:$0x3FDB];
	s0 =	simm.s32 @p2 $0x1  }
0x17: {  	s4 =	simm.s32 $0x1BF5;
	[smem:$0x3FB8] =	sst s0  }
0x18: {  	s0 =	sld [smem:$0x3F9B];
	_ =	swait.ge [sflag:s4], $0x0  }
0x19: {  	s7 =	sld [smem:$0x3F9C]  }
0x1a: {  	s8 =	sadd.s32 $0xFFFFE003, lr  }
0x1b: {  	s9 =	sadd.s32 $0xFFFFFEF7, lr;
	s5 =	simm.s32 $0xFFFFFFFF;
	p2 =	slt.u32 s8, $0xFFFFF086  }
0x1c: {  	p1 =	slt.u32 s9, $0xF7A;
	s5 =	simm.s32 @!p2 $0x0  }
0x1d: {  	s5 =	simm.s32 @p1 $0x1;
	p0 =	seq.s32 s7, s2  }
0x1e: {  	s7 =	smul.u32 @!p0 $0xF7A, s2;
	p2 =	seq.s32 @!p0 s5, $0x0  }
0x1f: {  	s9 =	smul.u32 $0xF7A, s1;
	s8 =	simm.s32 @!p0 $0x1BF5;
	p2 =	por !p2, p0  }
0x20: {  	[sflag:s8] =	ssyncset.s32 @!p0 $0xFFFFF086;
	s6 =	sadd.s32 @!p0 s3, s7;
	s7 =	simm.s32 @!p0 $0x108  }
0x21: {  	s3 =	sadd.s32 s3, s9;
	s6 =	sadd.s32 @!p0 $0x88, s6;
	s7 =	simm.s32 @p2 $0x1082  }
0x22: {  	[simem:s7], [sflag:s8] =	dma.local @!p0 [hbm:s6], $0xF7A  }
0x23: {  	s9 =	sor.u32 $0xD0000000, s2;
	s6 =	simm.s32 $0x108;
	_ =	swait.ge @!p0 [sflag:s8], $0x0  }
0x24: {  	s3 =	sadd.s32 $0x88, s3;
	s6 =	simm.s32 @!p1 $0x1082;
	[sflag:s4] =	ssyncset.s32 $0xFFFFF086  }
0x25: {  	[simem:s6], [sflag:s4] =	dma.local [hbm:s3], $0xF7A  }
0x26: {  	[smem:$0x3F9C] =	sst s1;
	(tag) =	ssettag s2;
	_ =	strace s9  }
0x27: {  	s1 =	sld [smem:$0x3FAC]  }
0x28: {  	s2 =	sld [smem:$0x3FAD]  }
0x29: {  	s4 =	sld [smem:$0x3FAF]  }
0x2a: {  	p0 =	seq.s32 s5, $0x0;
	s5 =	sld [smem:$0x3FB0]  }
0x2b: {  	s6 =	sld [smem:$0x3FB1]  }
0x2c: {  	s7 =	sld [smem:$0x3FB2]  }
0x2d: {  	s3 =	simm.s32 $0x108;
	s8 =	sld [smem:$0x3FB3]  }
0x2e: {  	s3 =	simm.s32 @!p0 $0x1082;
	s9 =	sld [smem:$0x3FB4]  }
0x2f: {  	lr =	sadd.s32 s0, s3;
	s0 =	sld [smem:$0x3FAB]  }
0x30: {  	s3 =	sld [smem:$0x3FAE]  }
0x31: {  	[smem:$0x3FB7] =	sst s10  }
0x32: {  	s10 =	sld [smem:$0x3FB5];
	_ =	sdelay $0x3  }
0x33: {  	p0 =	seq.s32 s10, $0x1;
	s10 =	sld [smem:$0x3FB7];
	_ =	sdelay $0x3  }
0x34: {  	[smem:$0x3FB7] =	sst s10  }
0x35: {  	s10 =	sld [smem:$0x3FB6];
	_ =	sdelay $0x3  }
0x36: {  	p1 =	seq.s32 s10, $0x1;
	s10 =	sld [smem:$0x3FB7];
	_ =	sdelay $0x3  }
0x37: {  	[smem:$0x3FB7] =	sst s10  }
0x38: {  	s10 =	sld [smem:$0x3FB8]  }
0x39: {  	_ = 	snop;
	(pc) =	sbr.ind lr, $3  }
0x3a: {  	_ = 	snop  }
0x3b: {  	_ = 	snop  }
0x3c: {  	p2 =	seq.s32 s10, $0x1;
	s10 =	sld [smem:$0x3FB7]  }
0x3d: {  	_ =	shalt  }
0x3e: {  	_ =	shalt  }
0x3f: {  	_ =	shalt  }
0x40: {  	_ =	shalt  }
0x41: {  	_ =	shalt  }
0x42: {  	_ =	shalt  }
0x43: {  	_ =	shalt  }
0x44: {  	_ =	shalt  }
0x45: {  	_ =	shalt  }
0x46: {  	_ =	shalt  }
0x47: {  	_ =	shalt  }
0x48: {  	_ =	shalt  }
0x49: {  	_ =	shalt  }
0x4a: {  	_ =	shalt  }
0x4b: {  	_ =	shalt  }
0x4c: {  	_ =	shalt  }
0x4d: {  	_ =	shalt  }
0x4e: {  	_ =	shalt  }
0x4f: {  	_ =	shalt  }
0x50: {  	_ =	shalt  }
0x51: {  	_ =	shalt  }
0x52: {  	_ =	shalt  }
0x53: {  	_ =	shalt  }
0x54: {  	_ =	shalt  }
0x55: {  	_ =	shalt  }
0x56: {  	_ =	shalt  }
0x57: {  	_ =	shalt  }
0x58: {  	_ =	shalt  }
0x59: {  	_ =	shalt  }
0x5a: {  	_ =	shalt  }
0x5b: {  	_ =	shalt  }
0x5c: {  	_ =	shalt  }
0x5d: {  	_ =	shalt  }
0x5e: {  	_ =	shalt  }
0x5f: {  	_ =	shalt  }
0x60: {  	_ =	shalt  }
0x61: {  	_ =	shalt  }
0x62: {  	_ =	shalt  }
0x63: {  	_ =	shalt  }
0x64: {  	_ =	shalt  }
0x65: {  	_ =	shalt  }
0x66: {  	_ =	shalt  }
0x67: {  	_ =	shalt  }
0x68: {  	_ =	shalt  }
0x69: {  	_ =	shalt  }
0x6a: {  	_ =	shalt  }
0x6b: {  	_ =	shalt  }
0x6c: {  	_ =	shalt  }
0x6d: {  	_ =	shalt  }
0x6e: {  	_ =	shalt  }
0x6f: {  	_ =	shalt  }
0x70: {  	_ =	shalt  }
0x71: {  	_ =	shalt  }
0x72: {  	_ =	shalt  }
0x73: {  	_ =	shalt  }
0x74: {  	_ =	shalt  }
0x75: {  	_ =	shalt  }
0x76: {  	_ =	shalt  }
0x77: {  	_ =	shalt  }
0x78: {  	_ =	shalt  }
0x79: {  	_ =	shalt  }
0x7a: {  	_ =	shalt  }
0x7b: {  	_ =	shalt  }
0x7c: {  	_ =	shalt  }
0x7d: {  	_ =	shalt  }
0x7e: {  	_ =	shalt  }
0x7f: {  	_ =	shalt  }
0x80: {  	_ =	shalt  }
0x81: {  	_ =	shalt  }
0x82: {  	_ =	shalt  }
0x83: {  	_ =	shalt  }
0x84: {  	_ =	shalt  }
0x85: {  	_ =	shalt  }
0x86: {  	_ =	shalt  }
0x87: {  	_ =	shalt  }
.Lfunc_end0:
.L_simem_size_0:
called_computation_lowered:
.L_overlay_start_0:
0x88: {  	s2 =	sld [smem:$0x3FD9]  }
0x89: {  	s3 =	sld [smem:$0x3FFE];
	_ =	sdelay $0x1  }
0x8a: {  	s1 =	srdreg.scid  }
0x8b: {  	s0 =	sand.u32 $0x1, s1  }
0x8c: {  	s17 =	sshll.u32 s0, $0xA;
	s2 =	sadd.s32 s3, s2  }
0x8d: {  	s2 =	sadd.s32 s2, s17  }
0x8e: {  	[smem:$0x3FC3] =	sst s2  }
0x8f: {  	_ = 	snop  }
0x90: {  	s2 =	sld [smem:$0x3FC8]  }
0x91: {  	s18 =	sld [smem:$0x3FC7]  }
0x92: {  	s4 =	sld [smem:$0x3FC6]  }
0x93: {  	s5 =	sld [smem:$0x3FD0];
	(tm) =	ssettm $0x1  }
0x94: {  	s6 =	sld [smem:$0x3FFB];
	_ =	sdelay $0x3  }
0x95: {  	_ =	strace s6  }
0x96: {  	s6 =	sld [smem:$0x3FFC];
	_ =	sdelay $0x3  }
0x97: {  	_ =	strace s6  }
0x98: {  	s6 =	sld [smem:$0x3FFD];
	_ =	sdelay $0x3  }
0x99: {  	_ =	strace s6  }
0x9a: {  	_ =	strace $0x8FFFFFFF  }
0x9b: {  	s19 =	sld [smem:$0x3FDB];
	_ =	sdelay $0x1  }
0x9c: {  	s7 =	simm.s32 $_scs_section_size  }
0x9d: {  	s8 =	simm.s32 $_size__tile_overlayer_lowered;
	s9 =	simm.s32 $_tile_overlayer_lowered  }
0x9e: {  	s22 =	simm.s32 $0x1BFF;
	s21 =	sshll.u32 s9, $0x1;
	s6 =	sadd.s32 s7, s19  }
0x9f: {  	s10 =	simm.s32 $0x0;
	s20 =	sshll.u32 s8, $0x1;
	s8 =	sadd.s32 s21, s6  }
0xa0: {  	[timem:s10], [sflag:s22] =	dma.local [hbm:s8], s20  }
0xa1: {  	_ =	swait.ge [sflag:s22], s20  }
0xa2: {  	s7 =	ssub.s32 $0x0, s20;
	[sflag:s22] =	ssyncset.done $0x0  }
0xa3: {  	[sflag:s22] =	ssyncadd.s32 s7;
	_ =	sdelay $0x1  }
0xa4: {  	s23 =	simm.s32 $0x1B8B  }
0xa5: {  	_ =	swait.ge [sflag:s23], $0x1  }
0xa6: {  	[sflag:s23] =	ssyncset.done $0x0  }
0xa7: {  	s25 =	simm.s32 $0x1B8E;
	s24 =	sld [smem:$0x3FFE];
	[sflag:s23] =	ssyncadd.s32 $0xFFFFFFFF  }
0xa8: {  	s26 =	simm.s32 $execute0_lowered;
	[smem:$0x3FD2] =	sst s25  }
0xa9: {  	s8 =	sshll.u32 s26, $0x1;
	_ =	strace $0x80000046;
	[dreg:$0x1] =	wrdreg $0xFFFFFFFF  }
0xaa: {  	s28 =	simm.s32 $_size_execute0_lowered;
	s6 =	sadd.s32 s6, s8;
	[dreg:$0x0] =	wrdreg $0x0  }
0xab: {  	s8 =	sshll.u32 s28, $0x1;
	[dreg:$0x2] =	wrdreg s6  }
0xac: {  	[dreg:$0x3] =	wrdreg s8  }
0xad: {  	[dreg:$0x4] =	wrdreg $0xC0  }
0xae: {  	_ =	task [dreg:s10], $0x5FFFF  }
0xaf: {  	[dreg:$0x1] =	wrdreg $0xFFFFFFFF  }
0xb0: {  	[dreg:$0x0] =	wrdreg $0x60  }
0xb1: {  	[dreg:$0x2] =	wrdreg s2  }
0xb2: {  	[dreg:$0x3] =	wrdreg s18  }
0xb3: {  	[dreg:$0x4] =	wrdreg s4  }
0xb4: {  	[dreg:$0x5] =	wrdreg s5  }
0xb5: {  	[dreg:$0x6] =	wrdreg s24  }
0xb6: {  	[dreg:$0x7] =	wrdreg $0x9  }
0xb7: {  	_ =	task.clear_ibuf [dreg:s10], $0x8FFFF;
	_ =	strace $0x90000046  }
0xb8: {  	s29 =	simm.s32 $0x9;
	_ =	strace $0x80000048  }
0xb9: {  	_ =	swait.ge [sflag:s29], $0x1  }
0xba: {  	[sflag:s29] =	ssyncadd.s32 $0xFFFFFFFF  }
0xbb: {  	_ =	strace $0x90000048  }
0xbc: {  	_ =	sfence  }
0xbd: {  	s30 =	sld [smem:$0x0];
	_ =	sdelay $0x2  }
0xbe: {  	s31 =	sshll.u32 s1, $0xD;
	s1 =	sshrl.u32 s1, $0x2  }
0xbf: {  	s3 =	sand.u32 $0x4000, s31;
	s1 =	sadd.s32 s1, s30  }
0xc0: {  	s0 =	sor.u32 s3, s0;
	s1 =	sshll.u32 s1, $0x11  }
0xc1: {  	s0 =	sor.u32 s1, s0  }
0xc2: {  	s0 =	sadd.s32 $0x8F2B, s0  }
0xc3: {  	[sflag:s0] =	ssyncadd.remote.s32 $0x1  }
0xc4: {  	_ =	sfence.sel $0xFFFF  }
0xc5: {  	[dreg:$0x0] =	wrdreg $0xFFFFFFFF;
	(pc) =	sbr.abs _section_cstart, $3  }
0xc6: {  	[dreg:$0x1] =	wrdreg $0xFFFFFFFF  }
0xc7: {  	_ =	task.clear_ibuf [dreg:s10], $0x2FFFF;
	_ =	strace $0x9FFFFFFF  }
0xc8: {  	(tm) =	ssettm $0x7FFFFFFF  }
0xc9: {  	_ =	shalt  }
tec
execute0_lowered:
.L_overlay_start_1:
0x0: {  	(tag) =	ssettag $0x1  }
0x1: {  	s0 =	rddreg [dreg:$0x0]  }
0x2: {  	s1 =	rddreg [dreg:$0x4];
	s3 =	srdreg.scid  }
0x3: {  	s2 =	rddreg [dreg:$0x1];
	s24 =	stileid.u32  }
0x4: {  	s6 =	sadd.s32 $0x600, s1;
	s4 =	sand.u32 $0x1, s3;
	s9 =	sshll.u32 s24, $0x1  }
0x5: {  	s26 =	sshll.u32 s24, $0x11;
	s3 =	sshll.u32 s4, $0x4;
	s5 =	ssub.s32 $0x2, s4  }
0x6: {  	s8 =	sor.u32 s4, s9;
	s11 =	sadd.s32 $0x2, s9;
	s21 =	sadd.s32 $0x4, s9  }
0x7: {  	s13 =	sadd.s32 $0x6, s9;
	s25 =	sadd.s32 $0xA, s9;
	s7 =	sadd.s32 s3, s1  }
0x8: {  	s16 =	sshrl.u32 s5, $0x1;
	s3 =	sshll.u32 s24, $0xE;
	s10 =	sshll.u32 s8, $0x4  }
0x9: {  	s12 =	sand.u32 $0x6, s11;
	s19 =	sshll.u32 s11, $0x10;
	s22 =	sand.u32 $0x6, s21  }
0xa: {  	s14 =	sand.u32 $0x6, s13;
	s13 =	sshll.u32 s13, $0x10;
	s15 =	sand.u32 $0x6, s25  }
0xb: {  	s1 =	ssub.s32 s5, s16;
	s17 =	sand.u32 $0x30000, s3;
	s10 =	sand.u32 $0x70, s10  }
0xc: {  	s18 =	sor.u32 s4, s12;
	s11 =	sor.u32 s4, s22;
	s12 =	sshll.u32 s21, $0x10  }
0xd: {  	s23 =	sor.u32 s4, s14;
	s13 =	sand.u32 $0x180000, s13;
	s16 =	sshll.u32 s8, $0x7  }
0xe: {  	s15 =	sor.u32 s4, s15;
	s14 =	sshll.u32 s25, $0x10;
	s22 =	sadd.s32 $0x12, s9  }
0xf: {  	s25 =	sadd.s32 $0x16, s9;
	s3 =	sshrl.u32 s3, $0x2;
	s5 =	sadd.s32 s6, s17  }
0x10: {  	s20 =	sshll.u32 s18, $0x7;
	s12 =	sand.u32 $0x180000, s12;
	s11 =	sshll.u32 s11, $0x7  }
0x11: {  	s14 =	sand.u32 $0x180000, s14;
	s15 =	sshll.u32 s15, $0x7;
	s17 =	sadd.s32 $0xC, s9  }
0x12: {  	s1 =	smax.u32 s1, $0x1;
	s5 =	sadd.s32 s10, s5;
	s10 =	sand.u32 $0x180000, s19  }
0x13: {  	s11 =	sor.u32 s12, s11;
	s12 =	sshll.u32 s23, $0x7;
	s14 =	sor.u32 s14, s15  }
0x14: {  	s18 =	sand.u32 $0x6, s17;
	s19 =	sshll.u32 s17, $0x10;
	s23 =	sand.u32 $0x6, s22  }
0x15: {  	[dreg:$0x6] =	wrdreg s5;
	s5 =	sshll.u32 s24, $0xF;
	s10 =	sor.u32 s10, s20  }
0x16: {  	s13 =	sor.u32 s13, s12;
	s12 =	sor.u32 s16, s26;
	s15 =	sor.u32 s4, s18  }
0x17: {  	s20 =	sadd.s32 $0xE, s9;
	s16 =	sand.u32 $0x180000, s19;
	s19 =	sadd.s32 $0x14, s9  }
0x18: {  	s26 =	sand.u32 $0x6, s25;
	s15 =	sshll.u32 s15, $0x7;
	s18 =	sand.u32 $0x6, s20  }
0x19: {  	s17 =	sshll.u32 s20, $0x10;
	s20 =	sand.u32 $0x6, s19;
	s19 =	sshll.u32 s19, $0x10  }
0x1a: {  	s10 =	sor.u32 s5, s10;
	s11 =	sor.u32 s5, s11;
	s13 =	sor.u32 s5, s13  }
0x1b: {  	s14 =	sor.u32 s5, s14;
	s15 =	sor.u32 s16, s15;
	s21 =	sor.u32 s4, s18  }
0x1c: {  	s17 =	sand.u32 $0x180000, s17;
	s18 =	sshll.u32 s22, $0x10;
	s20 =	sor.u32 s4, s20  }
0x1d: {  	s19 =	sand.u32 $0x180000, s19;
	s10 =	sshrl.u32 s10, $0x3;
	s11 =	sshrl.u32 s11, $0x3  }
0x1e: {  	s13 =	sshrl.u32 s13, $0x3;
	s16 =	sshll.u32 s21, $0x7;
	s18 =	sand.u32 $0x180000, s18  }
0x1f: {  	s20 =	sshll.u32 s20, $0x7;
	s21 =	sadd.s32 $0x1A, s9;
	s15 =	sor.u32 s5, s15  }
0x20: {  	s10 =	sadd.s32 s6, s10;
	s11 =	sadd.s32 s6, s11;
	s16 =	sor.u32 s17, s16  }
0x21: {  	s17 =	sor.u32 s4, s23;
	s22 =	sand.u32 $0x6, s21;
	s21 =	sshll.u32 s21, $0x10  }
0x22: {  	s23 =	sadd.s32 $0x1C, s9;
	s9 =	sadd.s32 $0x1E, s9;
	[dreg:$0x7] =	wrdreg s10  }
0x23: {  	[dreg:$0x8] =	wrdreg s11;
	s10 =	sadd.s32 s6, s13;
	s17 =	sshll.u32 s17, $0x7  }
0x24: {  	s22 =	sor.u32 s4, s22;
	s21 =	sand.u32 $0x180000, s21;
	s16 =	sor.u32 s5, s16  }
0x25: {  	[dreg:$0x9] =	wrdreg s10;
	s17 =	sor.u32 s18, s17;
	s18 =	sor.u32 s19, s20  }
0x26: {  	s19 =	sshll.u32 s25, $0x10;
	s20 =	sor.u32 s4, s26;
	s22 =	sshll.u32 s22, $0x7  }
0x27: {  	s25 =	sshll.u32 s23, $0x10;
	s26 =	sand.u32 $0x6, s9;
	s9 =	sshll.u32 s9, $0x10  }
0x28: {  	s19 =	sand.u32 $0x180000, s19;
	s20 =	sshll.u32 s20, $0x7;
	s9 =	sand.u32 $0x180000, s9  }
0x29: {  	s17 =	sor.u32 s5, s17;
	s18 =	sor.u32 s5, s18;
	s19 =	sor.u32 s19, s20  }
0x2a: {  	s20 =	sor.u32 s21, s22;
	s22 =	sand.u32 $0x6, s23;
	s23 =	sor.u32 s4, s26  }
0x2b: {  	s26 =	sand.u32 $0x180380, s12;
	s21 =	sor.u32 s4, s22;
	s22 =	sand.u32 $0x180000, s25  }
0x2c: {  	s25 =	sadd.s32 $0x80000, s12;
	s4 =	rddreg [dreg:$0x2];
	s23 =	sshll.u32 s23, $0x7  }
0x2d: {  	s12 =	sadd.s32 $0x180000, s12;
	s19 =	sor.u32 s5, s19;
	s20 =	sor.u32 s5, s20  }
0x2e: {  	s21 =	sshll.u32 s21, $0x7;
	s9 =	sor.u32 s9, s23;
	s23 =	sor.u32 s5, s26  }
0x2f: {  	s12 =	sand.u32 $0x180380, s12;
	s26 =	sshrl.u32 s14, $0x3;
	s21 =	sor.u32 s22, s21  }
0x30: {  	s22 =	sand.u32 $0x180380, s25;
	s12 =	sor.u32 s5, s12;
	s9 =	sor.u32 s5, s9  }
0x31: {  	s14 =	sadd.s32 s6, s26;
	s26 =	sshrl.u32 s23, $0x3;
	s23 =	sshll.u32 s8, $0xE  }
0x32: {  	s8 =	sshll.u32 s8, $0x11;
	s22 =	sor.u32 s5, s22;
	s21 =	sor.u32 s5, s21  }
0x33: {  	s5 =	simm.s32 $0x0;
	[dreg:$0xb] =	wrdreg s14;
	s13 =	sxor.u32 $0x20000, s26  }
0x34: {  	s14 =	sshrl.u32 s17, $0x3;
	s17 =	sshrl.u32 s19, $0x3;
	s19 =	sshrl.u32 s20, $0x3  }
0x35: {  	s9 =	sshrl.u32 s9, $0x3;
	s26 =	sadd.s32 s2, s23;
	s30 =	sor.u32 $0x2000, s8  }
0x36: {  	s31 =	sor.u32 $0x3000, s8;
	s8 =	simm.s32 $0x1C000;
	[smem:$0x7FF] =	sst s5  }
0x37: {  	s25 =	sshrl.u32 s22, $0x3;
	s22 =	sshrl.u32 s15, $0x3;
	s15 =	sshrl.u32 s18, $0x3  }
0x38: {  	s18 =	sshrl.u32 s12, $0x3;
	s20 =	sadd.s32 s6, s19;
	s21 =	sshrl.u32 s21, $0x3  }
0x39: {  	s12 =	simm.s32 $0x8000;
	s11 =	sadd.s32 s6, s25;
	s25 =	sshrl.u32 s16, $0x3  }
0x3a: {  	s10 =	sadd.s32 s6, s22;
	s16 =	sadd.s32 s6, s15;
	[dreg:$0x13] =	wrdreg s20  }
0x3b: {  	s22 =	sshll.u32 s24, $0xA;
	s24 =	sadd.s32 s0, s23;
	[dreg:$0xa] =	wrdreg s11  }
0x3c: {  	s15 =	simm.s32 $0x400;
	[dreg:$0xc] =	wrdreg s10;
	s11 =	sadd.s32 s6, s25  }
0x3d: {  	s10 =	sadd.s32 s6, s13;
	[dreg:$0x10] =	wrdreg s16;
	s25 =	sor.u32 $0x200, s23  }
0x3e: {  	s13 =	simm.s32 $0x2;
	s16 =	simm.s32 $0x4;
	[dreg:$0xd] =	wrdreg s11  }
0x3f: {  	[dreg:$0xe] =	wrdreg s10;
	s10 =	sadd.s32 s6, s14;
	s28 =	sadd.s32 s2, s25  }
0x40: {  	s29 =	sadd.s32 s4, s25;
	[dreg:$0xf] =	wrdreg s10;
	s10 =	sadd.s32 s6, s17  }
0x41: {  	s11 =	simm.s32 $0x1;
	[dreg:$0x11] =	wrdreg s10;
	s10 =	sadd.s32 s6, s18  }
0x42: {  	s14 =	simm.s32 $0x80;
	[dreg:$0x12] =	wrdreg s10;
	s10 =	sadd.s32 s6, s21  }
0x43: {  	s17 =	simm.s32 $0x0;
	s6 =	sadd.s32 s6, s9;
	[dreg:$0x14] =	wrdreg s10  }
0x44: {  	s21 =	sadd.s32 $0x8000, s3;
	s3 =	sadd.s32 $0x8040, s3;
	[dreg:$0x15] =	wrdreg s6  }
0x45: {  	s9 =	simm.s32 $0x1D000;
	_ =	strace $0x80000047;
	[dreg:$0x16] =	wrdreg s24  }
0x46: {  	s6 =	sadd.s32 s22, s7;
	s7 =	sadd.s32 s4, s23;
	[dreg:$0x17] =	wrdreg s26  }
0x47: {  	s10 =	simm.s32 $0x3;
	[dreg:$0x18] =	wrdreg s7;
	s26 =	sadd.s32 s0, s25  }
0x48: {  	v0 =	vimm.f32 $0.0e+00;
	s18 =	sadd.s32 $0x40600, s6;
	s6 =	simm.s32 $0x1A000;
	s7 =	simm.s32 $0x1B000  }
.LBB2_1:
0x49: {  	s19 =	rddreg [dreg:$0x3]  }
0x4a: {  	[tilespmem:s5], [sflag:$0x3] =	stream.linear.gather [hbm4b:s19+s5], $0x8000, $0x38;
	[tilespmem:$0x1E000] =	vst v63  }
0x4b: {  	s22 =	rddreg [dreg:$0x16];
	s20 =	simm.s32 $0x18000  }
0x4c: {  	[tilespmem:s20], [sflag:$0x1] =	stream.linear.gather [hbm4b:s22+s5], $0x1000, $0x38;
	[tilespmem:$0x1E000] =	vst v63  }
0x4d: {  	s23 =	rddreg [dreg:$0x17];
	s24 =	simm.s32 $0x19000  }
0x4e: {  	[tilespmem:s24], [sflag:$0x1] =	stream.linear.gather [hbm4b:s23+s5], $0x1000, $0x38;
	[tilespmem:$0x1E000] =	vst v63  }
0x4f: {  	s25 =	rddreg [dreg:$0x18]  }
0x50: {  	[tilespmem:s6], [sflag:$0x1] =	stream.linear.gather [hbm4b:s25+s5], $0x1000, $0x38;
	[tilespmem:$0x1E000] =	vst v63  }
0x51: {  	_ = 	snop  }
0x52: {  	[tilespmem:s7], [sflag:$0x2] =	stream.linear.gather [hbm4b:s26+s5], $0x1000, $0x38;
	[tilespmem:$0x1E000] =	vst v63  }
0x53: {  	_ = 	snop  }
0x54: {  	[tilespmem:s8], [sflag:$0x2] =	stream.linear.gather [hbm4b:s28+s5], $0x1000, $0x38;
	[tilespmem:$0x1E000] =	vst v63  }
0x55: {  	s19 =	simm.s32 $0x8040  }
0x56: {  	[tilespmem:s9], [sflag:$0x2] =	stream.linear.gather [hbm4b:s29+s5], $0x1000, $0x38;
	[tilespmem:$0x1E000] =	vst v63  }
0x57: {  	[tilespmem:s19+$0xFFFFFFC0] =	vst v0  }
0x58: {  	[tilespmem:s19+$0x30] =	vst v0  }
0x59: {  	[tilespmem:s19+$0x20] =	vst v0  }
0x5a: {  	[tilespmem:s19+$0x10] =	vst v0  }
0x5b: {  	[tilespmem:s19+$0x0] =	vst v0  }
0x5c: {  	[tilespmem:s19+$0xFFFFFFF0] =	vst v0  }
0x5d: {  	s20 =	simm.s32 $0x0;
	[tilespmem:s19+$0xFFFFFFE0] =	vst v0  }
.LBB2_2:
0x5e: {  	s20 =	sadd.s32 $0x8, s20;
	[tilespmem:s19+$0xFFFFFFD0] =	vst v0;
	s19 =	sadd.s32 $0x80, s19  }
0x5f: {  	[tilespmem:s19+$0xFFFFFFC0] =	vst v0;
	p0 =	slt.u32 s20, $0xFF8  }
0x60: {  	[tilespmem:s19+$0x30] =	vst v0  }
.Ltmp0:
0x61: {  	[tilespmem:s19+$0x20] =	vst v0;
	(pc) =	sbr.rel @p0 .LBB2_2-.Ltmp0, $4  }
0x62: {  	[tilespmem:s19+$0x10] =	vst v0  }
0x63: {  	[tilespmem:s19+$0x0] =	vst v0  }
0x64: {  	[tilespmem:s19+$0xFFFFFFF0] =	vst v0  }
0x65: {  	[tilespmem:s19+$0xFFFFFFE0] =	vst v0  }
0x66: {  	[tilespmem:s19+$0xFFFFFFD0] =	vst v0  }
0x67: {  	_ =	swait.ge [sflag:s10], $0x8000  }
0x68: {  	[sflag:s10] =	ssyncset.done $0x0  }
0x69: {  	s19 =	simm.s32 $0x0;
	[sflag:s10] =	ssyncadd.s32 $0xFFFF8000  }
.LBB2_4:
0x6a: {  	_ =	swait.ge [sflag:s11], $0x1000  }
0x6b: {  	[sflag:s11] =	ssyncset.done $0x0  }
0x6c: {  	[sflag:s11] =	ssyncadd.s32 $0xFFFFF000  }
0x6d: {  	_ =	swait.ge [sflag:s11], $0x1000  }
0x6e: {  	[sflag:s11] =	ssyncset.done $0x0  }
0x6f: {  	[sflag:s11] =	ssyncadd.s32 $0xFFFFF000  }
0x70: {  	_ =	swait.ge [sflag:s11], $0x1000  }
0x71: {  	[sflag:s11] =	ssyncset.done $0x0  }
0x72: {  	s23 =	simm.s32 $0x18100;
	[sflag:s11] =	ssyncadd.s32 $0xFFFFF000  }
0x73: {  	v1 =	vld [tilespmem:s23+$0xF0]  }
0x74: {  	v48 =	vld [tilespmem:s23+$0xFFFFFF10]  }
0x75: {  	v50 =	vld [tilespmem:s23+$0xFFFFFF20]  }
0x76: {  	v46 =	vld [tilespmem:s23+$0xFFFFFF30]  }
0x77: {  	v45 =	vld [tilespmem:s23+$0xFFFFFF40]  }
0x78: {  	v44 =	vld [tilespmem:s23+$0xFFFFFF50]  }
0x79: {  	v42 =	vld [tilespmem:s23+$0xFFFFFF60]  }
0x7a: {  	v39 =	vld [tilespmem:s23+$0xFFFFFF70]  }
0x7b: {  	v36 =	vld [tilespmem:s23+$0xFFFFFF80]  }
0x7c: {  	v31 =	vld [tilespmem:s23+$0xFFFFFF90]  }
0x7d: {  	s20 =	simm.s32 $0x19100;
	v32 =	vld [tilespmem:s23+$0xFFFFFFA0]  }
0x7e: {  	s22 =	simm.s32 $0x1A100;
	v3 =	vld [tilespmem:s20+$0xF0];
	v2 =	vshrl.u32 v1, $0x1  }
0x7f: {  	v4 =	vld [tilespmem:s22+$0xF0]  }
0x80: {  	v34 =	vld [tilespmem:s23+$0xFFFFFFB0]  }
0x81: {  	v29 =	vld [tilespmem:s23+$0xFFFFFFC0]  }
0x82: {  	v26 =	vld [tilespmem:s23+$0xFFFFFFD0]  }
0x83: {  	v2 =	vld.idx.msk [tilespmem:v2+s5+$0x0], $0xffff  }
0x84: {  	v24 =	vld [tilespmem:s23+$0xFFFFFFE0]  }
0x85: {  	v25 =	vld [tilespmem:s23+$0xFFFFFFF0]  }
0x86: {  	v21 =	vld [tilespmem:s23+$0x0]  }
0x87: {  	v20 =	vld [tilespmem:s23+$0x10];
	v1 =	vand.u32 $0x1, v1  }
0x88: {  	v19 =	vld [tilespmem:s23+$0x20];
	vm0 =	veq.s32 v1, $0x0;
	v38 =	vand.u32 $0xFFFF0000, v2;
	v2 =	vshll.u32 v2, $0x10  }
0x89: {  	v16 =	vld [tilespmem:s23+$0x30];
	v1 =	vsel vm0, v2, v38  }
0x8a: {  	v15 =	vld [tilespmem:s23+$0x40];
	v1 =	vmul.f32 v1, v4  }
0x8b: {  	v13 =	vld [tilespmem:s23+$0x50]  }
0x8c: {  	[tilespmem:v3+s12+$0x0] =	vst.idx.add.f32.msk $0xffff, v1  }
0x8d: {  	v3 =	vld [tilespmem:s23+$0xB0]  }
0x8e: {  	v12 =	vld [tilespmem:s23+$0x60]  }
0x8f: {  	v9 =	vld [tilespmem:s23+$0x70]  }
0x90: {  	v7 =	vld [tilespmem:s23+$0x80]  }
0x91: {  	v6 =	vld [tilespmem:s23+$0x90]  }
0x92: {  	v5 =	vld [tilespmem:s23+$0xA0];
	[tilespmem:$0x1FFD0] =	vst v3  }
0x93: {  	v1 =	vld [tilespmem:s23+$0xC0];
	_ =	sdelay $0x4  }
0x94: {  	[tilespmem:$0x1FFE0] =	vst v1  }
0x95: {  	v0 =	vld [tilespmem:s23+$0xD0];
	_ =	sdelay $0x2  }
0x96: {  	v8 =	vshrl.u32 v48, $0x1  }
0x97: {  	v10 =	vshrl.u32 v50, $0x1  }
0x98: {  	v11 =	vshrl.u32 v46, $0x1;
	[tilespmem:$0x1FFF0] =	vst v0  }
0x99: {  	v14 =	vshrl.u32 v45, $0x1;
	v30 =	vld [tilespmem:s23+$0xE0]  }
0x9a: {  	v17 =	vshrl.u32 v44, $0x1;
	v51 =	vld [tilespmem:s23+$0xFFFFFF00]  }
0x9b: {  	v18 =	vshrl.u32 v42, $0x1;
	v52 =	vld.idx.msk [tilespmem:v8+s5+$0x0], $0xffff  }
0x9c: {  	v40 =	vshrl.u32 v39, $0x1;
	v53 =	vld.idx.msk [tilespmem:v10+s5+$0x0], $0xffff  }
0x9d: {  	v41 =	vshrl.u32 v36, $0x1;
	v54 =	vld.idx.msk [tilespmem:v11+s5+$0x0], $0xffff  }
0x9e: {  	v43 =	vshrl.u32 v31, $0x1;
	v55 =	vld.idx.msk [tilespmem:v14+s5+$0x0], $0xffff  }
0x9f: {  	v2 =	vshrl.u32 v32, $0x1;
	v56 =	vld.idx.msk [tilespmem:v17+s5+$0x0], $0xffff  }
0xa0: {  	v4 =	vshrl.u32 v34, $0x1;
	v62 =	vld.idx.msk [tilespmem:v18+s5+$0x0], $0xffff  }
0xa1: {  	v23 =	vshrl.u32 v26, $0x1;
	v63 =	vld.idx.msk [tilespmem:v40+s5+$0x0], $0xffff  }
0xa2: {  	v27 =	vshrl.u32 v24, $0x1;
	v49 =	vld.idx.msk [tilespmem:v41+s5+$0x0], $0xffff  }
0xa3: {  	v28 =	vshrl.u32 v25, $0x1;
	v59 =	vld.idx.msk [tilespmem:v43+s5+$0x0], $0xffff  }
0xa4: {  	v33 =	vshrl.u32 v21, $0x1;
	v60 =	vld.idx.msk [tilespmem:v2+s5+$0x0], $0xffff  }
0xa5: {  	v35 =	vshrl.u32 v20, $0x1;
	v58 =	vld.idx.msk [tilespmem:v4+s5+$0x0], $0xffff  }
0xa6: {  	v61 =	vshrl.u32 v19, $0x1;
	v43 =	vld.idx.msk [tilespmem:v23+s5+$0x0], $0xffff  }
0xa7: {  	v41 =	vld.idx.msk [tilespmem:v27+s5+$0x0], $0xffff  }
0xa8: {  	v40 =	vld.idx.msk [tilespmem:v28+s5+$0x0], $0xffff  }
0xa9: {  	v38 =	vld.idx.msk [tilespmem:v33+s5+$0x0], $0xffff  }
0xaa: {  	v37 =	vld.idx.msk [tilespmem:v35+s5+$0x0], $0xffff  }
0xab: {  	v48 =	vand.u32 $0x1, v48;
	v35 =	vld.idx.msk [tilespmem:v61+s5+$0x0], $0xffff  }
0xac: {  	v50 =	vand.u32 $0x1, v50;
	vm11 =	veq.s32 v48, $0x0;
	v48 =	vld [tilespmem:s22+$0xFFFFFF20]  }
0xad: {  	v46 =	vand.u32 $0x1, v46;
	vm12 =	veq.s32 v50, $0x0;
	v50 =	vld [tilespmem:s20+$0xFFFFFF30]  }
0xae: {  	v45 =	vand.u32 $0x1, v45;
	vm13 =	veq.s32 v46, $0x0;
	v2 =	vshrl.u32 v16, $0x1;
	v46 =	vld [tilespmem:s22+$0xFFFFFF80]  }
0xaf: {  	v31 =	vand.u32 $0x1, v31;
	vm14 =	veq.s32 v45, $0x0;
	v27 =	vshrl.u32 v15, $0x1;
	v45 =	vld [tilespmem:s20+$0xFFFFFF50]  }
0xb0: {  	vm7 =	veq.s32 v31, $0x0;
	v32 =	vand.u32 $0x1, v32;
	v28 =	vshrl.u32 v13, $0x1;
	v31 =	vld [tilespmem:s22+$0xC0]  }
0xb1: {  	vm1 =	veq.s32 v32, $0x0;
	v34 =	vand.u32 $0x1, v34;
	v32 =	vld [tilespmem:s22+$0xD0];
	v47 =	vshrl.u32 v51, $0x1  }
0xb2: {  	v22 =	vshrl.u32 v29, $0x1;
	vm8 =	veq.s32 v34, $0x0;
	v34 =	vld [tilespmem:s22+$0xE0]  }
0xb3: {  	v23 =	vshrl.u32 v9, $0x1;
	v33 =	vld.idx.msk [tilespmem:v2+s5+$0x0], $0xffff  }
0xb4: {  	v10 =	vshrl.u32 v6, $0x1;
	v2 =	vld.idx.msk [tilespmem:v27+s5+$0x0], $0xffff  }
0xb5: {  	v61 =	vshrl.u32 v5, $0x1;
	v28 =	vld.idx.msk [tilespmem:v28+s5+$0x0], $0xffff  }
0xb6: {  	v57 =	vld.idx.msk [tilespmem:v47+s5+$0x0], $0xffff  }
0xb7: {  	v47 =	vld.idx.msk [tilespmem:v22+s5+$0x0], $0xffff;
	v22 =	vshrl.u32 v12, $0x1  }
0xb8: {  	v4 =	vshrl.u32 v7, $0x1;
	v23 =	vld.idx.msk [tilespmem:v23+s5+$0x0], $0xffff  }
0xb9: {  	v18 =	vld.idx.msk [tilespmem:v10+s5+$0x0], $0xffff  }
0xba: {  	v14 =	vshrl.u32 v3, $0x1;
	v17 =	vld.idx.msk [tilespmem:v61+s5+$0x0], $0xffff  }
0xbb: {  	v61 =	vld [tilespmem:s20+$0xFFFFFF00]  }
0xbc: {  	v10 =	vshrl.u32 v0, $0x1;
	v27 =	vld.idx.msk [tilespmem:v22+s5+$0x0], $0xffff  }
0xbd: {  	v22 =	vld.idx.msk [tilespmem:v4+s5+$0x0], $0xffff;
	v4 =	vshrl.u32 v1, $0x1  }
0xbe: {  	v0 =	vld [tilespmem:s22+$0xFFFFFF00]  }
0xbf: {  	v14 =	vld.idx.msk [tilespmem:v14+s5+$0x0], $0xffff;
	v51 =	vand.u32 $0x1, v51  }
0xc0: {  	vm10 =	veq.s32 v51, $0x0;
	v51 =	vld [tilespmem:s20+$0xFFFFFF10];
	v1 =	vshrl.u32 v30, $0x1  }
0xc1: {  	v10 =	vld.idx.msk [tilespmem:v10+s5+$0x0], $0xffff  }
0xc2: {  	v11 =	vld.idx.msk [tilespmem:v4+s5+$0x0], $0xffff  }
0xc3: {  	v3 =	vand.u32 $0xFFFF0000, v57;
	v4 =	vshll.u32 v57, $0x10;
	v57 =	vld [tilespmem:s22+$0xFFFFFF10]  }
0xc4: {  	v8 =	vsel vm10, v4, v3;
	v3 =	vld [tilespmem:s22+$0xFFFFFFA0]  }
0xc5: {  	v0 =	vmul.f32 v8, v0;
	v8 =	vld.idx.msk [tilespmem:v1+s5+$0x0], $0xffff  }
0xc6: {  	v1 =	vld [tilespmem:s20+$0xFFFFFF20]  }
0xc7: {  	v4 =	vand.u32 $0xFFFF0000, v52;
	v52 =	vshll.u32 v52, $0x10;
	[tilespmem:v61+s12+$0x0] =	vst.idx.add.f32.msk $0xffff, v0  }
0xc8: {  	v0 =	vsel vm11, v52, v4;
	v52 =	vld [tilespmem:s22+$0xFFFFFF30]  }
0xc9: {  	v61 =	vand.u32 $0xFFFF0000, v53;
	v4 =	vshll.u32 v53, $0x10;
	v53 =	vld [tilespmem:s22+$0xFFFFFF60];
	v0 =	vmul.f32 v0, v57  }
0xca: {  	v57 =	vld [tilespmem:s22+$0xFFFFFF40]  }
0xcb: {  	[tilespmem:v51+s12+$0x0] =	vst.idx.add.f32.msk $0xffff, v0;
	v0 =	vsel vm12, v4, v61  }
0xcc: {  	v51 =	vld [tilespmem:s22+$0xFFFFFF50];
	v0 =	vmul.f32 v0, v48  }
0xcd: {  	v48 =	vld [tilespmem:s22+$0xFFFFFF70]  }
0xce: {  	[tilespmem:v1+s12+$0x0] =	vst.idx.add.f32.msk $0xffff, v0  }
0xcf: {  	v44 =	vand.u32 $0x1, v44;
	v61 =	vand.u32 $0xFFFF0000, v54;
	v4 =	vshll.u32 v54, $0x10;
	v1 =	vld [tilespmem:s20+$0xFFFFFF40]  }
0xd0: {  	vm15 =	veq.s32 v44, $0x0;
	v0 =	vsel vm13, v4, v61;
	v61 =	vld [tilespmem:s22+$0xFFFFFFB0]  }
0xd1: {  	v44 =	vshll.u32 v56, $0x10;
	v4 =	vand.u32 $0xFFFF0000, v56;
	v56 =	vld [tilespmem:s22+$0xFFFFFFF0];
	v0 =	vmul.f32 v0, v52  }
0xd2: {  	v52 =	vld [tilespmem:s22+$0xFFFFFF90]  }
0xd3: {  	v54 =	vand.u32 $0xFFFF0000, v55;
	v55 =	vshll.u32 v55, $0x10;
	[tilespmem:v50+s12+$0x0] =	vst.idx.add.f32.msk $0xffff, v0  }
0xd4: {  	v0 =	vsel vm14, v55, v54;
	v50 =	vld [tilespmem:s22+$0xFFFFFFD0]  }
0xd5: {  	v55 =	vld [tilespmem:s22+$0xFFFFFFE0];
	v0 =	vmul.f32 v0, v57  }
0xd6: {  	v57 =	vld [tilespmem:s22+$0xFFFFFFC0]  }
0xd7: {  	[tilespmem:v1+s12+$0x0] =	vst.idx.add.f32.msk $0xffff, v0  }
0xd8: {  	v0 =	vsel vm15, v44, v4;
	v44 =	vld [tilespmem:s20+$0xFFFFFF60]  }
0xd9: {  	v42 =	vand.u32 $0x1, v42;
	v4 =	vld [tilespmem:s22+$0x0]  }
0xda: {  	v19 =	vand.u32 $0x1, v19;
	vm4 =	veq.s32 v42, $0x0;
	v54 =	vshll.u32 v62, $0x10;
	v1 =	vld [tilespmem:s22+$0x10]  }
0xdb: {  	vm15 =	veq.s32 v19, $0x0;
	v19 =	vld [tilespmem:s20+$0x30];
	v0 =	vmul.f32 v0, v51;
	v51 =	vand.u32 $0xFFFF0000, v62  }
0xdc: {  	v39 =	vand.u32 $0x1, v39;
	v42 =	vsel vm4, v54, v51;
	v54 =	vld [tilespmem:s22+$0x20]  }
0xdd: {  	vm5 =	veq.s32 v39, $0x0;
	v62 =	vand.u32 $0xFFFF0000, v63;
	v63 =	vshll.u32 v63, $0x10;
	v51 =	vld [tilespmem:s22+$0x40]  }
0xde: {  	v39 =	vsel vm5, v63, v62;
	v62 =	vld [tilespmem:s20+$0xFFFFFF90]  }
0xdf: {  	[tilespmem:v45+s12+$0x0] =	vst.idx.add.f32.msk $0xffff, v0  }
0xe0: {  	v16 =	vand.u32 $0x1, v16;
	v45 =	vld [tilespmem:s20+$0xFFFFFF70]  }
0xe1: {  	vm4 =	veq.s32 v16, $0x0;
	v16 =	vld [tilespmem:s20+$0x50]  }
0xe2: {  	v42 =	vmul.f32 v42, v53;
	v53 =	vld [tilespmem:s22+$0x30]  }
0xe3: {  	v0 =	vld [tilespmem:s20+$0xFFFFFF80]  }
0xe4: {  	v39 =	vmul.f32 v39, v48;
	v48 =	vld [tilespmem:s22+$0x50]  }
0xe5: {  	[tilespmem:v44+s12+$0x0] =	vst.idx.add.f32.msk $0xffff, v42  }
0xe6: {  	v44 =	vld [tilespmem:s22+$0x60]  }
0xe7: {  	v42 =	vld [tilespmem:s22+$0x90]  }
0xe8: {  	v36 =	vand.u32 $0x1, v36;
	[tilespmem:v45+s12+$0x0] =	vst.idx.add.f32.msk $0xffff, v39  }
0xe9: {  	vm6 =	veq.s32 v36, $0x0;
	v63 =	vshll.u32 v49, $0x10;
	v45 =	vand.u32 $0xFFFF0000, v49;
	v49 =	vld [tilespmem:s22+$0x70]  }
0xea: {  	v29 =	vand.u32 $0x1, v29;
	v26 =	vand.u32 $0x1, v26;
	v39 =	vld [tilespmem:s22+$0xA0];
	v36 =	vsel vm6, v63, v45  }
0xeb: {  	v24 =	vand.u32 $0x1, v24;
	v25 =	vand.u32 $0x1, v25;
	v45 =	vld [tilespmem:s22+$0x80];
	v36 =	vmul.f32 v36, v46  }
0xec: {  	v21 =	vand.u32 $0x1, v21;
	v63 =	vld [tilespmem:s20+$0xFFFFFFA0];
	v46 =	vand.u32 $0xFFFF0000, v59;
	v59 =	vshll.u32 v59, $0x10  }
0xed: {  	vm10 =	veq.s32 v26, $0x0;
	vm11 =	veq.s32 v24, $0x0;
	v46 =	vsel vm7, v59, v46;
	[tilespmem:v0+s12+$0x0] =	vst.idx.add.f32.msk $0xffff, v36  }
0xee: {  	v36 =	vld [tilespmem:s22+$0xB0];
	v0 =	vand.u32 $0xFFFF0000, v60;
	v60 =	vshll.u32 v60, $0x10;
	v46 =	vmul.f32 v46, v52  }
0xef: {  	v52 =	vand.u32 $0xFFFF0000, v43;
	v43 =	vshll.u32 v43, $0x10;
	v59 =	vsel vm1, v60, v0;
	v60 =	vld [tilespmem:s20+$0xFFFFFFC0]  }
0xf0: {  	v0 =	vand.u32 $0xFFFF0000, v58;
	v58 =	vshll.u32 v58, $0x10;
	v24 =	vsel vm10, v43, v52;
	v43 =	vld [tilespmem:s20+$0xFFFFFFF0]  }
0xf1: {  	v20 =	vand.u32 $0x1, v20;
	vm9 =	veq.s32 v29, $0x0;
	v29 =	vsel vm8, v58, v0;
	v58 =	vld [tilespmem:s20+$0xFFFFFFB0]  }
0xf2: {  	vm12 =	veq.s32 v25, $0x0;
	v52 =	vand.u32 $0xFFFF0000, v40;
	v40 =	vshll.u32 v40, $0x10;
	[tilespmem:v62+s12+$0x0] =	vst.idx.add.f32.msk $0xffff, v46  }
0xf3: {  	v15 =	vand.u32 $0x1, v15;
	vm13 =	veq.s32 v21, $0x0;
	v21 =	vsel vm12, v40, v52;
	v40 =	vld [tilespmem:s20+$0x10]  }
0xf4: {  	v13 =	vand.u32 $0x1, v13;
	v9 =	vand.u32 $0x1, v9;
	vm14 =	veq.s32 v20, $0x0;
	v52 =	vld [tilespmem:s20+$0x20]  }
0xf5: {  	v0 =	vand.u32 $0xFFFF0000, v47;
	v47 =	vshll.u32 v47, $0x10;
	v3 =	vmul.f32 v59, v3;
	v59 =	vld [tilespmem:s20+$0x60]  }
0xf6: {  	vm6 =	veq.s32 v13, $0x0;
	v13 =	vand.u32 $0xFFFF0000, v28;
	v26 =	vsel vm9, v47, v0;
	v47 =	vld [tilespmem:s20+$0xFFFFFFD0]  }
0xf7: {  	v28 =	vshll.u32 v28, $0x10;
	v46 =	vand.u32 $0xFFFF0000, v41;
	v41 =	vshll.u32 v41, $0x10;
	v0 =	vld [tilespmem:s20+$0xFFFFFFE0]  }
0xf8: {  	v62 =	vand.u32 $0xFFFF0000, v38;
	v38 =	vshll.u32 v38, $0x10;
	v25 =	vsel vm11, v41, v46;
	v46 =	vld [tilespmem:s20+$0x0]  }
0xf9: {  	vm5 =	veq.s32 v15, $0x0;
	v13 =	vsel vm6, v28, v13;
	v20 =	vsel vm13, v38, v62;
	v41 =	vld [tilespmem:s20+$0x40]  }
0xfa: {  	v62 =	vand.u32 $0xFFFF0000, v37;
	v37 =	vshll.u32 v37, $0x10;
	v15 =	vmul.f32 v29, v61;
	v29 =	vld [tilespmem:s20+$0xA0]  }
0xfb: {  	v28 =	vshll.u32 v23, $0x10;
	v38 =	vshll.u32 v33, $0x10;
	v37 =	vsel vm14, v37, v62;
	[tilespmem:v63+s12+$0x0] =	vst.idx.add.f32.msk $0xffff, v3  }
0xfc: {  	v62 =	vand.u32 $0xFFFF0000, v35;
	v35 =	vshll.u32 v35, $0x10;
	v63 =	vand.u32 $0xFFFF0000, v33;
	v33 =	vld [tilespmem:s20+$0x70]  }
0xfd: {  	v35 =	vsel vm15, v35, v62;
	v3 =	vand.u32 $0x1, v12;
	v12 =	vsel vm4, v38, v63;
	v38 =	vld [tilespmem:s20+$0x80]  }
0xfe: {  	v62 =	vand.u32 $0xFFFF0000, v2;
	v2 =	vshll.u32 v2, $0x10;
	vm7 =	veq.s32 v3, $0x0;
	v3 =	vld [tilespmem:s20+$0x90]  }
0xff: {  	vm8 =	veq.s32 v9, $0x0;
	v2 =	vsel vm5, v2, v62;
	v62 =	vld [tilespmem:s20+$0xB0];
	v63 =	vand.u32 $0xFFFF0000, v23  }
0x100: {  	v23 =	vld [tilespmem:s20+$0xC0];
	v9 =	vsel vm8, v28, v63;
	v63 =	vmul.f32 v21, v56  }
0x101: {  	v28 =	vld [tilespmem:s20+$0xE0]  }
0x102: {  	v24 =	vmul.f32 v24, v50;
	[tilespmem:v43+s12+$0x0] =	vst.idx.add.f32.msk $0xffff, v63  }
0x103: {  	v25 =	vmul.f32 v25, v55;
	[tilespmem:v58+s12+$0x0] =	vst.idx.add.f32.msk $0xffff, v15  }
0x104: {  	v4 =	vmul.f32 v20, v4;
	[tilespmem:v47+s12+$0x0] =	vst.idx.add.f32.msk $0xffff, v24  }
0x105: {  	v6 =	vand.u32 $0x1, v6;
	v58 =	vmul.f32 v26, v57;
	[tilespmem:v0+s12+$0x0] =	vst.idx.add.f32.msk $0xffff, v25  }
0x106: {  	v7 =	vand.u32 $0x1, v7;
	v5 =	vand.u32 $0x1, v5;
	vm10 =	veq.s32 v6, $0x0;
	[tilespmem:v46+s12+$0x0] =	vst.idx.add.f32.msk $0xffff, v4  }
0x107: {  	v50 =	vand.u32 $0xFFFF0000, v11;
	v61 =	vand.u32 $0xFFFF0000, v27;
	v1 =	vmul.f32 v37, v1;
	[tilespmem:v60+s12+$0x0] =	vst.idx.add.f32.msk $0xffff, v58  }
0x108: {  	v27 =	vshll.u32 v27, $0x10;
	vm9 =	veq.s32 v7, $0x0;
	v55 =	vand.u32 $0x1, v30;
	v4 =	vld [tilespmem:$0x1FFD0]  }
0x109: {  	vm11 =	veq.s32 v5, $0x0;
	vm15 =	veq.s32 v55, $0x0;
	v35 =	vmul.f32 v35, v54;
	[tilespmem:v40+s12+$0x0] =	vst.idx.add.f32.msk $0xffff, v1  }
0x10a: {  	v27 =	vsel vm7, v27, v61;
	v61 =	vand.u32 $0xFFFF0000, v22;
	v37 =	vmul.f32 v12, v53;
	v1 =	vld [tilespmem:$0x1FFE0]  }
0x10b: {  	v22 =	vshll.u32 v22, $0x10;
	v21 =	vand.u32 $0xFFFF0000, v18;
	v2 =	vmul.f32 v2, v51;
	[tilespmem:v52+s12+$0x0] =	vst.idx.add.f32.msk $0xffff, v35  }
0x10c: {  	v18 =	vshll.u32 v18, $0x10;
	v51 =	vshll.u32 v11, $0x10;
	v47 =	vmul.f32 v13, v48;
	[tilespmem:v19+s12+$0x0] =	vst.idx.add.f32.msk $0xffff, v37  }
0x10d: {  	v56 =	vand.u32 $0xFFFF0000, v10;
	v22 =	vsel vm9, v22, v61;
	v61 =	vshll.u32 v8, $0x10;
	[tilespmem:v41+s12+$0x0] =	vst.idx.add.f32.msk $0xffff, v2  }
0x10e: {  	v43 =	vand.u32 $0xFFFF0000, v14;
	v54 =	vmul.f32 v22, v45;
	v26 =	vshll.u32 v17, $0x10;
	[tilespmem:v16+s12+$0x0] =	vst.idx.add.f32.msk $0xffff, v47  }
0x10f: {  	v24 =	vsel vm10, v18, v21;
	v25 =	vand.u32 $0xFFFF0000, v17;
	v48 =	vmul.f32 v27, v44;
	v53 =	vld [tilespmem:$0x1FFF0]  }
0x110: {  	v15 =	vld [tilespmem:s20+$0xD0];
	v57 =	vshll.u32 v10, $0x10;
	v5 =	vsel vm11, v26, v25;
	v0 =	vmul.f32 v24, v42  }
0x111: {  	v46 =	vshll.u32 v14, $0x10;
	v60 =	vand.u32 $0xFFFF0000, v8;
	v5 =	vmul.f32 v5, v39;
	[tilespmem:v59+s12+$0x0] =	vst.idx.add.f32.msk $0xffff, v48  }
0x112: {  	v52 =	vmul.f32 v9, v49;
	[tilespmem:v3+s12+$0x0] =	vst.idx.add.f32.msk $0xffff, v0;
	v0 =	vsel vm15, v61, v60;
	v4 =	vand.u32 $0x1, v4  }
0x113: {  	[tilespmem:v38+s12+$0x0] =	vst.idx.add.f32.msk $0xffff, v54;
	v0 =	vmul.f32 v0, v34;
	vm12 =	veq.s32 v4, $0x0;
	v1 =	vand.u32 $0x1, v1  }
0x114: {  	[tilespmem:v29+s12+$0x0] =	vst.idx.add.f32.msk $0xffff, v5;
	v4 =	vsel vm12, v46, v43;
	vm13 =	veq.s32 v1, $0x0;
	v9 =	vand.u32 $0x1, v53  }
0x115: {  	[tilespmem:v33+s12+$0x0] =	vst.idx.add.f32.msk $0xffff, v52;
	v2 =	vsel vm13, v51, v50;
	vm14 =	veq.s32 v9, $0x0;
	v59 =	vmul.f32 v4, v36  }
0x116: {  	[tilespmem:v28+s12+$0x0] =	vst.idx.add.f32.msk $0xffff, v0;
	v58 =	vsel vm14, v57, v56;
	v2 =	vmul.f32 v2, v31  }
0x117: {  	v63 =	vmul.f32 v58, v32;
	[tilespmem:v62+s12+$0x0] =	vst.idx.add.f32.msk $0xffff, v59  }
0x118: {  	[tilespmem:v23+s12+$0x0] =	vst.idx.add.f32.msk $0xffff, v2  }
0x119: {  	s24 =	simm.s32 $0x18300;
	s23 =	simm.s32 $0x0;
	[tilespmem:v15+s12+$0x0] =	vst.idx.add.f32.msk $0xffff, v63  }
.LBB2_5:
0x11a: {  	v0 =	vld [tilespmem:s24+$0xF0]  }
0x11b: {  	v1 =	vld [tilespmem:s24+$0xFFFFFF10]  }
0x11c: {  	v2 =	vld [tilespmem:s24+$0xFFFFFF20]  }
0x11d: {  	v6 =	vld [tilespmem:s24+$0xFFFFFF30]  }
0x11e: {  	v7 =	vld [tilespmem:s24+$0xFFFFFF40]  }
0x11f: {  	v8 =	vld [tilespmem:s24+$0xFFFFFF50]  }
0x120: {  	v10 =	vld [tilespmem:s24+$0xFFFFFF60]  }
0x121: {  	v11 =	vld [tilespmem:s24+$0xFFFFFF70]  }
0x122: {  	v12 =	vld [tilespmem:s24+$0xFFFFFF80]  }
0x123: {  	v13 =	vld [tilespmem:s24+$0xFFFFFF90]  }
0x124: {  	v15 =	vld [tilespmem:s24+$0xFFFFFFA0]  }
0x125: {  	v61 =	vld [tilespmem:s24+$0xFFFFFFB0]  }
0x126: {  	v17 =	vld [tilespmem:s24+$0xFFFFFFD0]  }
0x127: {  	v18 =	vld [tilespmem:s24+$0xFFFFFFE0]  }
0x128: {  	v46 =	vimm.s32 $0x0;
	v48 =	vimm.s32 $0x0;
	v50 =	vimm.s32 $0x0;
	v19 =	vld [tilespmem:s24+$0xFFFFFFF0]  }
0x129: {  	v52 =	vimm.s32 $0x0;
	v54 =	vimm.s32 $0x0;
	v20 =	vld [tilespmem:s24+$0x0];
	v9 =	vshrl.u32 v0, $0x1  }
0x12a: {  	v63 =	vld [tilespmem:s24+$0xFFFFFFC0];
	v3 =	vshrl.u32 v1, $0x1;
	v1 =	vand.u32 $0x1, v1;
	v4 =	vshrl.u32 v2, $0x1  }
0x12b: {  	v21 =	vld [tilespmem:s24+$0x10];
	v45 =	vand.u32 $0x1, v2;
	v5 =	vshrl.u32 v6, $0x1;
	v47 =	vand.u32 $0x1, v6  }
0x12c: {  	v22 =	vld [tilespmem:s24+$0x20];
	v6 =	vshrl.u32 v7, $0x1;
	v49 =	vand.u32 $0x1, v7;
	v51 =	vand.u32 $0x1, v8  }
0x12d: {  	s20 =	sadd.s32 $0x200, s20;
	v35 =	vld [tilespmem:s24+$0x50];
	v53 =	vand.u32 $0x1, v10;
	v27 =	vand.u32 $0x1, v17;
	v29 =	vand.u32 $0x1, v18  }
0x12e: {  	s22 =	sadd.s32 $0x200, s22;
	v16 =	vld [tilespmem:s20+$0xF0];
	v31 =	vand.u32 $0x1, v19;
	v33 =	vand.u32 $0x1, v20;
	vm15 =	veq.s32 v1, $0x0  }
0x12f: {  	v58 =	vld [tilespmem:s22+$0xF0];
	vm0 =	veq.s32 v45, $0x0;
	vm11 =	veq.s32 v47, $0x0;
	vm13 =	veq.s32 v51, $0x0  }
0x130: {  	vm14 =	veq.s32 v53, $0x0;
	v2 =	vsel vm13, $0xFFFFFFFF, v52;
	vm13 =	veq.s32 v31, $0x0;
	v31 =	vld [tilespmem:s24+$0xB0]  }
0x131: {  	v1 =	vsel vm0, $0xFFFFFFFF, v46;
	v7 =	vsel vm14, $0xFFFFFFFF, v54;
	vm14 =	veq.s32 v33, $0x0;
	v33 =	vld [tilespmem:s24+$0xD0]  }
0x132: {  	vm12 =	veq.s32 v49, $0x0;
	[tilespmem:$0x1FEE0] =	vst v1;
	v1 =	vsel vm11, $0xFFFFFFFF, v48;
	vm11 =	veq.s32 v27, $0x0;
	v27 =	vld [tilespmem:s24+$0x80]  }
0x133: {  	v60 =	vand.u32 $0x1, v13;
	[tilespmem:$0x1FEF0] =	vst v1;
	v1 =	vsel vm12, $0xFFFFFFFF, v50;
	vm12 =	veq.s32 v29, $0x0;
	v29 =	vld [tilespmem:s24+$0xA0]  }
0x134: {  	vm6 =	veq.s32 v60, $0x0;
	v60 =	vld [tilespmem:$0x1FEE0]  }
0x135: {  	v56 =	vimm.s32 $0x0;
	v59 =	vimm.s32 $0x0;
	v55 =	vand.u32 $0x1, v11;
	[tilespmem:$0x1FF10] =	vst v2;
	v14 =	vld.idx.msk [tilespmem:v9+s5+$0x0], $0xffff  }
0x136: {  	v62 =	vimm.s32 $0x0;
	vm4 =	veq.s32 v55, $0x0;
	v2 =	vshrl.u32 v10, $0x1;
	[tilespmem:$0x1FF20] =	vst v7;
	v3 =	vld.idx.msk [tilespmem:v3+s5+$0x0], $0xffff  }
0x137: {  	v7 =	vshrl.u32 v11, $0x1;
	[tilespmem:$0x1FF00] =	vst v1;
	v1 =	vshrl.u32 v8, $0x1;
	v8 =	vsel vm4, $0xFFFFFFFF, v56;
	v4 =	vld.idx.msk [tilespmem:v4+s5+$0x0], $0xffff  }
0x138: {  	v57 =	vand.u32 $0x1, v12;
	v47 =	vld.idx.msk [tilespmem:v5+s5+$0x0], $0xffff;
	[tilespmem:$0x1FF30] =	vst v8;
	v8 =	vshrl.u32 v12, $0x1;
	v12 =	vand.u32 $0x1, v61  }
0x139: {  	v24 =	vimm.s32 $0x0;
	v25 =	vimm.s32 $0x0;
	v6 =	vld.idx.msk [tilespmem:v6+s5+$0x0], $0xffff;
	vm9 =	veq.s32 v12, $0x0  }
0x13a: {  	v0 =	vand.u32 $0x1, v0;
	vm5 =	veq.s32 v57, $0x0;
	v12 =	vsel vm9, $0xFFFFFFFF, v25;
	v25 =	vld [tilespmem:s24+$0x60]  }
0x13b: {  	vm7 =	veq.s32 v0, $0x0;
	v10 =	vsel vm6, $0xFFFFFFFF, v62;
	v11 =	vshrl.u32 v61, $0x1;
	v53 =	vld.idx.msk [tilespmem:v2+s5+$0x0], $0xffff  }
0x13c: {  	[tilespmem:$0x1FF50] =	vst v10;
	v10 =	vshrl.u32 v15, $0x1;
	v15 =	vand.u32 $0x1, v15;
	v45 =	vand.u32 $0x1, v31;
	v56 =	vld.idx.msk [tilespmem:v7+s5+$0x0], $0xffff  }
0x13d: {  	v9 =	vsel vm5, $0xFFFFFFFF, v59;
	vm8 =	veq.s32 v15, $0x0;
	vm9 =	veq.s32 v45, $0x0;
	v45 =	vld [tilespmem:$0x1FF10]  }
0x13e: {  	[tilespmem:$0x1FF40] =	vst v9;
	v9 =	vshrl.u32 v13, $0x1;
	v13 =	vand.u32 $0x1, v63;
	v23 =	vand.u32 $0xFFFF0000, v14;
	v52 =	vld.idx.msk [tilespmem:v1+s5+$0x0], $0xffff  }
0x13f: {  	v14 =	vshll.u32 v14, $0x10;
	v61 =	vand.u32 $0xFFFF0000, v47;
	v62 =	vshll.u32 v47, $0x10;
	v47 =	vld [tilespmem:$0x1FF20]  }
0x140: {  	vm10 =	veq.s32 v13, $0x0;
	v13 =	vshrl.u32 v17, $0x1;
	v0 =	vsel vm7, v14, v23;
	v23 =	vld [tilespmem:s24+$0x30]  }
0x141: {  	v17 =	vshrl.u32 v21, $0x1;
	v14 =	vsel vm8, $0xFFFFFFFF, v24;
	v24 =	vld [tilespmem:s24+$0x40]  }
0x142: {  	v5 =	vshrl.u32 v33, $0x1;
	v59 =	vld.idx.msk [tilespmem:v8+s5+$0x0], $0xffff  }
0x143: {  	v15 =	vshrl.u32 v19, $0x1;
	[tilespmem:$0x1FF70] =	vst v12;
	v12 =	vshrl.u32 v63, $0x1;
	v44 =	vand.u32 $0x1, v29;
	v63 =	vld.idx.msk [tilespmem:v9+s5+$0x0], $0xffff  }
0x144: {  	vm8 =	veq.s32 v44, $0x0;
	v44 =	vld.idx.msk [tilespmem:v10+s5+$0x0], $0xffff  }
0x145: {  	v54 =	vand.u32 $0xFFFF0000, v3;
	v55 =	vshll.u32 v3, $0x10;
	v13 =	vld.idx.msk [tilespmem:v13+s5+$0x0], $0xffff  }
0x146: {  	v57 =	vand.u32 $0xFFFF0000, v4;
	v1 =	vsel vm15, v55, v54;
	v17 =	vld.idx.msk [tilespmem:v17+s5+$0x0], $0xffff  }
0x147: {  	vm15 =	vnez.u8 v60;
	v0 =	vmul.f32 v0, v58;
	v58 =	vshll.u32 v4, $0x10;
	v5 =	vld.idx.msk [tilespmem:v5+s5+$0x0], $0xffff  }
0x148: {  	v2 =	vsel vm15, v58, v57;
	v58 =	vld.idx.msk [tilespmem:v15+s5+$0x0], $0xffff  }
0x149: {  	v26 =	vimm.s32 $0x0;
	[tilespmem:v16+s12+$0x0] =	vst.idx.add.f32.msk $0xffff, v0  }
0x14a: {  	v28 =	vimm.s32 $0x0;
	v0 =	vsel vm10, $0xFFFFFFFF, v26;
	v26 =	vld [tilespmem:s24+$0x70]  }
0x14b: {  	v30 =	vimm.s32 $0x0;
	v32 =	vimm.s32 $0x0;
	v34 =	vimm.s32 $0x0;
	[tilespmem:$0x1FF60] =	vst v14;
	v12 =	vld.idx.msk [tilespmem:v12+s5+$0x0], $0xffff  }
0x14c: {  	v36 =	vand.u32 $0x1, v21;
	v14 =	vshrl.u32 v18, $0x1;
	[tilespmem:$0x1FF80] =	vst v0;
	v0 =	vsel vm11, $0xFFFFFFFF, v28;
	v28 =	vld [tilespmem:s24+$0x90]  }
0x14d: {  	v37 =	vand.u32 $0x1, v22;
	v18 =	vshrl.u32 v22, $0x1;
	[tilespmem:$0x1FF90] =	vst v0;
	v0 =	vsel vm12, $0xFFFFFFFF, v30;
	v30 =	vld [tilespmem:$0x1FF50]  }
0x14e: {  	vm1 =	veq.s32 v37, $0x0;
	v39 =	vand.u32 $0x1, v24;
	[tilespmem:$0x1FFA0] =	vst v0;
	v0 =	vsel vm13, $0xFFFFFFFF, v32;
	v32 =	vld [tilespmem:s24+$0xC0]  }
0x14f: {  	v21 =	vshrl.u32 v35, $0x1;
	v48 =	vand.u32 $0x1, v33;
	vm3 =	veq.s32 v39, $0x0;
	v39 =	vld [tilespmem:$0x1FEF0]  }
0x150: {  	v42 =	vand.u32 $0x1, v27;
	v40 =	vand.u32 $0x1, v25;
	vm13 =	veq.s32 v36, $0x0;
	v36 =	vld.idx.msk [tilespmem:v11+s5+$0x0], $0xffff  }
0x151: {  	v22 =	vshrl.u32 v25, $0x1;
	v16 =	vshrl.u32 v20, $0x1;
	vm5 =	veq.s32 v40, $0x0;
	v14 =	vld.idx.msk [tilespmem:v14+s5+$0x0], $0xffff  }
0x152: {  	v40 =	vand.u32 $0xFFFF0000, v6;
	v6 =	vshll.u32 v6, $0x10;
	v18 =	vld.idx.msk [tilespmem:v18+s5+$0x0], $0xffff;
	[tilespmem:$0x1FFB0] =	vst v0;
	v0 =	vsel vm14, $0xFFFFFFFF, v34  }
0x153: {  	v19 =	vshrl.u32 v23, $0x1;
	v38 =	vand.u32 $0x1, v23;
	[tilespmem:$0x1FFC0] =	vst v0;
	v0 =	vand.u32 $0x1, v35;
	v35 =	vld [tilespmem:s24+$0xFFFFFF00]  }
0x154: {  	v20 =	vshrl.u32 v24, $0x1;
	v54 =	vand.u32 $0xFFFF0000, v63;
	vm2 =	veq.s32 v38, $0x0;
	v38 =	vld [tilespmem:$0x1FF80]  }
0x155: {  	v55 =	vshll.u32 v63, $0x10;
	v60 =	vshll.u32 v44, $0x10;
	vm14 =	veq.s32 v42, $0x0;
	v34 =	vld [tilespmem:s24+$0xE0]  }
0x156: {  	v42 =	vand.u32 $0xFFFF0000, v52;
	v41 =	vand.u32 $0x1, v26;
	v16 =	vld.idx.msk [tilespmem:v16+s5+$0x0], $0xffff;
	vm4 =	veq.s32 v0, $0x0  }
0x157: {  	vm6 =	veq.s32 v41, $0x0;
	v43 =	vand.u32 $0x1, v28;
	v41 =	vld [tilespmem:$0x1FF00];
	v0 =	vshll.u32 v53, $0x10  }
0x158: {  	vm7 =	veq.s32 v43, $0x0;
	v19 =	vld.idx.msk [tilespmem:v19+s5+$0x0], $0xffff;
	v46 =	vand.u32 $0x1, v32;
	v50 =	vshrl.u32 v35, $0x1  }
0x159: {  	vm15 =	vnez.u8 v39;
	vm10 =	veq.s32 v46, $0x0;
	v46 =	vand.u32 $0xFFFF0000, v53;
	v53 =	vld [tilespmem:$0x1FF40]  }
0x15a: {  	v43 =	vshll.u32 v52, $0x10;
	v52 =	vshll.u32 v59, $0x10;
	v3 =	vsel vm15, v62, v61;
	v61 =	vld [tilespmem:$0x1FF60]  }
0x15b: {  	v63 =	vshll.u32 v36, $0x10;
	v62 =	vand.u32 $0xFFFF0000, v36;
	v36 =	vld [tilespmem:$0x1FF70];
	v51 =	vand.u32 $0x1, v35  }
0x15c: {  	vm0 =	veq.s32 v51, $0x0;
	v51 =	vand.u32 $0xFFFF0000, v59;
	v59 =	vand.u32 $0xFFFF0000, v44;
	v44 =	vld [tilespmem:$0x1FFA0]  }
0x15d: {  	vm11 =	veq.s32 v48, $0x0;
	v25 =	vshrl.u32 v28, $0x1;
	v28 =	vshrl.u32 v32, $0x1;
	v32 =	vld.idx.msk [tilespmem:v50+s5+$0x0], $0xffff  }
0x15e: {  	v48 =	vand.u32 $0xFFFF0000, v56;
	v24 =	vshrl.u32 v27, $0x1;
	vm15 =	vnez.u8 v41;
	v50 =	vld [tilespmem:$0x1FF30]  }
0x15f: {  	v27 =	vshrl.u32 v31, $0x1;
	v4 =	vsel vm15, v6, v40;
	vm15 =	vnez.u8 v45;
	v40 =	vld [tilespmem:$0x1FF90]  }
0x160: {  	v23 =	vshrl.u32 v26, $0x1;
	v26 =	vshrl.u32 v29, $0x1;
	v6 =	vsel vm15, v43, v42;
	v43 =	vld.idx.msk [tilespmem:v20+s5+$0x0], $0xffff  }
0x161: {  	v37 =	vand.u32 $0xFFFF0000, v12;
	v12 =	vshll.u32 v12, $0x10;
	vm15 =	vnez.u8 v47;
	v47 =	vld [tilespmem:$0x1FFB0]  }
0x162: {  	v39 =	vand.u32 $0xFFFF0000, v13;
	v49 =	vand.u32 $0x1, v34;
	v7 =	vsel vm15, v0, v46;
	v46 =	vld.idx.msk [tilespmem:v21+s5+$0x0], $0xffff  }
0x163: {  	vm12 =	veq.s32 v49, $0x0;
	v49 =	vshll.u32 v56, $0x10;
	vm15 =	vnez.u8 v50;
	v50 =	vld [tilespmem:$0x1FFC0]  }
0x164: {  	v13 =	vshll.u32 v13, $0x10;
	v29 =	vshrl.u32 v34, $0x1;
	v8 =	vsel vm15, v49, v48;
	v49 =	vld.idx.msk [tilespmem:v22+s5+$0x0], $0xffff  }
0x165: {  	v56 =	vand.u32 $0xFFFF0000, v32;
	v57 =	vshll.u32 v32, $0x10;
	vm15 =	vnez.u8 v53;
	v53 =	vld.idx.msk [tilespmem:v23+s5+$0x0], $0xffff  }
0x166: {  	v41 =	vand.u32 $0xFFFF0000, v14;
	v45 =	vand.u32 $0xFFFF0000, v58;
	v15 =	vsel vm0, v57, v56;
	v56 =	vld.idx.msk [tilespmem:v24+s5+$0x0], $0xffff  }
0x167: {  	v9 =	vsel vm15, v52, v51;
	vm15 =	vnez.u8 v30;
	v51 =	vand.u32 $0xFFFF0000, v17;
	v30 =	vld [tilespmem:s22+$0xFFFFFF60]  }
0x168: {  	v52 =	vshll.u32 v17, $0x10;
	v10 =	vsel vm15, v55, v54;
	vm15 =	vnez.u8 v61;
	v61 =	vld.idx.msk [tilespmem:v26+s5+$0x0], $0xffff  }
0x169: {  	v42 =	vshll.u32 v14, $0x10;
	v0 =	vshll.u32 v58, $0x10;
	v23 =	vsel vm13, v52, v51;
	v51 =	vld [tilespmem:s22+$0xFFFFFF10]  }
0x16a: {  	v54 =	vand.u32 $0xFFFF0000, v18;
	v55 =	vshll.u32 v18, $0x10;
	v11 =	vsel vm15, v60, v59;
	v59 =	vld.idx.msk [tilespmem:v25+s5+$0x0], $0xffff  }
0x16b: {  	v58 =	vshll.u32 v19, $0x10;
	v57 =	vand.u32 $0xFFFF0000, v19;
	v24 =	vsel vm1, v55, v54;
	v54 =	vld [tilespmem:s22+$0xFFFFFF20]  }
0x16c: {  	v14 =	vshll.u32 v43, $0x10;
	vm15 =	vnez.u8 v36;
	v25 =	vsel vm2, v58, v57;
	v57 =	vld [tilespmem:s22+$0xFFFFFF30]  }
0x16d: {  	v60 =	vand.u32 $0xFFFF0000, v43;
	v31 =	vsel vm15, v63, v62;
	vm15 =	vnez.u8 v38;
	v63 =	vld.idx.msk [tilespmem:v27+s5+$0x0], $0xffff  }
0x16e: {  	v26 =	vsel vm3, v14, v60;
	v60 =	vld [tilespmem:s22+$0xFFFFFF40];
	v32 =	vsel vm15, v12, v37;
	vm15 =	vnez.u8 v40  }
0x16f: {  	v33 =	vsel vm15, v13, v39;
	vm15 =	vnez.u8 v44;
	v7 =	vmul.f32 v7, v30;
	v30 =	vld [tilespmem:s20+$0xFFFFFF70]  }
0x170: {  	v20 =	vsel vm15, v42, v41;
	v42 =	vld.idx.msk [tilespmem:v28+s5+$0x0], $0xffff  }
0x171: {  	v62 =	vand.u32 $0xFFFF0000, v46;
	v13 =	vshll.u32 v46, $0x10;
	vm15 =	vnez.u8 v47;
	v47 =	vld.idx.msk [tilespmem:v29+s5+$0x0], $0xffff  }
0x172: {  	v43 =	vand.u32 $0xFFFF0000, v53;
	v44 =	vshll.u32 v53, $0x10;
	v27 =	vsel vm4, v13, v62;
	v62 =	vld [tilespmem:s22+$0xFFFFFF50]  }
0x173: {  	v34 =	vsel vm6, v44, v43;
	v43 =	vld [tilespmem:s22+$0xFFFFFFA0]  }
0x174: {  	v44 =	vld [tilespmem:s22+$0xFFFFFFB0]  }
0x175: {  	v40 =	vand.u32 $0xFFFF0000, v49;
	v41 =	vshll.u32 v49, $0x10;
	v1 =	vmul.f32 v1, v51;
	v51 =	vld [tilespmem:s22+$0x20]  }
0x176: {  	v28 =	vsel vm5, v41, v40;
	v40 =	vld [tilespmem:s22+$0xFFFFFF70]  }
0x177: {  	v52 =	vand.u32 $0xFFFF0000, v61;
	v53 =	vshll.u32 v61, $0x10;
	v41 =	vld [tilespmem:s22+$0xFFFFFF80]  }
0x178: {  	v36 =	vsel vm8, v53, v52;
	v52 =	vld [tilespmem:s22+$0x30]  }
0x179: {  	v53 =	vld [tilespmem:s22+$0x40]  }
0x17a: {  	v48 =	vand.u32 $0xFFFF0000, v16;
	v16 =	vshll.u32 v16, $0x10;
	v2 =	vmul.f32 v2, v54;
	v54 =	vld [tilespmem:s22+$0x50]  }
0x17b: {  	v61 =	vand.u32 $0xFFFF0000, v5;
	v5 =	vshll.u32 v5, $0x10;
	v3 =	vmul.f32 v3, v57;
	v57 =	vld [tilespmem:s22+$0x80]  }
0x17c: {  	v0 =	vsel vm15, v0, v45;
	vm15 =	vnez.u8 v50;
	v39 =	vsel vm11, v5, v61;
	v61 =	vld [tilespmem:s22+$0xC0]  }
0x17d: {  	v46 =	vshll.u32 v56, $0x10;
	v45 =	vand.u32 $0xFFFF0000, v56;
	v22 =	vsel vm15, v16, v48;
	v48 =	vld [tilespmem:s22+$0xFFFFFF00]  }
0x17e: {  	v29 =	vsel vm14, v46, v45;
	v45 =	vld [tilespmem:s22+$0xFFFFFFC0]  }
0x17f: {  	v49 =	vand.u32 $0xFFFF0000, v59;
	v50 =	vshll.u32 v59, $0x10;
	v46 =	vld [tilespmem:s22+$0xFFFFFFD0]  }
0x180: {  	v35 =	vsel vm7, v50, v49;
	v49 =	vld [tilespmem:s22+$0x0]  }
0x181: {  	v50 =	vld [tilespmem:s22+$0x10]  }
0x182: {  	v55 =	vand.u32 $0xFFFF0000, v63;
	v56 =	vshll.u32 v63, $0x10;
	v4 =	vmul.f32 v4, v60;
	v60 =	vld [tilespmem:s22+$0xB0]  }
0x183: {  	v37 =	vsel vm9, v56, v55;
	v55 =	vld [tilespmem:s22+$0x60]  }
0x184: {  	v56 =	vld [tilespmem:s22+$0x70]  }
0x185: {  	v58 =	vand.u32 $0xFFFF0000, v42;
	v59 =	vshll.u32 v42, $0x10;
	v42 =	vld [tilespmem:s22+$0xFFFFFF90]  }
0x186: {  	v63 =	vand.u32 $0xFFFF0000, v47;
	v17 =	vshll.u32 v47, $0x10;
	v47 =	vld [tilespmem:s22+$0xFFFFFFE0]  }
0x187: {  	v6 =	vmul.f32 v6, v62;
	v62 =	vld [tilespmem:s22+$0xD0]  }
0x188: {  	v11 =	vmul.f32 v11, v43;
	v43 =	vld [tilespmem:s20+$0xFFFFFFB0]  }
0x189: {  	v12 =	vmul.f32 v31, v44;
	v44 =	vld [tilespmem:s20+$0xFFFFFFC0]  }
0x18a: {  	v38 =	vsel vm10, v59, v58;
	v58 =	vld [tilespmem:s22+$0x90]  }
0x18b: {  	v59 =	vld [tilespmem:s22+$0xA0]  }
0x18c: {  	v18 =	vsel vm12, v17, v63;
	v63 =	vld [tilespmem:s22+$0xE0]  }
0x18d: {  	v8 =	vmul.f32 v8, v40;
	v40 =	vld [tilespmem:s20+$0xFFFFFF80]  }
0x18e: {  	v9 =	vmul.f32 v9, v41;
	v41 =	vld [tilespmem:s20+$0xFFFFFF90]  }
0x18f: {  	v19 =	vmul.f32 v27, v54;
	v54 =	vld [tilespmem:s20+$0x60]  }
0x190: {  	v5 =	vmul.f32 v15, v48;
	v48 =	vld [tilespmem:s22+$0xFFFFFFF0]  }
0x191: {  	v14 =	vmul.f32 v33, v46;
	v33 =	vld [tilespmem:s20+$0xFFFFFF00]  }
0x192: {  	v13 =	vmul.f32 v32, v45;
	v32 =	vld [tilespmem:s20+$0xFFFFFF50]  }
0x193: {  	v31 =	vmul.f32 v38, v61;
	v38 =	vld [tilespmem:s20+$0xFFFFFF60]  }
0x194: {  	v45 =	vld [tilespmem:s20+$0xFFFFFFD0]  }
0x195: {  	v46 =	vld [tilespmem:s20+$0xFFFFFFE0]  }
0x196: {  	v17 =	vmul.f32 v22, v49;
	v49 =	vld [tilespmem:s20+$0x10]  }
0x197: {  	v21 =	vmul.f32 v23, v50;
	v50 =	vld [tilespmem:s20+$0x20]  }
0x198: {  	v23 =	vmul.f32 v24, v51;
	v51 =	vld [tilespmem:s20+$0x30]  }
0x199: {  	v61 =	vld [tilespmem:s20+$0xD0]  }
0x19a: {  	v24 =	vmul.f32 v34, v56;
	v34 =	vld [tilespmem:s20+$0xFFFFFF10]  }
0x19b: {  	v22 =	vmul.f32 v28, v55;
	v28 =	vmul.f32 v37, v60;
	v37 =	vld [tilespmem:s20+$0xFFFFFF40]  }
0x19c: {  	v55 =	vld [tilespmem:s20+$0x70]  }
0x19d: {  	v56 =	vld [tilespmem:s20+$0x80]  }
0x19e: {  	v60 =	vld [tilespmem:s20+$0xC0]  }
0x19f: {  	[tilespmem:v30+s12+$0x0] =	vst.idx.add.f32.msk $0xffff, v8  }
0x1a0: {  	v10 =	vmul.f32 v10, v42;
	v42 =	vld [tilespmem:s20+$0xFFFFFFA0]  }
0x1a1: {  	v15 =	vmul.f32 v20, v47;
	v47 =	vld [tilespmem:s20+$0xFFFFFFF0]  }
0x1a2: {  	v20 =	vmul.f32 v25, v52;
	v52 =	vld [tilespmem:s20+$0x40]  }
0x1a3: {  	v25 =	vmul.f32 v29, v57;
	v57 =	vld [tilespmem:s20+$0x90]  }
0x1a4: {  	v29 =	vmul.f32 v39, v62;
	v62 =	vld [tilespmem:s20+$0xE0]  }
0x1a5: {  	v27 =	vmul.f32 v36, v59;
	v36 =	vld [tilespmem:s20+$0xFFFFFF30]  }
0x1a6: {  	v59 =	vld [tilespmem:s20+$0xB0];
	v16 =	vmul.f32 v0, v48  }
0x1a7: {  	v0 =	vmul.f32 v26, v53;
	v26 =	vmul.f32 v35, v58;
	v35 =	vld [tilespmem:s20+$0xFFFFFF20]  }
0x1a8: {  	v48 =	vld [tilespmem:s20+$0x0]  }
0x1a9: {  	v53 =	vld [tilespmem:s20+$0x50]  }
0x1aa: {  	v58 =	vld [tilespmem:s20+$0xA0]  }
0x1ab: {  	[tilespmem:v43+s12+$0x0] =	vst.idx.add.f32.msk $0xffff, v12  }
0x1ac: {  	[tilespmem:v44+s12+$0x0] =	vst.idx.add.f32.msk $0xffff, v13  }
0x1ad: {  	[tilespmem:v40+s12+$0x0] =	vst.idx.add.f32.msk $0xffff, v9  }
0x1ae: {  	[tilespmem:v41+s12+$0x0] =	vst.idx.add.f32.msk $0xffff, v10  }
0x1af: {  	[tilespmem:v54+s12+$0x0] =	vst.idx.add.f32.msk $0xffff, v22  }
0x1b0: {  	[tilespmem:v33+s12+$0x0] =	vst.idx.add.f32.msk $0xffff, v5  }
0x1b1: {  	[tilespmem:v32+s12+$0x0] =	vst.idx.add.f32.msk $0xffff, v6  }
0x1b2: {  	[tilespmem:v38+s12+$0x0] =	vst.idx.add.f32.msk $0xffff, v7  }
0x1b3: {  	[tilespmem:v45+s12+$0x0] =	vst.idx.add.f32.msk $0xffff, v14  }
0x1b4: {  	[tilespmem:v46+s12+$0x0] =	vst.idx.add.f32.msk $0xffff, v15  }
0x1b5: {  	[tilespmem:v49+s12+$0x0] =	vst.idx.add.f32.msk $0xffff, v21  }
0x1b6: {  	[tilespmem:v50+s12+$0x0] =	vst.idx.add.f32.msk $0xffff, v23  }
0x1b7: {  	[tilespmem:v51+s12+$0x0] =	vst.idx.add.f32.msk $0xffff, v20  }
0x1b8: {  	[tilespmem:v61+s12+$0x0] =	vst.idx.add.f32.msk $0xffff, v29  }
0x1b9: {  	[tilespmem:v34+s12+$0x0] =	vst.idx.add.f32.msk $0xffff, v1  }
0x1ba: {  	[tilespmem:v37+s12+$0x0] =	vst.idx.add.f32.msk $0xffff, v4  }
0x1bb: {  	[tilespmem:v55+s12+$0x0] =	vst.idx.add.f32.msk $0xffff, v24  }
0x1bc: {  	[tilespmem:v56+s12+$0x0] =	vst.idx.add.f32.msk $0xffff, v25  }
0x1bd: {  	[tilespmem:v60+s12+$0x0] =	vst.idx.add.f32.msk $0xffff, v31  }
0x1be: {  	[tilespmem:v42+s12+$0x0] =	vst.idx.add.f32.msk $0xffff, v11  }
0x1bf: {  	[tilespmem:v47+s12+$0x0] =	vst.idx.add.f32.msk $0xffff, v16  }
0x1c0: {  	v18 =	vmul.f32 v18, v63;
	[tilespmem:v52+s12+$0x0] =	vst.idx.add.f32.msk $0xffff, v0  }
0x1c1: {  	[tilespmem:v57+s12+$0x0] =	vst.idx.add.f32.msk $0xffff, v26  }
0x1c2: {  	s23 =	sadd.s32 $0x20, s23;
	[tilespmem:v62+s12+$0x0] =	vst.idx.add.f32.msk $0xffff, v18  }
0x1c3: {  	p0 =	slt.u32 s23, $0xE0;
	[tilespmem:v36+s12+$0x0] =	vst.idx.add.f32.msk $0xffff, v3  }
.Ltmp1:
0x1c4: {  	[tilespmem:v59+s12+$0x0] =	vst.idx.add.f32.msk $0xffff, v28;
	(pc) =	sbr.rel @p0 .LBB2_5-.Ltmp1, $4  }
0x1c5: {  	[tilespmem:v35+s12+$0x0] =	vst.idx.add.f32.msk $0xffff, v2  }
0x1c6: {  	[tilespmem:v48+s12+$0x0] =	vst.idx.add.f32.msk $0xffff, v17  }
0x1c7: {  	[tilespmem:v53+s12+$0x0] =	vst.idx.add.f32.msk $0xffff, v19  }
0x1c8: {  	s24 =	sadd.s32 $0x200, s24;
	[tilespmem:v58+s12+$0x0] =	vst.idx.add.f32.msk $0xffff, v27  }
0x1c9: {  	s20 =	sshll.u32 s19, $0xD;
	p0 =	seq.s32 s19, $0xF  }
0x1ca: {  	s22 =	sadd.s32 @!p0 s20, s30  }
0x1cb: {  	s22 =	sshrl.u32 @!p0 s22, $0x3  }
0x1cc: {  	s24 =	simm.s32 @!p0 $0x0;
	s25 =	simm.s32 @!p0 $0x18000;
	s23 =	sadd.s32 @!p0 s0, s22  }
0x1cd: {  	[tilespmem:s25], [sflag:$0x1] =	stream.linear.gather @!p0 [hbm4b:s23+s24], $0x1000, $0x38;
	[tilespmem:$0x1E000] =	vst v63  }
0x1ce: {  	s23 =	sadd.s32 @!p0 s2, s22;
	s25 =	simm.s32 @!p0 $0x19000  }
0x1cf: {  	[tilespmem:s25], [sflag:$0x1] =	stream.linear.gather @!p0 [hbm4b:s23+s24], $0x1000, $0x38;
	[tilespmem:$0x1E000] =	vst v63  }
0x1d0: {  	s22 =	sadd.s32 @!p0 s4, s22;
	s23 =	simm.s32 @!p0 $0x1A000  }
0x1d1: {  	[tilespmem:s23], [sflag:$0x1] =	stream.linear.gather @!p0 [hbm4b:s22+s24], $0x1000, $0x38;
	[tilespmem:$0x1E000] =	vst v63  }
0x1d2: {  	_ =	swait.ge [sflag:s13], $0x1000  }
0x1d3: {  	[sflag:s13] =	ssyncset.done $0x0  }
0x1d4: {  	[sflag:s13] =	ssyncadd.s32 $0xFFFFF000  }
0x1d5: {  	_ =	swait.ge [sflag:s13], $0x1000  }
0x1d6: {  	[sflag:s13] =	ssyncset.done $0x0  }
0x1d7: {  	[sflag:s13] =	ssyncadd.s32 $0xFFFFF000  }
0x1d8: {  	_ =	swait.ge [sflag:s13], $0x1000  }
0x1d9: {  	[sflag:s13] =	ssyncset.done $0x0  }
0x1da: {  	s25 =	simm.s32 $0x1B100;
	[sflag:s13] =	ssyncadd.s32 $0xFFFFF000  }
0x1db: {  	v0 =	vld [tilespmem:s25+$0xF0]  }
0x1dc: {  	v48 =	vld [tilespmem:s25+$0xFFFFFF10]  }
0x1dd: {  	v50 =	vld [tilespmem:s25+$0xFFFFFF20]  }
0x1de: {  	v46 =	vld [tilespmem:s25+$0xFFFFFF30]  }
0x1df: {  	v45 =	vld [tilespmem:s25+$0xFFFFFF40]  }
0x1e0: {  	v44 =	vld [tilespmem:s25+$0xFFFFFF50]  }
0x1e1: {  	v42 =	vld [tilespmem:s25+$0xFFFFFF60]  }
0x1e2: {  	v39 =	vld [tilespmem:s25+$0xFFFFFF70]  }
0x1e3: {  	v36 =	vld [tilespmem:s25+$0xFFFFFF80]  }
0x1e4: {  	v31 =	vld [tilespmem:s25+$0xFFFFFF90]  }
0x1e5: {  	s22 =	simm.s32 $0x1C100;
	v32 =	vld [tilespmem:s25+$0xFFFFFFA0]  }
0x1e6: {  	s23 =	simm.s32 $0x1D100;
	v2 =	vld [tilespmem:s22+$0xF0]  }
0x1e7: {  	v3 =	vld [tilespmem:s23+$0xF0]  }
0x1e8: {  	v34 =	vld [tilespmem:s25+$0xFFFFFFB0]  }
0x1e9: {  	v29 =	vld [tilespmem:s25+$0xFFFFFFC0]  }
0x1ea: {  	v26 =	vld [tilespmem:s25+$0xFFFFFFD0]  }
0x1eb: {  	v24 =	vld [tilespmem:s25+$0xFFFFFFE0]  }
0x1ec: {  	v25 =	vld [tilespmem:s25+$0xFFFFFFF0];
	v1 =	vshrl.u32 v0, $0x1  }
0x1ed: {  	v21 =	vld [tilespmem:s25+$0x0]  }
0x1ee: {  	v20 =	vld [tilespmem:s25+$0x10]  }
0x1ef: {  	v19 =	vld [tilespmem:s25+$0x20]  }
0x1f0: {  	v16 =	vld [tilespmem:s25+$0x30]  }
0x1f1: {  	v1 =	vld.idx.msk [tilespmem:v1+s5+$0x0], $0xffff  }
0x1f2: {  	v15 =	vld [tilespmem:s25+$0x40]  }
0x1f3: {  	v13 =	vld [tilespmem:s25+$0x50]  }
0x1f4: {  	v12 =	vld [tilespmem:s25+$0x60]  }
0x1f5: {  	v9 =	vld [tilespmem:s25+$0x70];
	v0 =	vand.u32 $0x1, v0  }
0x1f6: {  	v30 =	vld [tilespmem:s25+$0xC0];
	vm0 =	veq.s32 v0, $0x0;
	v38 =	vand.u32 $0xFFFF0000, v1;
	v1 =	vshll.u32 v1, $0x10  }
0x1f7: {  	v7 =	vld [tilespmem:s25+$0x80];
	v0 =	vsel vm0, v1, v38  }
0x1f8: {  	v6 =	vld [tilespmem:s25+$0x90];
	v0 =	vmul.f32 v0, v3  }
0x1f9: {  	v5 =	vld [tilespmem:s25+$0xA0]  }
0x1fa: {  	[tilespmem:v2+s12+$0x0] =	vst.idx.add.f32.msk $0xffff, v0  }
0x1fb: {  	v4 =	vld [tilespmem:s25+$0xB0];
	[tilespmem:$0x1FEB0] =	vst v30  }
0x1fc: {  	v1 =	vld [tilespmem:s25+$0xD0];
	_ =	sdelay $0x4  }
0x1fd: {  	[tilespmem:$0x1FEC0] =	vst v1  }
0x1fe: {  	v3 =	vld [tilespmem:s25+$0xE0];
	_ =	sdelay $0x1  }
0x1ff: {  	v40 =	vshrl.u32 v48, $0x1  }
0x200: {  	v8 =	vshrl.u32 v50, $0x1  }
0x201: {  	v10 =	vshrl.u32 v46, $0x1  }
0x202: {  	v11 =	vshrl.u32 v45, $0x1;
	[tilespmem:$0x1FED0] =	vst v3  }
0x203: {  	v14 =	vshrl.u32 v44, $0x1;
	v51 =	vld [tilespmem:s25+$0xFFFFFF00]  }
0x204: {  	v17 =	vshrl.u32 v42, $0x1;
	v52 =	vld.idx.msk [tilespmem:v40+s5+$0x0], $0xffff  }
0x205: {  	v41 =	vshrl.u32 v39, $0x1;
	v53 =	vld.idx.msk [tilespmem:v8+s5+$0x0], $0xffff  }
0x206: {  	v43 =	vshrl.u32 v36, $0x1;
	v54 =	vld.idx.msk [tilespmem:v10+s5+$0x0], $0xffff  }
0x207: {  	v47 =	vshrl.u32 v31, $0x1;
	v55 =	vld.idx.msk [tilespmem:v11+s5+$0x0], $0xffff  }
0x208: {  	v23 =	vshrl.u32 v32, $0x1;
	v56 =	vld.idx.msk [tilespmem:v14+s5+$0x0], $0xffff  }
0x209: {  	v27 =	vshrl.u32 v34, $0x1;
	v62 =	vld.idx.msk [tilespmem:v17+s5+$0x0], $0xffff  }
0x20a: {  	v28 =	vshrl.u32 v29, $0x1;
	v63 =	vld.idx.msk [tilespmem:v41+s5+$0x0], $0xffff  }
0x20b: {  	v33 =	vshrl.u32 v26, $0x1;
	v49 =	vld.idx.msk [tilespmem:v43+s5+$0x0], $0xffff  }
0x20c: {  	v35 =	vshrl.u32 v24, $0x1;
	v59 =	vld.idx.msk [tilespmem:v47+s5+$0x0], $0xffff  }
0x20d: {  	v37 =	vshrl.u32 v25, $0x1;
	v60 =	vld.idx.msk [tilespmem:v23+s5+$0x0], $0xffff  }
0x20e: {  	v38 =	vshrl.u32 v21, $0x1;
	v58 =	vld.idx.msk [tilespmem:v27+s5+$0x0], $0xffff  }
0x20f: {  	v61 =	vshrl.u32 v20, $0x1;
	v47 =	vld.idx.msk [tilespmem:v28+s5+$0x0], $0xffff  }
0x210: {  	v2 =	vshrl.u32 v15, $0x1;
	v43 =	vld.idx.msk [tilespmem:v33+s5+$0x0], $0xffff  }
0x211: {  	v0 =	vshrl.u32 v5, $0x1;
	v41 =	vld.idx.msk [tilespmem:v35+s5+$0x0], $0xffff  }
0x212: {  	v40 =	vld.idx.msk [tilespmem:v37+s5+$0x0], $0xffff  }
0x213: {  	v38 =	vld.idx.msk [tilespmem:v38+s5+$0x0], $0xffff  }
0x214: {  	v37 =	vld.idx.msk [tilespmem:v61+s5+$0x0], $0xffff  }
0x215: {  	v2 =	vld.idx.msk [tilespmem:v2+s5+$0x0], $0xffff  }
0x216: {  	v50 =	vand.u32 $0x1, v50;
	v17 =	vld.idx.msk [tilespmem:v0+s5+$0x0], $0xffff  }
0x217: {  	v46 =	vand.u32 $0x1, v46;
	vm12 =	veq.s32 v50, $0x0;
	v27 =	vshrl.u32 v19, $0x1;
	v50 =	vld [tilespmem:s22+$0xFFFFFF30]  }
0x218: {  	v45 =	vand.u32 $0x1, v45;
	vm13 =	veq.s32 v46, $0x0;
	v46 =	vld [tilespmem:s23+$0xFFFFFF80];
	v22 =	vshrl.u32 v51, $0x1  }
0x219: {  	v42 =	vand.u32 $0x1, v42;
	vm14 =	veq.s32 v45, $0x0;
	v28 =	vshrl.u32 v16, $0x1;
	v45 =	vld [tilespmem:s22+$0xFFFFFF50]  }
0x21a: {  	v36 =	vand.u32 $0x1, v36;
	vm4 =	veq.s32 v42, $0x0;
	v23 =	vshrl.u32 v12, $0x1;
	v42 =	vld [tilespmem:s22+$0xFFFFFF70]  }
0x21b: {  	vm6 =	veq.s32 v36, $0x0;
	v61 =	vshrl.u32 v9, $0x1;
	v36 =	vld [tilespmem:s23+$0xB0]  }
0x21c: {  	v35 =	vld.idx.msk [tilespmem:v27+s5+$0x0], $0xffff  }
0x21d: {  	v57 =	vld.idx.msk [tilespmem:v22+s5+$0x0], $0xffff;
	v22 =	vshrl.u32 v13, $0x1  }
0x21e: {  	v18 =	vshrl.u32 v7, $0x1;
	v33 =	vld.idx.msk [tilespmem:v28+s5+$0x0], $0xffff  }
0x21f: {  	v8 =	vshrl.u32 v6, $0x1;
	v27 =	vld.idx.msk [tilespmem:v23+s5+$0x0], $0xffff  }
0x220: {  	v23 =	vld.idx.msk [tilespmem:v61+s5+$0x0], $0xffff  }
0x221: {  	v14 =	vshrl.u32 v4, $0x1;
	v61 =	vshrl.u32 v30, $0x1;
	v30 =	vld [tilespmem:s23+$0xFFFFFF00]  }
0x222: {  	v28 =	vld.idx.msk [tilespmem:v22+s5+$0x0], $0xffff  }
0x223: {  	v22 =	vld.idx.msk [tilespmem:v18+s5+$0x0], $0xffff  }
0x224: {  	v18 =	vld.idx.msk [tilespmem:v8+s5+$0x0], $0xffff  }
0x225: {  	v8 =	vshrl.u32 v1, $0x1;
	v1 =	vld [tilespmem:s22+$0xFFFFFF00]  }
0x226: {  	v14 =	vld.idx.msk [tilespmem:v14+s5+$0x0], $0xffff;
	v51 =	vand.u32 $0x1, v51  }
0x227: {  	v0 =	vshrl.u32 v3, $0x1;
	vm10 =	veq.s32 v51, $0x0;
	v11 =	vld.idx.msk [tilespmem:v61+s5+$0x0], $0xffff;
	v61 =	vand.u32 $0x1, v48  }
0x228: {  	v51 =	vld [tilespmem:s22+$0xFFFFFF10];
	vm11 =	veq.s32 v61, $0x0;
	v3 =	vand.u32 $0xFFFF0000, v57;
	v57 =	vshll.u32 v57, $0x10  }
0x229: {  	v61 =	vand.u32 $0xFFFF0000, v53;
	v57 =	vsel vm10, v57, v3;
	v3 =	vshll.u32 v53, $0x10;
	v53 =	vld [tilespmem:s23+$0xFFFFFF60]  }
0x22a: {  	v30 =	vmul.f32 v57, v30;
	v57 =	vld [tilespmem:s23+$0xFFFFFF10]  }
0x22b: {  	v10 =	vld.idx.msk [tilespmem:v8+s5+$0x0], $0xffff  }
0x22c: {  	v8 =	vld.idx.msk [tilespmem:v0+s5+$0x0], $0xffff  }
0x22d: {  	[tilespmem:v1+s12+$0x0] =	vst.idx.add.f32.msk $0xffff, v30  }
0x22e: {  	v48 =	vand.u32 $0xFFFF0000, v52;
	v52 =	vshll.u32 v52, $0x10;
	v1 =	vld [tilespmem:s22+$0xFFFFFF20]  }
0x22f: {  	v0 =	vsel vm11, v52, v48;
	v30 =	vld [tilespmem:s23+$0xFFFFFF20]  }
0x230: {  	v48 =	vld [tilespmem:s23+$0xFFFFFF30];
	v0 =	vmul.f32 v0, v57  }
0x231: {  	v52 =	vld [tilespmem:s23+$0xFFFFFF40]  }
0x232: {  	[tilespmem:v51+s12+$0x0] =	vst.idx.add.f32.msk $0xffff, v0  }
0x233: {  	v51 =	vld [tilespmem:s23+$0xFFFFFF50];
	v0 =	vsel vm12, v3, v61  }
0x234: {  	v57 =	vand.u32 $0xFFFF0000, v54;
	v61 =	vshll.u32 v54, $0x10;
	v54 =	vld [tilespmem:s23+$0xFFFFFF90];
	v0 =	vmul.f32 v0, v30  }
0x235: {  	v3 =	vld [tilespmem:s23+$0xFFFFFFA0]  }
0x236: {  	[tilespmem:v1+s12+$0x0] =	vst.idx.add.f32.msk $0xffff, v0  }
0x237: {  	v1 =	vld [tilespmem:s22+$0xFFFFFF40]  }
0x238: {  	v30 =	vld [tilespmem:s23+$0xFFFFFF70];
	v0 =	vsel vm13, v61, v57  }
0x239: {  	v44 =	vand.u32 $0x1, v44;
	v61 =	vld [tilespmem:s23+$0xFFFFFFB0];
	v0 =	vmul.f32 v0, v48  }
0x23a: {  	vm15 =	veq.s32 v44, $0x0;
	v44 =	vand.u32 $0xFFFF0000, v56;
	v48 =	vshll.u32 v56, $0x10;
	v56 =	vld [tilespmem:s23+$0xFFFFFFF0]  }
0x23b: {  	v57 =	vshll.u32 v55, $0x10;
	[tilespmem:v50+s12+$0x0] =	vst.idx.add.f32.msk $0xffff, v0;
	v50 =	vand.u32 $0xFFFF0000, v55  }
0x23c: {  	v55 =	vld [tilespmem:s23+$0xFFFFFFE0];
	v0 =	vsel vm14, v57, v50  }
0x23d: {  	v57 =	vld [tilespmem:s23+$0xFFFFFFC0];
	v0 =	vmul.f32 v0, v52  }
0x23e: {  	v50 =	vld [tilespmem:s23+$0xFFFFFFD0]  }
0x23f: {  	[tilespmem:v1+s12+$0x0] =	vst.idx.add.f32.msk $0xffff, v0  }
0x240: {  	v0 =	vsel vm15, v48, v44;
	v44 =	vld [tilespmem:s22+$0xFFFFFF60]  }
0x241: {  	v19 =	vand.u32 $0x1, v19;
	v52 =	vshll.u32 v62, $0x10;
	v48 =	vld [tilespmem:s23+$0x0]  }
0x242: {  	vm15 =	veq.s32 v19, $0x0;
	v19 =	vld [tilespmem:s22+$0x30];
	v0 =	vmul.f32 v0, v51;
	v51 =	vand.u32 $0xFFFF0000, v62  }
0x243: {  	v1 =	vsel vm4, v52, v51;
	v51 =	vld [tilespmem:s23+$0x40]  }
0x244: {  	v16 =	vand.u32 $0x1, v16;
	v52 =	vld [tilespmem:s23+$0x50]  }
0x245: {  	vm4 =	veq.s32 v16, $0x0;
	v16 =	vld [tilespmem:s22+$0x50]  }
0x246: {  	[tilespmem:v45+s12+$0x0] =	vst.idx.add.f32.msk $0xffff, v0  }
0x247: {  	v0 =	vld [tilespmem:s23+$0x10]  }
0x248: {  	v62 =	vmul.f32 v1, v53;
	v53 =	vld [tilespmem:s23+$0x20]  }
0x249: {  	v1 =	vld [tilespmem:s23+$0x30]  }
0x24a: {  	v39 =	vand.u32 $0x1, v39;
	[tilespmem:v44+s12+$0x0] =	vst.idx.add.f32.msk $0xffff, v62  }
0x24b: {  	vm5 =	veq.s32 v39, $0x0;
	v62 =	vand.u32 $0xFFFF0000, v63;
	v63 =	vshll.u32 v63, $0x10;
	v44 =	vld [tilespmem:s23+$0x60]  }
0x24c: {  	v39 =	vsel vm5, v63, v62;
	v62 =	vld [tilespmem:s22+$0xFFFFFF80]  }
0x24d: {  	v63 =	vand.u32 $0x1, v31;
	v31 =	vld [tilespmem:s23+$0xC0]  }
0x24e: {  	v30 =	vmul.f32 v39, v30;
	v39 =	vld [tilespmem:s23+$0xA0]  }
0x24f: {  	vm7 =	veq.s32 v63, $0x0;
	v63 =	vld [tilespmem:s22+$0xFFFFFFE0]  }
0x250: {  	[tilespmem:v42+s12+$0x0] =	vst.idx.add.f32.msk $0xffff, v30  }
0x251: {  	v45 =	vshll.u32 v49, $0x10;
	v42 =	vand.u32 $0xFFFF0000, v49;
	v49 =	vld [tilespmem:s23+$0x70]  }
0x252: {  	v29 =	vand.u32 $0x1, v29;
	v30 =	vsel vm6, v45, v42;
	v45 =	vld [tilespmem:s23+$0x80]  }
0x253: {  	v26 =	vand.u32 $0x1, v26;
	v24 =	vand.u32 $0x1, v24;
	v42 =	vld [tilespmem:s23+$0x90];
	v30 =	vmul.f32 v30, v46  }
0x254: {  	v25 =	vand.u32 $0x1, v25;
	vm9 =	veq.s32 v29, $0x0;
	v46 =	vand.u32 $0x1, v32;
	v32 =	vld [tilespmem:s23+$0xD0]  }
0x255: {  	vm10 =	veq.s32 v26, $0x0;
	vm1 =	veq.s32 v46, $0x0;
	[tilespmem:v62+s12+$0x0] =	vst.idx.add.f32.msk $0xffff, v30;
	v30 =	vand.u32 $0x1, v34  }
0x256: {  	v46 =	vld [tilespmem:s22+$0xFFFFFF90];
	v34 =	vand.u32 $0xFFFF0000, v59;
	v59 =	vshll.u32 v59, $0x10;
	v62 =	vand.u32 $0xFFFF0000, v60  }
0x257: {  	v60 =	vshll.u32 v60, $0x10;
	v59 =	vsel vm7, v59, v34;
	vm8 =	veq.s32 v30, $0x0;
	v34 =	vld [tilespmem:s23+$0xE0]  }
0x258: {  	v30 =	vsel vm1, v60, v62;
	v60 =	vand.u32 $0xFFFF0000, v58;
	v58 =	vshll.u32 v58, $0x10;
	v62 =	vld [tilespmem:s22+$0xFFFFFFA0]  }
0x259: {  	v26 =	vand.u32 $0xFFFF0000, v47;
	v47 =	vshll.u32 v47, $0x10;
	v29 =	vsel vm8, v58, v60;
	v58 =	vld [tilespmem:s22+$0xFFFFFFB0]  }
0x25a: {  	v20 =	vand.u32 $0x1, v20;
	v21 =	vand.u32 $0x1, v21;
	v26 =	vsel vm9, v47, v26;
	v60 =	vld [tilespmem:s22+$0xFFFFFFC0]  }
0x25b: {  	v47 =	vmul.f32 v59, v54;
	v54 =	vld [tilespmem:s22+$0xFFFFFFD0];
	v59 =	vand.u32 $0xFFFF0000, v43;
	v43 =	vshll.u32 v43, $0x10  }
0x25c: {  	v15 =	vand.u32 $0x1, v15;
	vm11 =	veq.s32 v24, $0x0;
	v24 =	vsel vm10, v43, v59;
	v43 =	vld [tilespmem:s22+$0xFFFFFFF0]  }
0x25d: {  	vm12 =	veq.s32 v25, $0x0;
	vm5 =	veq.s32 v15, $0x0;
	v15 =	vmul.f32 v29, v61;
	v29 =	vld [tilespmem:s22+$0xA0]  }
0x25e: {  	vm13 =	veq.s32 v21, $0x0;
	v59 =	vand.u32 $0xFFFF0000, v40;
	v40 =	vshll.u32 v40, $0x10;
	v61 =	vld [tilespmem:s22+$0xB0]  }
0x25f: {  	v21 =	vsel vm12, v40, v59;
	v40 =	vld [tilespmem:s22+$0x10];
	v59 =	vand.u32 $0xFFFF0000, v38;
	v38 =	vshll.u32 v38, $0x10  }
0x260: {  	vm14 =	veq.s32 v20, $0x0;
	v20 =	vsel vm13, v38, v59;
	v38 =	vld [tilespmem:s22+$0x60]  }
0x261: {  	[tilespmem:v46+s12+$0x0] =	vst.idx.add.f32.msk $0xffff, v47  }
0x262: {  	v3 =	vmul.f32 v30, v3;
	v47 =	vand.u32 $0xFFFF0000, v41;
	v41 =	vshll.u32 v41, $0x10;
	v46 =	vld [tilespmem:s22+$0x0]  }
0x263: {  	v59 =	vand.u32 $0xFFFF0000, v37;
	v37 =	vshll.u32 v37, $0x10;
	v25 =	vsel vm11, v41, v47;
	v47 =	vld [tilespmem:s22+$0x20]  }
0x264: {  	v37 =	vsel vm14, v37, v59;
	v59 =	vand.u32 $0xFFFF0000, v35;
	v35 =	vshll.u32 v35, $0x10;
	v41 =	vld [tilespmem:s22+$0x40]  }
0x265: {  	v13 =	vand.u32 $0x1, v13;
	v30 =	vsel vm15, v35, v59;
	v35 =	vld [tilespmem:s22+$0x80]  }
0x266: {  	vm6 =	veq.s32 v13, $0x0;
	[tilespmem:v62+s12+$0x0] =	vst.idx.add.f32.msk $0xffff, v3  }
0x267: {  	v59 =	vand.u32 $0xFFFF0000, v33;
	v3 =	vand.u32 $0x1, v12;
	v62 =	vshll.u32 v33, $0x10;
	v33 =	vld [tilespmem:s22+$0x70]  }
0x268: {  	v13 =	vand.u32 $0xFFFF0000, v28;
	v28 =	vshll.u32 v28, $0x10;
	vm7 =	veq.s32 v3, $0x0;
	v3 =	vld [tilespmem:s22+$0x90]  }
0x269: {  	v13 =	vsel vm6, v28, v13;
	v28 =	vshll.u32 v23, $0x10;
	v24 =	vmul.f32 v24, v50;
	[tilespmem:v58+s12+$0x0] =	vst.idx.add.f32.msk $0xffff, v15  }
0x26a: {  	v25 =	vmul.f32 v25, v55;
	v12 =	vsel vm4, v62, v59;
	v62 =	vand.u32 $0xFFFF0000, v23;
	v23 =	vld [tilespmem:s22+$0xC0]  }
0x26b: {  	v9 =	vand.u32 $0x1, v9;
	v58 =	vmul.f32 v26, v57;
	[tilespmem:v54+s12+$0x0] =	vst.idx.add.f32.msk $0xffff, v24  }
0x26c: {  	vm8 =	veq.s32 v9, $0x0;
	v0 =	vmul.f32 v37, v0;
	[tilespmem:v63+s12+$0x0] =	vst.idx.add.f32.msk $0xffff, v25  }
0x26d: {  	v7 =	vand.u32 $0x1, v7;
	v9 =	vsel vm8, v28, v62;
	v62 =	vmul.f32 v21, v56;
	[tilespmem:v60+s12+$0x0] =	vst.idx.add.f32.msk $0xffff, v58  }
0x26e: {  	v5 =	vand.u32 $0x1, v5;
	v6 =	vand.u32 $0x1, v6;
	v20 =	vmul.f32 v20, v48;
	[tilespmem:v40+s12+$0x0] =	vst.idx.add.f32.msk $0xffff, v0  }
0x26f: {  	v4 =	vand.u32 $0x1, v4;
	vm9 =	veq.s32 v7, $0x0;
	vm10 =	veq.s32 v6, $0x0;
	[tilespmem:v43+s12+$0x0] =	vst.idx.add.f32.msk $0xffff, v62  }
0x270: {  	v37 =	vmul.f32 v30, v53;
	v59 =	vand.u32 $0xFFFF0000, v2;
	v2 =	vshll.u32 v2, $0x10;
	[tilespmem:v46+s12+$0x0] =	vst.idx.add.f32.msk $0xffff, v20  }
0x271: {  	vm12 =	veq.s32 v4, $0x0;
	v2 =	vsel vm5, v2, v59;
	v1 =	vmul.f32 v12, v1;
	v0 =	vld [tilespmem:$0x1FEB0]  }
0x272: {  	v50 =	vand.u32 $0xFFFF0000, v11;
	vm11 =	veq.s32 v5, $0x0;
	v2 =	vmul.f32 v2, v51;
	[tilespmem:v47+s12+$0x0] =	vst.idx.add.f32.msk $0xffff, v37  }
0x273: {  	v59 =	vand.u32 $0xFFFF0000, v27;
	v27 =	vshll.u32 v27, $0x10;
	v46 =	vmul.f32 v13, v52;
	[tilespmem:v19+s12+$0x0] =	vst.idx.add.f32.msk $0xffff, v1  }
0x274: {  	v24 =	vand.u32 $0xFFFF0000, v18;
	v18 =	vshll.u32 v18, $0x10;
	v27 =	vsel vm7, v27, v59;
	[tilespmem:v41+s12+$0x0] =	vst.idx.add.f32.msk $0xffff, v2  }
0x275: {  	v25 =	vand.u32 $0xFFFF0000, v17;
	v26 =	vshll.u32 v17, $0x10;
	v48 =	vmul.f32 v27, v44;
	[tilespmem:v16+s12+$0x0] =	vst.idx.add.f32.msk $0xffff, v46  }
0x276: {  	v55 =	vand.u32 $0xFFFF0000, v10;
	v7 =	vsel vm10, v18, v24;
	v5 =	vsel vm11, v26, v25;
	v53 =	vld [tilespmem:$0x1FEC0]  }
0x277: {  	v56 =	vshll.u32 v10, $0x10;
	v59 =	vand.u32 $0xFFFF0000, v22;
	[tilespmem:v38+s12+$0x0] =	vst.idx.add.f32.msk $0xffff, v48;
	v0 =	vand.u32 $0x1, v0  }
0x278: {  	v22 =	vshll.u32 v22, $0x10;
	v40 =	vand.u32 $0xFFFF0000, v14;
	vm13 =	veq.s32 v0, $0x0;
	v0 =	vld [tilespmem:$0x1FED0]  }
0x279: {  	v15 =	vld [tilespmem:s22+$0xD0];
	v51 =	vshll.u32 v11, $0x10;
	v22 =	vsel vm9, v22, v59;
	v52 =	vmul.f32 v9, v49  }
0x27a: {  	v28 =	vld [tilespmem:s22+$0xE0];
	v7 =	vmul.f32 v7, v42;
	v43 =	vshll.u32 v14, $0x10;
	v54 =	vmul.f32 v22, v45  }
0x27b: {  	v5 =	vmul.f32 v5, v39;
	v60 =	vshll.u32 v8, $0x10;
	v47 =	vsel vm12, v43, v40;
	[tilespmem:v33+s12+$0x0] =	vst.idx.add.f32.msk $0xffff, v52  }
0x27c: {  	v59 =	vand.u32 $0xFFFF0000, v8;
	v58 =	vmul.f32 v47, v36;
	[tilespmem:v35+s12+$0x0] =	vst.idx.add.f32.msk $0xffff, v54;
	v9 =	vand.u32 $0x1, v53  }
0x27d: {  	[tilespmem:v3+s12+$0x0] =	vst.idx.add.f32.msk $0xffff, v7;
	v2 =	vsel vm13, v51, v50;
	vm14 =	veq.s32 v9, $0x0;
	v0 =	vand.u32 $0x1, v0  }
0x27e: {  	[tilespmem:v29+s12+$0x0] =	vst.idx.add.f32.msk $0xffff, v5;
	v2 =	vmul.f32 v2, v31;
	v57 =	vsel vm14, v56, v55;
	vm15 =	veq.s32 v0, $0x0  }
0x27f: {  	[tilespmem:v61+s12+$0x0] =	vst.idx.add.f32.msk $0xffff, v58;
	v62 =	vmul.f32 v57, v32;
	v1 =	vsel vm15, v60, v59  }
0x280: {  	[tilespmem:v23+s12+$0x0] =	vst.idx.add.f32.msk $0xffff, v2;
	v63 =	vmul.f32 v1, v34  }
0x281: {  	[tilespmem:v15+s12+$0x0] =	vst.idx.add.f32.msk $0xffff, v62  }
0x282: {  	s24 =	simm.s32 $0x0;
	s25 =	simm.s32 $0x1B300;
	[tilespmem:v28+s12+$0x0] =	vst.idx.add.f32.msk $0xffff, v63  }
.LBB2_7:
0x283: {  	v0 =	vld [tilespmem:s25+$0xF0]  }
0x284: {  	v1 =	vld [tilespmem:s25+$0xFFFFFF10]  }
0x285: {  	v2 =	vld [tilespmem:s25+$0xFFFFFF20]  }
0x286: {  	v6 =	vld [tilespmem:s25+$0xFFFFFF30]  }
0x287: {  	v7 =	vld [tilespmem:s25+$0xFFFFFF40]  }
0x288: {  	v8 =	vld [tilespmem:s25+$0xFFFFFF50]  }
0x289: {  	v10 =	vld [tilespmem:s25+$0xFFFFFF60]  }
0x28a: {  	v11 =	vld [tilespmem:s25+$0xFFFFFF70]  }
0x28b: {  	v12 =	vld [tilespmem:s25+$0xFFFFFF80]  }
0x28c: {  	v13 =	vld [tilespmem:s25+$0xFFFFFF90]  }
0x28d: {  	v15 =	vld [tilespmem:s25+$0xFFFFFFA0]  }
0x28e: {  	v27 =	vld [tilespmem:s25+$0xFFFFFFB0]  }
0x28f: {  	v29 =	vld [tilespmem:s25+$0xFFFFFFC0]  }
0x290: {  	v17 =	vld [tilespmem:s25+$0xFFFFFFD0]  }
0x291: {  	v18 =	vld [tilespmem:s25+$0xFFFFFFE0]  }
0x292: {  	v53 =	vimm.s32 $0x0;
	v55 =	vimm.s32 $0x0;
	v57 =	vimm.s32 $0x0;
	v19 =	vld [tilespmem:s25+$0xFFFFFFF0]  }
0x293: {  	v22 =	vimm.s32 $0x0;
	v25 =	vimm.s32 $0x0;
	v28 =	vimm.s32 $0x0;
	v20 =	vld [tilespmem:s25+$0x0]  }
0x294: {  	s22 =	sadd.s32 $0x200, s22;
	v42 =	vld [tilespmem:s25+$0x50];
	v9 =	vshrl.u32 v0, $0x1;
	v3 =	vshrl.u32 v1, $0x1;
	v1 =	vand.u32 $0x1, v1  }
0x295: {  	s23 =	sadd.s32 $0x200, s23;
	v16 =	vld [tilespmem:s22+$0xF0];
	v4 =	vshrl.u32 v2, $0x1;
	v52 =	vand.u32 $0x1, v2;
	v54 =	vand.u32 $0x1, v6  }
0x296: {  	v24 =	vld [tilespmem:s23+$0xF0];
	v56 =	vand.u32 $0x1, v7;
	v60 =	vshrl.u32 v10, $0x1;
	v21 =	vand.u32 $0x1, v11  }
0x297: {  	v61 =	vand.u32 $0x1, v10;
	v23 =	vand.u32 $0x1, v12;
	vm4 =	veq.s32 v21, $0x0;
	v21 =	vld [tilespmem:s25+$0x10]  }
0x298: {  	v26 =	vand.u32 $0x1, v13;
	v34 =	vand.u32 $0x1, v17;
	vm5 =	veq.s32 v23, $0x0;
	v23 =	vld [tilespmem:s25+$0x30]  }
0x299: {  	vm15 =	veq.s32 v1, $0x0;
	vm0 =	veq.s32 v52, $0x0;
	vm6 =	veq.s32 v26, $0x0;
	v26 =	vld [tilespmem:s25+$0x70]  }
0x29a: {  	vm11 =	veq.s32 v54, $0x0;
	v1 =	vsel vm0, $0xFFFFFFFF, v53;
	v10 =	vsel vm6, $0xFFFFFFFF, v28;
	v28 =	vld [tilespmem:s25+$0x90]  }
0x29b: {  	vm12 =	veq.s32 v56, $0x0;
	[tilespmem:$0x1FDC0] =	vst v1;
	v1 =	vsel vm11, $0xFFFFFFFF, v55;
	vm11 =	veq.s32 v34, $0x0;
	v34 =	vld [tilespmem:s25+$0xFFFFFF00]  }
0x29c: {  	v5 =	vshrl.u32 v6, $0x1;
	v6 =	vshrl.u32 v7, $0x1;
	[tilespmem:$0x1FDD0] =	vst v1;
	v1 =	vsel vm12, $0xFFFFFFFF, v57;
	v14 =	vld.idx.msk [tilespmem:v9+s5+$0x0], $0xffff  }
0x29d: {  	v58 =	vand.u32 $0x1, v8;
	[tilespmem:$0x1FDE0] =	vst v1;
	v1 =	vshrl.u32 v8, $0x1;
	v8 =	vsel vm4, $0xFFFFFFFF, v22;
	v22 =	vld [tilespmem:s25+$0x20]  }
0x29e: {  	v9 =	vsel vm5, $0xFFFFFFFF, v25;
	v25 =	vld [tilespmem:s25+$0x60]  }
0x29f: {  	v63 =	vshrl.u32 v11, $0x1;
	v3 =	vld.idx.msk [tilespmem:v3+s5+$0x0], $0xffff  }
0x2a0: {  	v4 =	vld.idx.msk [tilespmem:v4+s5+$0x0], $0xffff  }
0x2a1: {  	v59 =	vimm.s32 $0x0;
	v62 =	vimm.s32 $0x0;
	v54 =	vld.idx.msk [tilespmem:v5+s5+$0x0], $0xffff  }
0x2a2: {  	v31 =	vimm.s32 $0x0;
	v32 =	vimm.s32 $0x0;
	v0 =	vand.u32 $0x1, v0;
	v6 =	vld.idx.msk [tilespmem:v6+s5+$0x0], $0xffff  }
0x2a3: {  	v11 =	vshrl.u32 v27, $0x1;
	v38 =	vand.u32 $0x1, v19;
	[tilespmem:$0x1FE30] =	vst v10;
	v10 =	vshrl.u32 v15, $0x1;
	v60 =	vld.idx.msk [tilespmem:v60+s5+$0x0], $0xffff  }
0x2a4: {  	vm13 =	veq.s32 v58, $0x0;
	vm14 =	veq.s32 v61, $0x0;
	vm7 =	veq.s32 v0, $0x0;
	v63 =	vld.idx.msk [tilespmem:v63+s5+$0x0], $0xffff  }
0x2a5: {  	[tilespmem:$0x1FE10] =	vst v8;
	v8 =	vshrl.u32 v12, $0x1;
	v12 =	vand.u32 $0x1, v27;
	v45 =	vand.u32 $0x1, v23;
	v27 =	vld [tilespmem:s25+$0x80]  }
0x2a6: {  	v2 =	vsel vm13, $0xFFFFFFFF, v59;
	vm9 =	veq.s32 v12, $0x0;
	vm2 =	veq.s32 v45, $0x0;
	v45 =	vld [tilespmem:$0x1FDE0]  }
0x2a7: {  	v15 =	vand.u32 $0x1, v15;
	v48 =	vand.u32 $0x1, v26;
	v12 =	vsel vm9, $0xFFFFFFFF, v32;
	v32 =	vld [tilespmem:s25+$0xD0]  }
0x2a8: {  	vm8 =	veq.s32 v15, $0x0;
	v15 =	vshrl.u32 v19, $0x1;
	[tilespmem:$0x1FE20] =	vst v9;
	vm6 =	veq.s32 v48, $0x0;
	v48 =	vld.idx.msk [tilespmem:v10+s5+$0x0], $0xffff  }
0x2a9: {  	v9 =	vshrl.u32 v13, $0x1;
	v13 =	vand.u32 $0x1, v29;
	[tilespmem:$0x1FE50] =	vst v12;
	v12 =	vshrl.u32 v29, $0x1;
	v29 =	vld [tilespmem:s25+$0xA0]  }
0x2aa: {  	v19 =	vshrl.u32 v23, $0x1;
	v30 =	vand.u32 $0xFFFF0000, v14;
	v14 =	vshll.u32 v14, $0x10;
	v59 =	vld.idx.msk [tilespmem:v1+s5+$0x0], $0xffff  }
0x2ab: {  	v7 =	vsel vm14, $0xFFFFFFFF, v62;
	vm13 =	veq.s32 v38, $0x0;
	v0 =	vsel vm7, v14, v30;
	v30 =	vld [tilespmem:s25+$0xB0]  }
0x2ac: {  	vm10 =	veq.s32 v13, $0x0;
	v13 =	vshrl.u32 v17, $0x1;
	v14 =	vsel vm8, $0xFFFFFFFF, v31;
	v31 =	vld [tilespmem:s25+$0xC0]  }
0x2ad: {  	v17 =	vshrl.u32 v21, $0x1;
	v61 =	vand.u32 $0xFFFF0000, v3;
	v62 =	vshll.u32 v3, $0x10;
	v38 =	vld.idx.msk [tilespmem:v8+s5+$0x0], $0xffff  }
0x2ae: {  	v1 =	vsel vm15, v62, v61;
	v62 =	vld [tilespmem:$0x1FE30]  }
0x2af: {  	v33 =	vimm.s32 $0x0;
	v19 =	vld.idx.msk [tilespmem:v19+s5+$0x0], $0xffff  }
0x2b0: {  	v35 =	vimm.s32 $0x0;
	v37 =	vimm.s32 $0x0;
	v0 =	vmul.f32 v0, v24;
	v24 =	vld [tilespmem:s25+$0x40]  }
0x2b1: {  	v39 =	vimm.s32 $0x0;
	v36 =	vand.u32 $0x1, v18;
	v40 =	vand.u32 $0x1, v20;
	v13 =	vld.idx.msk [tilespmem:v13+s5+$0x0], $0xffff  }
0x2b2: {  	v41 =	vimm.s32 $0x0;
	vm14 =	veq.s32 v40, $0x0;
	vm12 =	veq.s32 v36, $0x0;
	v17 =	vld.idx.msk [tilespmem:v17+s5+$0x0], $0xffff  }
0x2b3: {  	v43 =	vand.u32 $0x1, v21;
	v23 =	vshrl.u32 v26, $0x1;
	v57 =	vshrl.u32 v34, $0x1;
	[tilespmem:v16+s12+$0x0] =	vst.idx.add.f32.msk $0xffff, v0  }
0x2b4: {  	[tilespmem:$0x1FE00] =	vst v7;
	v21 =	vshrl.u32 v42, $0x1;
	v50 =	vand.u32 $0x1, v28;
	v0 =	vsel vm10, $0xFFFFFFFF, v33;
	v33 =	vld [tilespmem:s25+$0xE0]  }
0x2b5: {  	v58 =	vand.u32 $0x1, v34;
	v44 =	vand.u32 $0x1, v22;
	v47 =	vand.u32 $0x1, v25;
	[tilespmem:$0x1FE40] =	vst v14;
	v12 =	vld.idx.msk [tilespmem:v12+s5+$0x0], $0xffff  }
0x2b6: {  	v14 =	vshrl.u32 v18, $0x1;
	v51 =	vand.u32 $0x1, v29;
	[tilespmem:$0x1FE60] =	vst v0;
	v0 =	vsel vm11, $0xFFFFFFFF, v35;
	v35 =	vld.idx.msk [tilespmem:v11+s5+$0x0], $0xffff  }
0x2b7: {  	v18 =	vshrl.u32 v22, $0x1;
	v22 =	vshrl.u32 v25, $0x1;
	vm8 =	veq.s32 v51, $0x0;
	v51 =	vld [tilespmem:$0x1FE00]  }
0x2b8: {  	v25 =	vshrl.u32 v28, $0x1;
	v28 =	vshrl.u32 v31, $0x1;
	v53 =	vand.u32 $0x1, v31;
	v31 =	vld.idx.msk [tilespmem:v57+s5+$0x0], $0xffff  }
0x2b9: {  	vm0 =	veq.s32 v58, $0x0;
	v36 =	vand.u32 $0xFFFF0000, v4;
	[tilespmem:$0x1FE70] =	vst v0;
	v0 =	vsel vm12, $0xFFFFFFFF, v37;
	v57 =	vld [tilespmem:$0x1FE20]  }
0x2ba: {  	v40 =	vand.u32 $0xFFFF0000, v54;
	vm1 =	veq.s32 v44, $0x0;
	[tilespmem:$0x1FE80] =	vst v0;
	v0 =	vsel vm13, $0xFFFFFFFF, v39;
	v39 =	vld [tilespmem:$0x1FDC0]  }
0x2bb: {  	vm5 =	veq.s32 v47, $0x0;
	v52 =	vand.u32 $0x1, v30;
	vm13 =	veq.s32 v43, $0x0;
	v43 =	vld [tilespmem:$0x1FDD0]  }
0x2bc: {  	v49 =	vand.u32 $0x1, v27;
	v5 =	vshrl.u32 v32, $0x1;
	vm9 =	veq.s32 v52, $0x0;
	v14 =	vld.idx.msk [tilespmem:v14+s5+$0x0], $0xffff  }
0x2bd: {  	vm10 =	veq.s32 v53, $0x0;
	v52 =	vand.u32 $0xFFFF0000, v63;
	v53 =	vshll.u32 v63, $0x10;
	v63 =	vld.idx.msk [tilespmem:v15+s5+$0x0], $0xffff  }
0x2be: {  	[tilespmem:$0x1FDF0] =	vst v2;
	v16 =	vshrl.u32 v20, $0x1;
	v20 =	vshrl.u32 v24, $0x1;
	v46 =	vand.u32 $0x1, v24;
	v18 =	vld.idx.msk [tilespmem:v18+s5+$0x0], $0xffff  }
0x2bf: {  	v24 =	vshrl.u32 v27, $0x1;
	[tilespmem:$0x1FE90] =	vst v0;
	v0 =	vsel vm14, $0xFFFFFFFF, v41;
	vm14 =	veq.s32 v49, $0x0;
	v49 =	vld [tilespmem:$0x1FDF0]  }
0x2c0: {  	vm7 =	veq.s32 v50, $0x0;
	v44 =	vand.u32 $0xFFFF0000, v6;
	v41 =	vshll.u32 v54, $0x10;
	v54 =	vld [tilespmem:$0x1FE10]  }
0x2c1: {  	v6 =	vshll.u32 v6, $0x10;
	v50 =	vand.u32 $0xFFFF0000, v60;
	v5 =	vld.idx.msk [tilespmem:v5+s5+$0x0], $0xffff;
	[tilespmem:$0x1FEA0] =	vst v0;
	v0 =	vand.u32 $0x1, v42  }
0x2c2: {  	v55 =	vand.u32 $0x1, v32;
	v34 =	vand.u32 $0xFFFF0000, v48;
	v42 =	vld.idx.msk [tilespmem:v9+s5+$0x0], $0xffff;
	vm4 =	veq.s32 v0, $0x0  }
0x2c3: {  	v16 =	vld.idx.msk [tilespmem:v16+s5+$0x0], $0xffff;
	v0 =	vshll.u32 v60, $0x10;
	v60 =	vand.u32 $0xFFFF0000, v31;
	v61 =	vshll.u32 v31, $0x10  }
0x2c4: {  	v37 =	vshll.u32 v4, $0x10;
	vm15 =	vnez.u8 v39;
	v15 =	vsel vm0, v61, v60;
	v60 =	vld.idx.msk [tilespmem:v24+s5+$0x0], $0xffff  }
0x2c5: {  	v26 =	vshrl.u32 v29, $0x1;
	vm11 =	veq.s32 v55, $0x0;
	v2 =	vsel vm15, v37, v36;
	v37 =	vld [tilespmem:$0x1FE40]  }
0x2c6: {  	v47 =	vshll.u32 v59, $0x10;
	vm15 =	vnez.u8 v43;
	v36 =	vshll.u32 v48, $0x10;
	v48 =	vld [tilespmem:$0x1FE80]  }
0x2c7: {  	vm3 =	veq.s32 v46, $0x0;
	v46 =	vand.u32 $0xFFFF0000, v59;
	v3 =	vsel vm15, v41, v40;
	v40 =	vld [tilespmem:$0x1FE50]  }
0x2c8: {  	vm15 =	vnez.u8 v45;
	v58 =	vand.u32 $0xFFFF0000, v42;
	v59 =	vshll.u32 v42, $0x10;
	v42 =	vld [tilespmem:$0x1FE60]  }
0x2c9: {  	v55 =	vand.u32 $0xFFFF0000, v38;
	v4 =	vsel vm15, v6, v44;
	vm15 =	vnez.u8 v49;
	v44 =	vld [tilespmem:$0x1FE70]  }
0x2ca: {  	v27 =	vshrl.u32 v30, $0x1;
	v56 =	vand.u32 $0x1, v33;
	v6 =	vsel vm15, v47, v46;
	v47 =	vld.idx.msk [tilespmem:v20+s5+$0x0], $0xffff  }
0x2cb: {  	v29 =	vshrl.u32 v33, $0x1;
	vm12 =	veq.s32 v56, $0x0;
	vm15 =	vnez.u8 v51;
	v51 =	vld [tilespmem:$0x1FE90]  }
0x2cc: {  	v56 =	vshll.u32 v38, $0x10;
	v38 =	vand.u32 $0xFFFF0000, v35;
	v7 =	vsel vm15, v0, v50;
	v50 =	vld.idx.msk [tilespmem:v21+s5+$0x0], $0xffff  }
0x2cd: {  	v39 =	vshll.u32 v35, $0x10;
	v61 =	vand.u32 $0xFFFF0000, v19;
	vm15 =	vnez.u8 v54;
	v54 =	vld [tilespmem:$0x1FEA0]  }
0x2ce: {  	v43 =	vand.u32 $0xFFFF0000, v13;
	v49 =	vand.u32 $0xFFFF0000, v63;
	v0 =	vshll.u32 v63, $0x10;
	v63 =	vld.idx.msk [tilespmem:v25+s5+$0x0], $0xffff  }
0x2cf: {  	v41 =	vand.u32 $0xFFFF0000, v12;
	v8 =	vsel vm15, v53, v52;
	vm15 =	vnez.u8 v57;
	v53 =	vld.idx.msk [tilespmem:v22+s5+$0x0], $0xffff  }
0x2d0: {  	v45 =	vand.u32 $0xFFFF0000, v14;
	v57 =	vld.idx.msk [tilespmem:v23+s5+$0x0], $0xffff;
	v9 =	vsel vm15, v56, v55;
	vm15 =	vnez.u8 v62  }
0x2d1: {  	v62 =	vshll.u32 v19, $0x10;
	v10 =	vsel vm15, v59, v58;
	vm15 =	vnez.u8 v37;
	v37 =	vld.idx.msk [tilespmem:v26+s5+$0x0], $0xffff  }
0x2d2: {  	v46 =	vshll.u32 v14, $0x10;
	v25 =	vsel vm2, v62, v61;
	v62 =	vld [tilespmem:s23+$0xFFFFFF50];
	v11 =	vsel vm15, v36, v34  }
0x2d3: {  	vm15 =	vnez.u8 v40;
	v36 =	vand.u32 $0xFFFF0000, v47;
	v14 =	vshll.u32 v47, $0x10;
	v47 =	vld.idx.msk [tilespmem:v29+s5+$0x0], $0xffff  }
0x2d4: {  	v12 =	vshll.u32 v12, $0x10;
	v30 =	vsel vm15, v39, v38;
	vm15 =	vnez.u8 v42;
	v39 =	vld.idx.msk [tilespmem:v27+s5+$0x0], $0xffff  }
0x2d5: {  	v13 =	vshll.u32 v13, $0x10;
	v42 =	vld.idx.msk [tilespmem:v28+s5+$0x0], $0xffff;
	v31 =	vsel vm15, v12, v41;
	vm15 =	vnez.u8 v44  }
0x2d6: {  	v40 =	vand.u32 $0xFFFF0000, v53;
	v32 =	vsel vm15, v13, v43;
	vm15 =	vnez.u8 v48;
	v48 =	vld [tilespmem:s23+$0xFFFFFF00]  }
0x2d7: {  	v41 =	vshll.u32 v53, $0x10;
	v44 =	vshll.u32 v57, $0x10;
	v43 =	vand.u32 $0xFFFF0000, v57;
	v57 =	vld [tilespmem:s23+$0xFFFFFF30]  }
0x2d8: {  	v28 =	vsel vm5, v41, v40;
	v40 =	vld [tilespmem:s23+$0xFFFFFF70]  }
0x2d9: {  	v41 =	vld [tilespmem:s23+$0xFFFFFF80]  }
0x2da: {  	v20 =	vsel vm15, v46, v45;
	vm15 =	vnez.u8 v51;
	v51 =	vld [tilespmem:s23+$0xFFFFFF10]  }
0x2db: {  	v45 =	vand.u32 $0xFFFF0000, v60;
	v46 =	vshll.u32 v60, $0x10;
	v60 =	vld [tilespmem:s23+$0xFFFFFF40]  }
0x2dc: {  	v61 =	vand.u32 $0xFFFF0000, v5;
	v33 =	vsel vm6, v44, v43;
	v43 =	vld [tilespmem:s23+$0xFFFFFFA0]  }
0x2dd: {  	v5 =	vshll.u32 v5, $0x10;
	v38 =	vand.u32 $0xFFFF0000, v50;
	v13 =	vshll.u32 v50, $0x10;
	v44 =	vld [tilespmem:s23+$0xFFFFFFB0]  }
0x2de: {  	v27 =	vsel vm4, v13, v38;
	v38 =	vsel vm11, v5, v61;
	v61 =	vld [tilespmem:s23+$0xC0]  }
0x2df: {  	v6 =	vmul.f32 v6, v62;
	v62 =	vld [tilespmem:s23+$0xD0]  }
0x2e0: {  	v0 =	vsel vm15, v0, v49;
	vm15 =	vnez.u8 v54;
	v54 =	vld [tilespmem:s23+$0xFFFFFF20]  }
0x2e1: {  	v55 =	vand.u32 $0xFFFF0000, v17;
	v56 =	vshll.u32 v17, $0x10;
	v29 =	vsel vm14, v46, v45;
	v45 =	vld [tilespmem:s23+$0xFFFFFFC0]  }
0x2e2: {  	v23 =	vsel vm13, v56, v55;
	v58 =	vand.u32 $0xFFFF0000, v18;
	v50 =	vshll.u32 v63, $0x10;
	v46 =	vld [tilespmem:s23+$0xFFFFFFD0]  }
0x2e3: {  	v49 =	vand.u32 $0xFFFF0000, v63;
	v63 =	vand.u32 $0xFFFF0000, v47;
	v17 =	vshll.u32 v47, $0x10;
	v47 =	vld [tilespmem:s23+$0xFFFFFFE0]  }
0x2e4: {  	v59 =	vshll.u32 v18, $0x10;
	v55 =	vand.u32 $0xFFFF0000, v39;
	v56 =	vshll.u32 v39, $0x10;
	v39 =	vld [tilespmem:s23+$0xFFFFFF60]  }
0x2e5: {  	v24 =	vsel vm1, v59, v58;
	v58 =	vand.u32 $0xFFFF0000, v42;
	v59 =	vshll.u32 v42, $0x10;
	v42 =	vld [tilespmem:s23+$0xFFFFFF90]  }
0x2e6: {  	v34 =	vsel vm7, v50, v49;
	v49 =	vld [tilespmem:s23+$0x0]  }
0x2e7: {  	v52 =	vand.u32 $0xFFFF0000, v16;
	v16 =	vshll.u32 v16, $0x10;
	v53 =	vshll.u32 v37, $0x10;
	v50 =	vld [tilespmem:s23+$0x10]  }
0x2e8: {  	v22 =	vsel vm15, v16, v52;
	v52 =	vand.u32 $0xFFFF0000, v37;
	v18 =	vsel vm12, v17, v63;
	v63 =	vld [tilespmem:s23+$0xE0]  }
0x2e9: {  	v35 =	vsel vm8, v53, v52;
	v52 =	vld [tilespmem:s23+$0x30]  }
0x2ea: {  	v53 =	vld [tilespmem:s23+$0x40]  }
0x2eb: {  	v26 =	vsel vm3, v14, v36;
	v36 =	vsel vm9, v56, v55;
	v55 =	vld [tilespmem:s23+$0x60]  }
0x2ec: {  	v56 =	vld [tilespmem:s23+$0x70]  }
0x2ed: {  	v37 =	vsel vm10, v59, v58;
	v58 =	vld [tilespmem:s23+$0x90]  }
0x2ee: {  	v59 =	vld [tilespmem:s23+$0xA0]  }
0x2ef: {  	v5 =	vmul.f32 v15, v48;
	v48 =	vld [tilespmem:s23+$0xFFFFFFF0]  }
0x2f0: {  	v3 =	vmul.f32 v3, v57;
	v57 =	vld [tilespmem:s23+$0x80]  }
0x2f1: {  	v8 =	vmul.f32 v8, v40;
	v40 =	vld [tilespmem:s22+$0xFFFFFF90]  }
0x2f2: {  	v9 =	vmul.f32 v9, v41;
	v41 =	vld [tilespmem:s22+$0xFFFFFFA0]  }
0x2f3: {  	v1 =	vmul.f32 v1, v51;
	v51 =	vld [tilespmem:s23+$0x20]  }
0x2f4: {  	v4 =	vmul.f32 v4, v60;
	v60 =	vld [tilespmem:s23+$0xB0]  }
0x2f5: {  	v12 =	vmul.f32 v30, v44;
	v30 =	vmul.f32 v37, v61;
	v37 =	vld [tilespmem:s22+$0xFFFFFF60]  }
0x2f6: {  	v11 =	vmul.f32 v11, v43;
	v43 =	vld [tilespmem:s22+$0xFFFFFFC0]  }
0x2f7: {  	v44 =	vld [tilespmem:s22+$0xFFFFFFD0]  }
0x2f8: {  	v61 =	vld [tilespmem:s22+$0xE0]  }
0x2f9: {  	v2 =	vmul.f32 v2, v54;
	v54 =	vld [tilespmem:s23+$0x50]  }
0x2fa: {  	v14 =	vmul.f32 v32, v46;
	v32 =	vld [tilespmem:s22+$0xFFFFFF00]  }
0x2fb: {  	v13 =	vmul.f32 v31, v45;
	v31 =	vld [tilespmem:s22+$0xFFFFFF50]  }
0x2fc: {  	v45 =	vld [tilespmem:s22+$0xFFFFFFE0]  }
0x2fd: {  	v46 =	vld [tilespmem:s22+$0xFFFFFFF0]  }
0x2fe: {  	v15 =	vmul.f32 v20, v47;
	v47 =	vld [tilespmem:s22+$0x0]  }
0x2ff: {  	v7 =	vmul.f32 v7, v39;
	v39 =	vld [tilespmem:s22+$0xFFFFFF80]  }
0x300: {  	v10 =	vmul.f32 v10, v42;
	v42 =	vld [tilespmem:s22+$0xFFFFFFB0]  }
0x301: {  	v17 =	vmul.f32 v22, v49;
	v49 =	vld [tilespmem:s22+$0x20]  }
0x302: {  	v21 =	vmul.f32 v23, v50;
	v50 =	vld [tilespmem:s22+$0x30]  }
0x303: {  	v20 =	vmul.f32 v25, v52;
	v52 =	vld [tilespmem:s22+$0x50]  }
0x304: {  	v22 =	vmul.f32 v28, v55;
	v55 =	vld [tilespmem:s22+$0x80];
	v16 =	vmul.f32 v0, v48  }
0x305: {  	v0 =	vmul.f32 v26, v53;
	v26 =	vmul.f32 v34, v58;
	v34 =	vld [tilespmem:s22+$0xFFFFFF20]  }
0x306: {  	v25 =	vmul.f32 v29, v57;
	v29 =	vmul.f32 v38, v62;
	v38 =	vld [tilespmem:s22+$0xFFFFFF70]  }
0x307: {  	v48 =	vld [tilespmem:s22+$0x10]  }
0x308: {  	v53 =	vld [tilespmem:s22+$0x60]  }
0x309: {  	v57 =	vld [tilespmem:s22+$0xA0]  }
0x30a: {  	v58 =	vld [tilespmem:s22+$0xB0]  }
0x30b: {  	v23 =	vmul.f32 v24, v51;
	v24 =	vmul.f32 v33, v56;
	v33 =	vld [tilespmem:s22+$0xFFFFFF10]  }
0x30c: {  	v28 =	vmul.f32 v36, v60;
	v36 =	vld [tilespmem:s22+$0xFFFFFF40]  }
0x30d: {  	v51 =	vld [tilespmem:s22+$0x40]  }
0x30e: {  	v56 =	vld [tilespmem:s22+$0x90]  }
0x30f: {  	v60 =	vld [tilespmem:s22+$0xD0]  }
0x310: {  	v19 =	vmul.f32 v27, v54;
	v27 =	vmul.f32 v35, v59;
	v35 =	vld [tilespmem:s22+$0xFFFFFF30]  }
0x311: {  	v54 =	vld [tilespmem:s22+$0x70]  }
0x312: {  	v59 =	vld [tilespmem:s22+$0xC0]  }
0x313: {  	[tilespmem:v40+s12+$0x0] =	vst.idx.add.f32.msk $0xffff, v10  }
0x314: {  	[tilespmem:v41+s12+$0x0] =	vst.idx.add.f32.msk $0xffff, v11  }
0x315: {  	[tilespmem:v37+s12+$0x0] =	vst.idx.add.f32.msk $0xffff, v7  }
0x316: {  	v18 =	vmul.f32 v18, v63;
	[tilespmem:v43+s12+$0x0] =	vst.idx.add.f32.msk $0xffff, v13  }
0x317: {  	[tilespmem:v44+s12+$0x0] =	vst.idx.add.f32.msk $0xffff, v14  }
0x318: {  	[tilespmem:v61+s12+$0x0] =	vst.idx.add.f32.msk $0xffff, v18  }
0x319: {  	[tilespmem:v32+s12+$0x0] =	vst.idx.add.f32.msk $0xffff, v5  }
0x31a: {  	[tilespmem:v31+s12+$0x0] =	vst.idx.add.f32.msk $0xffff, v6  }
0x31b: {  	[tilespmem:v45+s12+$0x0] =	vst.idx.add.f32.msk $0xffff, v15  }
0x31c: {  	[tilespmem:v46+s12+$0x0] =	vst.idx.add.f32.msk $0xffff, v16  }
0x31d: {  	[tilespmem:v47+s12+$0x0] =	vst.idx.add.f32.msk $0xffff, v17  }
0x31e: {  	[tilespmem:v39+s12+$0x0] =	vst.idx.add.f32.msk $0xffff, v9  }
0x31f: {  	[tilespmem:v42+s12+$0x0] =	vst.idx.add.f32.msk $0xffff, v12  }
0x320: {  	[tilespmem:v49+s12+$0x0] =	vst.idx.add.f32.msk $0xffff, v23  }
0x321: {  	[tilespmem:v50+s12+$0x0] =	vst.idx.add.f32.msk $0xffff, v20  }
0x322: {  	[tilespmem:v52+s12+$0x0] =	vst.idx.add.f32.msk $0xffff, v19  }
0x323: {  	[tilespmem:v55+s12+$0x0] =	vst.idx.add.f32.msk $0xffff, v25  }
0x324: {  	[tilespmem:v34+s12+$0x0] =	vst.idx.add.f32.msk $0xffff, v2  }
0x325: {  	[tilespmem:v38+s12+$0x0] =	vst.idx.add.f32.msk $0xffff, v8  }
0x326: {  	[tilespmem:v48+s12+$0x0] =	vst.idx.add.f32.msk $0xffff, v21  }
0x327: {  	[tilespmem:v53+s12+$0x0] =	vst.idx.add.f32.msk $0xffff, v22  }
0x328: {  	[tilespmem:v57+s12+$0x0] =	vst.idx.add.f32.msk $0xffff, v27  }
0x329: {  	[tilespmem:v58+s12+$0x0] =	vst.idx.add.f32.msk $0xffff, v28  }
0x32a: {  	[tilespmem:v33+s12+$0x0] =	vst.idx.add.f32.msk $0xffff, v1  }
0x32b: {  	s24 =	sadd.s32 $0x20, s24;
	[tilespmem:v36+s12+$0x0] =	vst.idx.add.f32.msk $0xffff, v4  }
0x32c: {  	p1 =	slt.u32 s24, $0xE0;
	[tilespmem:v51+s12+$0x0] =	vst.idx.add.f32.msk $0xffff, v0  }
.Ltmp2:
0x32d: {  	[tilespmem:v56+s12+$0x0] =	vst.idx.add.f32.msk $0xffff, v26;
	(pc) =	sbr.rel @p1 .LBB2_7-.Ltmp2, $4  }
0x32e: {  	[tilespmem:v60+s12+$0x0] =	vst.idx.add.f32.msk $0xffff, v29  }
0x32f: {  	[tilespmem:v35+s12+$0x0] =	vst.idx.add.f32.msk $0xffff, v3  }
0x330: {  	[tilespmem:v54+s12+$0x0] =	vst.idx.add.f32.msk $0xffff, v24  }
0x331: {  	s25 =	sadd.s32 $0x200, s25;
	[tilespmem:v59+s12+$0x0] =	vst.idx.add.f32.msk $0xffff, v30  }
.Ltmp3:
0x332: {  	(pc) =	sbr.rel @p0 .LBB2_10-.Ltmp3, $1  }
0x333: {  	_ =	sdelay $0x3  }
0x334: {  	s20 =	sadd.s32 s20, s31  }
0x335: {  	s20 =	sshrl.u32 s20, $0x3  }
0x336: {  	s22 =	sadd.s32 s0, s20  }
0x337: {  	[tilespmem:s7], [sflag:$0x2] =	stream.linear.gather [hbm4b:s22+s5], $0x1000, $0x38;
	[tilespmem:$0x1E000] =	vst v63  }
.Ltmp4:
0x338: {  	_ = 	snop;
	(pc) =	sbr.rel .LBB2_4-.Ltmp4, $4  }
0x339: {  	s25 =	sadd.s32 s2, s20  }
0x33a: {  	[tilespmem:s8], [sflag:$0x2] =	stream.linear.gather [hbm4b:s25+s5], $0x1000, $0x38;
	[tilespmem:$0x1E000] =	vst v63  }
0x33b: {  	s19 =	sadd.s32 $0x1, s19;
	s20 =	sadd.s32 s4, s20  }
0x33c: {  	[tilespmem:s9], [sflag:$0x2] =	stream.linear.gather [hbm4b:s20+s5], $0x1000, $0x38;
	[tilespmem:$0x1E000] =	vst v63  }
.LBB2_10:
0x33d: {  	s19 =	rddreg [dreg:$0x6]  }
0x33e: {  	[hbm4b:s19+s14] =	stream.strided.scatter [tilespmem:s12], [sflag:$0x4], $0x10000, s15, s14, $0x38;
	[tilespmem:$0x1E000] =	vst v63  }
0x33f: {  	_ =	swait.ge [sflag:s16], $0x10000  }
0x340: {  	[sflag:s16] =	ssyncset.done $0x0  }
0x341: {  	[sflag:s16] =	ssyncadd.s32 $0xFFFF0000  }
0x342: {  	[bflag:$0x0] =	sbarrier.arrive $0xFFFF  }
0x343: {  	s24 =	rddreg [dreg:$0x7]  }
0x344: {  	[tilespmem:s6], [sflag:$0x1] =	stream.strided.gather [hbm4b:s24+s14], $0x1000, s15, s14, $0x38;
	[tilespmem:$0x1E000] =	vst v63  }
0x345: {  	s25 =	rddreg [dreg:$0x8]  }
0x346: {  	[tilespmem:s9], [sflag:$0x2] =	stream.strided.gather [hbm4b:s25+s14], $0x1000, s15, s14, $0x38;
	[tilespmem:$0x1E000] =	vst v63  }
0x347: {  	_ =	swait.ge [sflag:s11], $0x1000  }
0x348: {  	[sflag:s11] =	ssyncset.done $0x0  }
0x349: {  	[sflag:s11] =	ssyncadd.s32 $0xFFFFF000  }
0x34a: {  	s19 =	simm.s32 $0x1A040;
	v0 =	vld [tilespmem:s3+$0x30]  }
0x34b: {  	v2 =	vld [tilespmem:s19+$0x30]  }
0x34c: {  	v1 =	vld [tilespmem:s19+$0xFFFFFFC0]  }
0x34d: {  	v3 =	vld [tilespmem:s3+$0xFFFFFFD0]  }
0x34e: {  	v4 =	vld [tilespmem:s19+$0xFFFFFFD0]  }
0x34f: {  	v5 =	vld [tilespmem:s3+$0xFFFFFFE0]  }
0x350: {  	v7 =	vld [tilespmem:s3+$0xFFFFFFF0]  }
0x351: {  	v8 =	vld [tilespmem:s19+$0xFFFFFFF0]  }
0x352: {  	v6 =	vld [tilespmem:s19+$0xFFFFFFE0]  }
0x353: {  	v9 =	vld [tilespmem:s3+$0x0]  }
0x354: {  	v10 =	vld [tilespmem:s19+$0x0];
	v0 =	vadd.f32 v2, v0  }
0x355: {  	v3 =	vadd.f32 v4, v3;
	v2 =	vld [tilespmem:s3+$0x10]  }
0x356: {  	v4 =	vld [tilespmem:s19+$0x10];
	v7 =	vadd.f32 v8, v7;
	[tilespmem:s3+$0x30] =	vst v0  }
0x357: {  	v0 =	vadd.f32 v6, v5;
	[tilespmem:s3+$0xFFFFFFD0] =	vst v3;
	v3 =	vld [tilespmem:s3+$0x20]  }
0x358: {  	v6 =	vld [tilespmem:s19+$0x20];
	[tilespmem:s3+$0xFFFFFFF0] =	vst v7  }
0x359: {  	s22 =	simm.s32 $0x0;
	s23 =	sadd.s32 $0x80, s3;
	s20 =	smov.u32 s3;
	v5 =	vld [tilespmem:s3+$0xFFFFFFC0];
	v7 =	vadd.f32 v10, v9;
	[tilespmem:s3+$0xFFFFFFE0] =	vst v0  }
.LBB2_11:
0x35a: {  	v0 =	vld [tilespmem:s23+$0x30];
	s19 =	sadd.s32 $0x80, s19  }
0x35b: {  	s22 =	sadd.s32 $0x8, s22;
	v8 =	vld [tilespmem:s19+$0x30];
	[tilespmem:s20+$0x0] =	vst v7;
	v2 =	vadd.f32 v4, v2  }
0x35c: {  	p0 =	slt.u32 s22, $0xF8;
	v4 =	vld [tilespmem:s19+$0xFFFFFFC0]  }
0x35d: {  	v7 =	vld [tilespmem:s23+$0xFFFFFFD0];
	[tilespmem:s20+$0x10] =	vst v2;
	v2 =	vadd.f32 v6, v3  }
0x35e: {  	v3 =	vld [tilespmem:s19+$0xFFFFFFD0];
	v9 =	vadd.f32 v1, v5  }
0x35f: {  	v5 =	vld [tilespmem:s23+$0xFFFFFFE0];
	[tilespmem:s20+$0x20] =	vst v2  }
0x360: {  	v2 =	vld [tilespmem:s19+$0xFFFFFFE0];
	v0 =	vadd.f32 v8, v0;
	[tilespmem:s20+$0xFFFFFFC0] =	vst v9;
	s20 =	smov.u32 s23  }
0x361: {  	v6 =	vld [tilespmem:s23+$0xFFFFFFF0];
	v1 =	vmov v4  }
0x362: {  	v8 =	vld [tilespmem:s19+$0xFFFFFFF0];
	[tilespmem:s23+$0x30] =	vst v0  }
0x363: {  	v0 =	vadd.f32 v3, v7;
	v7 =	vld [tilespmem:s23+$0x0]  }
0x364: {  	v9 =	vld [tilespmem:s19+$0x0]  }
.Ltmp5:
0x365: {  	[tilespmem:s23+$0xFFFFFFD0] =	vst v0;
	v0 =	vadd.f32 v2, v5;
	v2 =	vld [tilespmem:s23+$0x10];
	(pc) =	sbr.rel @p0 .LBB2_11-.Ltmp5, $4  }
0x366: {  	v4 =	vld [tilespmem:s19+$0x10]  }
0x367: {  	[tilespmem:s23+$0xFFFFFFE0] =	vst v0;
	v0 =	vadd.f32 v8, v6;
	v3 =	vld [tilespmem:s23+$0x20]  }
0x368: {  	v6 =	vld [tilespmem:s19+$0x20]  }
0x369: {  	s23 =	sadd.s32 $0x80, s23;
	v5 =	vld [tilespmem:s20+$0xFFFFFFC0];
	[tilespmem:s20+$0xFFFFFFF0] =	vst v0;
	v7 =	vadd.f32 v9, v7  }
0x36a: {  	_ =	sdelay $0x1  }
0x36b: {  	v0 =	vadd.f32 v4, v2  }
0x36c: {  	[tilespmem:s20+$0x0] =	vst v7;
	v2 =	vadd.f32 v6, v3  }
0x36d: {  	[tilespmem:s20+$0x10] =	vst v0;
	v0 =	vadd.f32 v1, v5  }
0x36e: {  	[tilespmem:s20+$0x20] =	vst v2  }
0x36f: {  	[tilespmem:s20+$0xFFFFFFC0] =	vst v0  }
0x370: {  	s19 =	rddreg [dreg:$0x9]  }
0x371: {  	[tilespmem:s6], [sflag:$0x1] =	stream.strided.gather [hbm4b:s19+s14], $0x1000, s15, s14, $0x38;
	[tilespmem:$0x1E000] =	vst v63  }
0x372: {  	_ =	swait.ge [sflag:s13], $0x1000  }
0x373: {  	[sflag:s13] =	ssyncset.done $0x0  }
0x374: {  	[sflag:s13] =	ssyncadd.s32 $0xFFFFF000  }
0x375: {  	s19 =	simm.s32 $0x1D040;
	v0 =	vld [tilespmem:s3+$0x30]  }
0x376: {  	v2 =	vld [tilespmem:s19+$0x30]  }
0x377: {  	v1 =	vld [tilespmem:s19+$0xFFFFFFC0]  }
0x378: {  	v3 =	vld [tilespmem:s3+$0xFFFFFFD0]  }
0x379: {  	v4 =	vld [tilespmem:s19+$0xFFFFFFD0]  }
0x37a: {  	v5 =	vld [tilespmem:s3+$0xFFFFFFE0]  }
0x37b: {  	v7 =	vld [tilespmem:s3+$0xFFFFFFF0]  }
0x37c: {  	v8 =	vld [tilespmem:s19+$0xFFFFFFF0]  }
0x37d: {  	v6 =	vld [tilespmem:s19+$0xFFFFFFE0]  }
0x37e: {  	v9 =	vld [tilespmem:s3+$0x0]  }
0x37f: {  	v10 =	vld [tilespmem:s19+$0x0];
	v0 =	vadd.f32 v2, v0  }
0x380: {  	v3 =	vadd.f32 v4, v3;
	v2 =	vld [tilespmem:s3+$0x10]  }
0x381: {  	v4 =	vld [tilespmem:s19+$0x10];
	v7 =	vadd.f32 v8, v7;
	[tilespmem:s3+$0x30] =	vst v0  }
0x382: {  	v0 =	vadd.f32 v6, v5;
	[tilespmem:s3+$0xFFFFFFD0] =	vst v3;
	v3 =	vld [tilespmem:s3+$0x20]  }
0x383: {  	v6 =	vld [tilespmem:s19+$0x20];
	[tilespmem:s3+$0xFFFFFFF0] =	vst v7  }
0x384: {  	s22 =	simm.s32 $0x0;
	s23 =	sadd.s32 $0x80, s3;
	s20 =	smov.u32 s3;
	v5 =	vld [tilespmem:s3+$0xFFFFFFC0];
	v7 =	vadd.f32 v10, v9;
	[tilespmem:s3+$0xFFFFFFE0] =	vst v0  }
.LBB2_13:
0x385: {  	v0 =	vld [tilespmem:s23+$0x30];
	s19 =	sadd.s32 $0x80, s19  }
0x386: {  	s22 =	sadd.s32 $0x8, s22;
	v8 =	vld [tilespmem:s19+$0x30];
	[tilespmem:s20+$0x0] =	vst v7;
	v2 =	vadd.f32 v4, v2  }
0x387: {  	p0 =	slt.u32 s22, $0xF8;
	v4 =	vld [tilespmem:s19+$0xFFFFFFC0]  }
0x388: {  	v7 =	vld [tilespmem:s23+$0xFFFFFFD0];
	[tilespmem:s20+$0x10] =	vst v2;
	v2 =	vadd.f32 v6, v3  }
0x389: {  	v3 =	vld [tilespmem:s19+$0xFFFFFFD0];
	v9 =	vadd.f32 v1, v5  }
0x38a: {  	v5 =	vld [tilespmem:s23+$0xFFFFFFE0];
	[tilespmem:s20+$0x20] =	vst v2  }
0x38b: {  	v2 =	vld [tilespmem:s19+$0xFFFFFFE0];
	v0 =	vadd.f32 v8, v0;
	[tilespmem:s20+$0xFFFFFFC0] =	vst v9;
	s20 =	smov.u32 s23  }
0x38c: {  	v6 =	vld [tilespmem:s23+$0xFFFFFFF0];
	v1 =	vmov v4  }
0x38d: {  	v8 =	vld [tilespmem:s19+$0xFFFFFFF0];
	[tilespmem:s23+$0x30] =	vst v0  }
0x38e: {  	v0 =	vadd.f32 v3, v7;
	v7 =	vld [tilespmem:s23+$0x0]  }
0x38f: {  	v9 =	vld [tilespmem:s19+$0x0]  }
.Ltmp6:
0x390: {  	[tilespmem:s23+$0xFFFFFFD0] =	vst v0;
	v0 =	vadd.f32 v2, v5;
	v2 =	vld [tilespmem:s23+$0x10];
	(pc) =	sbr.rel @p0 .LBB2_13-.Ltmp6, $4  }
0x391: {  	v4 =	vld [tilespmem:s19+$0x10]  }
0x392: {  	[tilespmem:s23+$0xFFFFFFE0] =	vst v0;
	v0 =	vadd.f32 v8, v6;
	v3 =	vld [tilespmem:s23+$0x20]  }
0x393: {  	v6 =	vld [tilespmem:s19+$0x20]  }
0x394: {  	s23 =	sadd.s32 $0x80, s23;
	v5 =	vld [tilespmem:s20+$0xFFFFFFC0];
	[tilespmem:s20+$0xFFFFFFF0] =	vst v0;
	v7 =	vadd.f32 v9, v7  }
0x395: {  	_ =	sdelay $0x1  }
0x396: {  	v0 =	vadd.f32 v4, v2  }
0x397: {  	[tilespmem:s20+$0x0] =	vst v7;
	v2 =	vadd.f32 v6, v3  }
0x398: {  	[tilespmem:s20+$0x10] =	vst v0;
	v0 =	vadd.f32 v1, v5  }
0x399: {  	[tilespmem:s20+$0x20] =	vst v2  }
0x39a: {  	[tilespmem:s20+$0xFFFFFFC0] =	vst v0  }
0x39b: {  	s19 =	rddreg [dreg:$0xa]  }
0x39c: {  	[tilespmem:s9], [sflag:$0x2] =	stream.strided.gather [hbm4b:s19+s14], $0x1000, s15, s14, $0x38;
	[tilespmem:$0x1E000] =	vst v63  }
0x39d: {  	_ =	swait.ge [sflag:s11], $0x1000  }
0x39e: {  	[sflag:s11] =	ssyncset.done $0x0  }
0x39f: {  	[sflag:s11] =	ssyncadd.s32 $0xFFFFF000  }
0x3a0: {  	s19 =	simm.s32 $0x1A040;
	v0 =	vld [tilespmem:s3+$0x30]  }
0x3a1: {  	v2 =	vld [tilespmem:s19+$0x30]  }
0x3a2: {  	v1 =	vld [tilespmem:s19+$0xFFFFFFC0]  }
0x3a3: {  	v3 =	vld [tilespmem:s3+$0xFFFFFFD0]  }
0x3a4: {  	v4 =	vld [tilespmem:s19+$0xFFFFFFD0]  }
0x3a5: {  	v5 =	vld [tilespmem:s3+$0xFFFFFFE0]  }
0x3a6: {  	v7 =	vld [tilespmem:s3+$0xFFFFFFF0]  }
0x3a7: {  	v8 =	vld [tilespmem:s19+$0xFFFFFFF0]  }
0x3a8: {  	v6 =	vld [tilespmem:s19+$0xFFFFFFE0]  }
0x3a9: {  	v9 =	vld [tilespmem:s3+$0x0]  }
0x3aa: {  	v10 =	vld [tilespmem:s19+$0x0];
	v0 =	vadd.f32 v2, v0  }
0x3ab: {  	v3 =	vadd.f32 v4, v3;
	v2 =	vld [tilespmem:s3+$0x10]  }
0x3ac: {  	v4 =	vld [tilespmem:s19+$0x10];
	v7 =	vadd.f32 v8, v7;
	[tilespmem:s3+$0x30] =	vst v0  }
0x3ad: {  	v0 =	vadd.f32 v6, v5;
	[tilespmem:s3+$0xFFFFFFD0] =	vst v3;
	v3 =	vld [tilespmem:s3+$0x20]  }
0x3ae: {  	v6 =	vld [tilespmem:s19+$0x20];
	[tilespmem:s3+$0xFFFFFFF0] =	vst v7  }
0x3af: {  	s22 =	simm.s32 $0x0;
	s23 =	sadd.s32 $0x80, s3;
	s20 =	smov.u32 s3;
	v5 =	vld [tilespmem:s3+$0xFFFFFFC0];
	v7 =	vadd.f32 v10, v9;
	[tilespmem:s3+$0xFFFFFFE0] =	vst v0  }
.LBB2_15:
0x3b0: {  	v0 =	vld [tilespmem:s23+$0x30];
	s19 =	sadd.s32 $0x80, s19  }
0x3b1: {  	s22 =	sadd.s32 $0x8, s22;
	v8 =	vld [tilespmem:s19+$0x30];
	[tilespmem:s20+$0x0] =	vst v7;
	v2 =	vadd.f32 v4, v2  }
0x3b2: {  	p0 =	slt.u32 s22, $0xF8;
	v4 =	vld [tilespmem:s19+$0xFFFFFFC0]  }
0x3b3: {  	v7 =	vld [tilespmem:s23+$0xFFFFFFD0];
	[tilespmem:s20+$0x10] =	vst v2;
	v2 =	vadd.f32 v6, v3  }
0x3b4: {  	v3 =	vld [tilespmem:s19+$0xFFFFFFD0];
	v9 =	vadd.f32 v1, v5  }
0x3b5: {  	v5 =	vld [tilespmem:s23+$0xFFFFFFE0];
	[tilespmem:s20+$0x20] =	vst v2  }
0x3b6: {  	v2 =	vld [tilespmem:s19+$0xFFFFFFE0];
	v0 =	vadd.f32 v8, v0;
	[tilespmem:s20+$0xFFFFFFC0] =	vst v9;
	s20 =	smov.u32 s23  }
0x3b7: {  	v6 =	vld [tilespmem:s23+$0xFFFFFFF0];
	v1 =	vmov v4  }
0x3b8: {  	v8 =	vld [tilespmem:s19+$0xFFFFFFF0];
	[tilespmem:s23+$0x30] =	vst v0  }
0x3b9: {  	v0 =	vadd.f32 v3, v7;
	v7 =	vld [tilespmem:s23+$0x0]  }
0x3ba: {  	v9 =	vld [tilespmem:s19+$0x0]  }
.Ltmp7:
0x3bb: {  	[tilespmem:s23+$0xFFFFFFD0] =	vst v0;
	v0 =	vadd.f32 v2, v5;
	v2 =	vld [tilespmem:s23+$0x10];
	(pc) =	sbr.rel @p0 .LBB2_15-.Ltmp7, $4  }
0x3bc: {  	v4 =	vld [tilespmem:s19+$0x10]  }
0x3bd: {  	[tilespmem:s23+$0xFFFFFFE0] =	vst v0;
	v0 =	vadd.f32 v8, v6;
	v3 =	vld [tilespmem:s23+$0x20]  }
0x3be: {  	v6 =	vld [tilespmem:s19+$0x20]  }
0x3bf: {  	s23 =	sadd.s32 $0x80, s23;
	v5 =	vld [tilespmem:s20+$0xFFFFFFC0];
	[tilespmem:s20+$0xFFFFFFF0] =	vst v0;
	v7 =	vadd.f32 v9, v7  }
0x3c0: {  	_ =	sdelay $0x1  }
0x3c1: {  	v0 =	vadd.f32 v4, v2  }
0x3c2: {  	[tilespmem:s20+$0x0] =	vst v7;
	v2 =	vadd.f32 v6, v3  }
0x3c3: {  	[tilespmem:s20+$0x10] =	vst v0;
	v0 =	vadd.f32 v1, v5  }
0x3c4: {  	[tilespmem:s20+$0x20] =	vst v2  }
0x3c5: {  	[tilespmem:s20+$0xFFFFFFC0] =	vst v0  }
0x3c6: {  	s19 =	rddreg [dreg:$0xb]  }
0x3c7: {  	[tilespmem:s6], [sflag:$0x1] =	stream.strided.gather [hbm4b:s19+s14], $0x1000, s15, s14, $0x38;
	[tilespmem:$0x1E000] =	vst v63  }
0x3c8: {  	_ =	swait.ge [sflag:s13], $0x1000  }
0x3c9: {  	[sflag:s13] =	ssyncset.done $0x0  }
0x3ca: {  	[sflag:s13] =	ssyncadd.s32 $0xFFFFF000  }
0x3cb: {  	s19 =	simm.s32 $0x1D040;
	v0 =	vld [tilespmem:s3+$0x30]  }
0x3cc: {  	v2 =	vld [tilespmem:s19+$0x30]  }
0x3cd: {  	v1 =	vld [tilespmem:s19+$0xFFFFFFC0]  }
0x3ce: {  	v3 =	vld [tilespmem:s3+$0xFFFFFFD0]  }
0x3cf: {  	v4 =	vld [tilespmem:s19+$0xFFFFFFD0]  }
0x3d0: {  	v5 =	vld [tilespmem:s3+$0xFFFFFFE0]  }
0x3d1: {  	v7 =	vld [tilespmem:s3+$0xFFFFFFF0]  }
0x3d2: {  	v8 =	vld [tilespmem:s19+$0xFFFFFFF0]  }
0x3d3: {  	v6 =	vld [tilespmem:s19+$0xFFFFFFE0]  }
0x3d4: {  	v9 =	vld [tilespmem:s3+$0x0]  }
0x3d5: {  	v10 =	vld [tilespmem:s19+$0x0];
	v0 =	vadd.f32 v2, v0  }
0x3d6: {  	v3 =	vadd.f32 v4, v3;
	v2 =	vld [tilespmem:s3+$0x10]  }
0x3d7: {  	v4 =	vld [tilespmem:s19+$0x10];
	v7 =	vadd.f32 v8, v7;
	[tilespmem:s3+$0x30] =	vst v0  }
0x3d8: {  	v0 =	vadd.f32 v6, v5;
	[tilespmem:s3+$0xFFFFFFD0] =	vst v3;
	v3 =	vld [tilespmem:s3+$0x20]  }
0x3d9: {  	v6 =	vld [tilespmem:s19+$0x20];
	[tilespmem:s3+$0xFFFFFFF0] =	vst v7  }
0x3da: {  	s22 =	simm.s32 $0x0;
	s23 =	sadd.s32 $0x80, s3;
	s20 =	smov.u32 s3;
	v5 =	vld [tilespmem:s3+$0xFFFFFFC0];
	v7 =	vadd.f32 v10, v9;
	[tilespmem:s3+$0xFFFFFFE0] =	vst v0  }
.LBB2_17:
0x3db: {  	v0 =	vld [tilespmem:s23+$0x30];
	s19 =	sadd.s32 $0x80, s19  }
0x3dc: {  	s22 =	sadd.s32 $0x8, s22;
	v8 =	vld [tilespmem:s19+$0x30];
	[tilespmem:s20+$0x0] =	vst v7;
	v2 =	vadd.f32 v4, v2  }
0x3dd: {  	p0 =	slt.u32 s22, $0xF8;
	v4 =	vld [tilespmem:s19+$0xFFFFFFC0]  }
0x3de: {  	v7 =	vld [tilespmem:s23+$0xFFFFFFD0];
	[tilespmem:s20+$0x10] =	vst v2;
	v2 =	vadd.f32 v6, v3  }
0x3df: {  	v3 =	vld [tilespmem:s19+$0xFFFFFFD0];
	v9 =	vadd.f32 v1, v5  }
0x3e0: {  	v5 =	vld [tilespmem:s23+$0xFFFFFFE0];
	[tilespmem:s20+$0x20] =	vst v2  }
0x3e1: {  	v2 =	vld [tilespmem:s19+$0xFFFFFFE0];
	v0 =	vadd.f32 v8, v0;
	[tilespmem:s20+$0xFFFFFFC0] =	vst v9;
	s20 =	smov.u32 s23  }
0x3e2: {  	v6 =	vld [tilespmem:s23+$0xFFFFFFF0];
	v1 =	vmov v4  }
0x3e3: {  	v8 =	vld [tilespmem:s19+$0xFFFFFFF0];
	[tilespmem:s23+$0x30] =	vst v0  }
0x3e4: {  	v0 =	vadd.f32 v3, v7;
	v7 =	vld [tilespmem:s23+$0x0]  }
0x3e5: {  	v9 =	vld [tilespmem:s19+$0x0]  }
.Ltmp8:
0x3e6: {  	[tilespmem:s23+$0xFFFFFFD0] =	vst v0;
	v0 =	vadd.f32 v2, v5;
	v2 =	vld [tilespmem:s23+$0x10];
	(pc) =	sbr.rel @p0 .LBB2_17-.Ltmp8, $4  }
0x3e7: {  	v4 =	vld [tilespmem:s19+$0x10]  }
0x3e8: {  	[tilespmem:s23+$0xFFFFFFE0] =	vst v0;
	v0 =	vadd.f32 v8, v6;
	v3 =	vld [tilespmem:s23+$0x20]  }
0x3e9: {  	v6 =	vld [tilespmem:s19+$0x20]  }
0x3ea: {  	s23 =	sadd.s32 $0x80, s23;
	v5 =	vld [tilespmem:s20+$0xFFFFFFC0];
	[tilespmem:s20+$0xFFFFFFF0] =	vst v0;
	v7 =	vadd.f32 v9, v7  }
0x3eb: {  	_ =	sdelay $0x1  }
0x3ec: {  	v0 =	vadd.f32 v4, v2  }
0x3ed: {  	[tilespmem:s20+$0x0] =	vst v7;
	v2 =	vadd.f32 v6, v3  }
0x3ee: {  	[tilespmem:s20+$0x10] =	vst v0;
	v0 =	vadd.f32 v1, v5  }
0x3ef: {  	[tilespmem:s20+$0x20] =	vst v2  }
0x3f0: {  	[tilespmem:s20+$0xFFFFFFC0] =	vst v0  }
0x3f1: {  	s19 =	rddreg [dreg:$0xc]  }
0x3f2: {  	[tilespmem:s9], [sflag:$0x2] =	stream.strided.gather [hbm4b:s19+s14], $0x1000, s15, s14, $0x38;
	[tilespmem:$0x1E000] =	vst v63  }
0x3f3: {  	_ =	swait.ge [sflag:s11], $0x1000  }
0x3f4: {  	[sflag:s11] =	ssyncset.done $0x0  }
0x3f5: {  	[sflag:s11] =	ssyncadd.s32 $0xFFFFF000  }
0x3f6: {  	s19 =	simm.s32 $0x1A040;
	v0 =	vld [tilespmem:s3+$0x30]  }
0x3f7: {  	v2 =	vld [tilespmem:s19+$0x30]  }
0x3f8: {  	v1 =	vld [tilespmem:s19+$0xFFFFFFC0]  }
0x3f9: {  	v3 =	vld [tilespmem:s3+$0xFFFFFFD0]  }
0x3fa: {  	v4 =	vld [tilespmem:s19+$0xFFFFFFD0]  }
0x3fb: {  	v5 =	vld [tilespmem:s3+$0xFFFFFFE0]  }
0x3fc: {  	v7 =	vld [tilespmem:s3+$0xFFFFFFF0]  }
0x3fd: {  	v8 =	vld [tilespmem:s19+$0xFFFFFFF0]  }
0x3fe: {  	v6 =	vld [tilespmem:s19+$0xFFFFFFE0]  }
0x3ff: {  	v9 =	vld [tilespmem:s3+$0x0]  }
0x400: {  	v10 =	vld [tilespmem:s19+$0x0];
	v0 =	vadd.f32 v2, v0  }
0x401: {  	v3 =	vadd.f32 v4, v3;
	v2 =	vld [tilespmem:s3+$0x10]  }
0x402: {  	v4 =	vld [tilespmem:s19+$0x10];
	v7 =	vadd.f32 v8, v7;
	[tilespmem:s3+$0x30] =	vst v0  }
0x403: {  	v0 =	vadd.f32 v6, v5;
	[tilespmem:s3+$0xFFFFFFD0] =	vst v3;
	v3 =	vld [tilespmem:s3+$0x20]  }
0x404: {  	v6 =	vld [tilespmem:s19+$0x20];
	[tilespmem:s3+$0xFFFFFFF0] =	vst v7  }
0x405: {  	s22 =	simm.s32 $0x0;
	s23 =	sadd.s32 $0x80, s3;
	s20 =	smov.u32 s3;
	v5 =	vld [tilespmem:s3+$0xFFFFFFC0];
	v7 =	vadd.f32 v10, v9;
	[tilespmem:s3+$0xFFFFFFE0] =	vst v0  }
.LBB2_19:
0x406: {  	v0 =	vld [tilespmem:s23+$0x30];
	s19 =	sadd.s32 $0x80, s19  }
0x407: {  	s22 =	sadd.s32 $0x8, s22;
	v8 =	vld [tilespmem:s19+$0x30];
	[tilespmem:s20+$0x0] =	vst v7;
	v2 =	vadd.f32 v4, v2  }
0x408: {  	p0 =	slt.u32 s22, $0xF8;
	v4 =	vld [tilespmem:s19+$0xFFFFFFC0]  }
0x409: {  	v7 =	vld [tilespmem:s23+$0xFFFFFFD0];
	[tilespmem:s20+$0x10] =	vst v2;
	v2 =	vadd.f32 v6, v3  }
0x40a: {  	v3 =	vld [tilespmem:s19+$0xFFFFFFD0];
	v9 =	vadd.f32 v1, v5  }
0x40b: {  	v5 =	vld [tilespmem:s23+$0xFFFFFFE0];
	[tilespmem:s20+$0x20] =	vst v2  }
0x40c: {  	v2 =	vld [tilespmem:s19+$0xFFFFFFE0];
	v0 =	vadd.f32 v8, v0;
	[tilespmem:s20+$0xFFFFFFC0] =	vst v9;
	s20 =	smov.u32 s23  }
0x40d: {  	v6 =	vld [tilespmem:s23+$0xFFFFFFF0];
	v1 =	vmov v4  }
0x40e: {  	v8 =	vld [tilespmem:s19+$0xFFFFFFF0];
	[tilespmem:s23+$0x30] =	vst v0  }
0x40f: {  	v0 =	vadd.f32 v3, v7;
	v7 =	vld [tilespmem:s23+$0x0]  }
0x410: {  	v9 =	vld [tilespmem:s19+$0x0]  }
.Ltmp9:
0x411: {  	[tilespmem:s23+$0xFFFFFFD0] =	vst v0;
	v0 =	vadd.f32 v2, v5;
	v2 =	vld [tilespmem:s23+$0x10];
	(pc) =	sbr.rel @p0 .LBB2_19-.Ltmp9, $4  }
0x412: {  	v4 =	vld [tilespmem:s19+$0x10]  }
0x413: {  	[tilespmem:s23+$0xFFFFFFE0] =	vst v0;
	v0 =	vadd.f32 v8, v6;
	v3 =	vld [tilespmem:s23+$0x20]  }
0x414: {  	v6 =	vld [tilespmem:s19+$0x20]  }
0x415: {  	s23 =	sadd.s32 $0x80, s23;
	v5 =	vld [tilespmem:s20+$0xFFFFFFC0];
	[tilespmem:s20+$0xFFFFFFF0] =	vst v0;
	v7 =	vadd.f32 v9, v7  }
0x416: {  	_ =	sdelay $0x1  }
0x417: {  	v0 =	vadd.f32 v4, v2  }
0x418: {  	[tilespmem:s20+$0x0] =	vst v7;
	v2 =	vadd.f32 v6, v3  }
0x419: {  	[tilespmem:s20+$0x10] =	vst v0;
	v0 =	vadd.f32 v1, v5  }
0x41a: {  	[tilespmem:s20+$0x20] =	vst v2  }
0x41b: {  	[tilespmem:s20+$0xFFFFFFC0] =	vst v0  }
0x41c: {  	s19 =	rddreg [dreg:$0xd]  }
0x41d: {  	[tilespmem:s6], [sflag:$0x1] =	stream.strided.gather [hbm4b:s19+s14], $0x1000, s15, s14, $0x38;
	[tilespmem:$0x1E000] =	vst v63  }
0x41e: {  	_ =	swait.ge [sflag:s13], $0x1000  }
0x41f: {  	[sflag:s13] =	ssyncset.done $0x0  }
0x420: {  	[sflag:s13] =	ssyncadd.s32 $0xFFFFF000  }
0x421: {  	s19 =	simm.s32 $0x1D040;
	v0 =	vld [tilespmem:s3+$0x30]  }
0x422: {  	v2 =	vld [tilespmem:s19+$0x30]  }
0x423: {  	v1 =	vld [tilespmem:s19+$0xFFFFFFC0]  }
0x424: {  	v3 =	vld [tilespmem:s3+$0xFFFFFFD0]  }
0x425: {  	v4 =	vld [tilespmem:s19+$0xFFFFFFD0]  }
0x426: {  	v5 =	vld [tilespmem:s3+$0xFFFFFFE0]  }
0x427: {  	v7 =	vld [tilespmem:s3+$0xFFFFFFF0]  }
0x428: {  	v8 =	vld [tilespmem:s19+$0xFFFFFFF0]  }
0x429: {  	v6 =	vld [tilespmem:s19+$0xFFFFFFE0]  }
0x42a: {  	v9 =	vld [tilespmem:s3+$0x0]  }
0x42b: {  	v10 =	vld [tilespmem:s19+$0x0];
	v0 =	vadd.f32 v2, v0  }
0x42c: {  	v3 =	vadd.f32 v4, v3;
	v2 =	vld [tilespmem:s3+$0x10]  }
0x42d: {  	v4 =	vld [tilespmem:s19+$0x10];
	v7 =	vadd.f32 v8, v7;
	[tilespmem:s3+$0x30] =	vst v0  }
0x42e: {  	v0 =	vadd.f32 v6, v5;
	[tilespmem:s3+$0xFFFFFFD0] =	vst v3;
	v3 =	vld [tilespmem:s3+$0x20]  }
0x42f: {  	v6 =	vld [tilespmem:s19+$0x20];
	[tilespmem:s3+$0xFFFFFFF0] =	vst v7  }
0x430: {  	s22 =	simm.s32 $0x0;
	s23 =	sadd.s32 $0x80, s3;
	s20 =	smov.u32 s3;
	v5 =	vld [tilespmem:s3+$0xFFFFFFC0];
	v7 =	vadd.f32 v10, v9;
	[tilespmem:s3+$0xFFFFFFE0] =	vst v0  }
.LBB2_21:
0x431: {  	v0 =	vld [tilespmem:s23+$0x30];
	s19 =	sadd.s32 $0x80, s19  }
0x432: {  	s22 =	sadd.s32 $0x8, s22;
	v8 =	vld [tilespmem:s19+$0x30];
	[tilespmem:s20+$0x0] =	vst v7;
	v2 =	vadd.f32 v4, v2  }
0x433: {  	p0 =	slt.u32 s22, $0xF8;
	v4 =	vld [tilespmem:s19+$0xFFFFFFC0]  }
0x434: {  	v7 =	vld [tilespmem:s23+$0xFFFFFFD0];
	[tilespmem:s20+$0x10] =	vst v2;
	v2 =	vadd.f32 v6, v3  }
0x435: {  	v3 =	vld [tilespmem:s19+$0xFFFFFFD0];
	v9 =	vadd.f32 v1, v5  }
0x436: {  	v5 =	vld [tilespmem:s23+$0xFFFFFFE0];
	[tilespmem:s20+$0x20] =	vst v2  }
0x437: {  	v2 =	vld [tilespmem:s19+$0xFFFFFFE0];
	v0 =	vadd.f32 v8, v0;
	[tilespmem:s20+$0xFFFFFFC0] =	vst v9;
	s20 =	smov.u32 s23  }
0x438: {  	v6 =	vld [tilespmem:s23+$0xFFFFFFF0];
	v1 =	vmov v4  }
0x439: {  	v8 =	vld [tilespmem:s19+$0xFFFFFFF0];
	[tilespmem:s23+$0x30] =	vst v0  }
0x43a: {  	v0 =	vadd.f32 v3, v7;
	v7 =	vld [tilespmem:s23+$0x0]  }
0x43b: {  	v9 =	vld [tilespmem:s19+$0x0]  }
.Ltmp10:
0x43c: {  	[tilespmem:s23+$0xFFFFFFD0] =	vst v0;
	v0 =	vadd.f32 v2, v5;
	v2 =	vld [tilespmem:s23+$0x10];
	(pc) =	sbr.rel @p0 .LBB2_21-.Ltmp10, $4  }
0x43d: {  	v4 =	vld [tilespmem:s19+$0x10]  }
0x43e: {  	[tilespmem:s23+$0xFFFFFFE0] =	vst v0;
	v0 =	vadd.f32 v8, v6;
	v3 =	vld [tilespmem:s23+$0x20]  }
0x43f: {  	v6 =	vld [tilespmem:s19+$0x20]  }
0x440: {  	s23 =	sadd.s32 $0x80, s23;
	v5 =	vld [tilespmem:s20+$0xFFFFFFC0];
	[tilespmem:s20+$0xFFFFFFF0] =	vst v0;
	v7 =	vadd.f32 v9, v7  }
0x441: {  	_ =	sdelay $0x1  }
0x442: {  	v0 =	vadd.f32 v4, v2  }
0x443: {  	[tilespmem:s20+$0x0] =	vst v7;
	v2 =	vadd.f32 v6, v3  }
0x444: {  	[tilespmem:s20+$0x10] =	vst v0;
	v0 =	vadd.f32 v1, v5  }
0x445: {  	[tilespmem:s20+$0x20] =	vst v2  }
0x446: {  	[tilespmem:s20+$0xFFFFFFC0] =	vst v0  }
0x447: {  	s19 =	rddreg [dreg:$0xe]  }
0x448: {  	[tilespmem:s9], [sflag:$0x2] =	stream.strided.gather [hbm4b:s19+s14], $0x1000, s15, s14, $0x38;
	[tilespmem:$0x1E000] =	vst v63  }
0x449: {  	_ =	swait.ge [sflag:s11], $0x1000  }
0x44a: {  	[sflag:s11] =	ssyncset.done $0x0  }
0x44b: {  	[sflag:s11] =	ssyncadd.s32 $0xFFFFF000  }
0x44c: {  	s19 =	simm.s32 $0x1A040;
	v0 =	vld [tilespmem:s3+$0x30]  }
0x44d: {  	v2 =	vld [tilespmem:s19+$0x30]  }
0x44e: {  	v1 =	vld [tilespmem:s19+$0xFFFFFFC0]  }
0x44f: {  	v3 =	vld [tilespmem:s3+$0xFFFFFFD0]  }
0x450: {  	v4 =	vld [tilespmem:s19+$0xFFFFFFD0]  }
0x451: {  	v5 =	vld [tilespmem:s3+$0xFFFFFFE0]  }
0x452: {  	v7 =	vld [tilespmem:s3+$0xFFFFFFF0]  }
0x453: {  	v8 =	vld [tilespmem:s19+$0xFFFFFFF0]  }
0x454: {  	v6 =	vld [tilespmem:s19+$0xFFFFFFE0]  }
0x455: {  	v9 =	vld [tilespmem:s3+$0x0]  }
0x456: {  	v10 =	vld [tilespmem:s19+$0x0];
	v0 =	vadd.f32 v2, v0  }
0x457: {  	v3 =	vadd.f32 v4, v3;
	v2 =	vld [tilespmem:s3+$0x10]  }
0x458: {  	v4 =	vld [tilespmem:s19+$0x10];
	v7 =	vadd.f32 v8, v7;
	[tilespmem:s3+$0x30] =	vst v0  }
0x459: {  	v0 =	vadd.f32 v6, v5;
	[tilespmem:s3+$0xFFFFFFD0] =	vst v3;
	v3 =	vld [tilespmem:s3+$0x20]  }
0x45a: {  	v6 =	vld [tilespmem:s19+$0x20];
	[tilespmem:s3+$0xFFFFFFF0] =	vst v7  }
0x45b: {  	s22 =	simm.s32 $0x0;
	s23 =	sadd.s32 $0x80, s3;
	s20 =	smov.u32 s3;
	v5 =	vld [tilespmem:s3+$0xFFFFFFC0];
	v7 =	vadd.f32 v10, v9;
	[tilespmem:s3+$0xFFFFFFE0] =	vst v0  }
.LBB2_23:
0x45c: {  	v0 =	vld [tilespmem:s23+$0x30];
	s19 =	sadd.s32 $0x80, s19  }
0x45d: {  	s22 =	sadd.s32 $0x8, s22;
	v8 =	vld [tilespmem:s19+$0x30];
	[tilespmem:s20+$0x0] =	vst v7;
	v2 =	vadd.f32 v4, v2  }
0x45e: {  	p0 =	slt.u32 s22, $0xF8;
	v4 =	vld [tilespmem:s19+$0xFFFFFFC0]  }
0x45f: {  	v7 =	vld [tilespmem:s23+$0xFFFFFFD0];
	[tilespmem:s20+$0x10] =	vst v2;
	v2 =	vadd.f32 v6, v3  }
0x460: {  	v3 =	vld [tilespmem:s19+$0xFFFFFFD0];
	v9 =	vadd.f32 v1, v5  }
0x461: {  	v5 =	vld [tilespmem:s23+$0xFFFFFFE0];
	[tilespmem:s20+$0x20] =	vst v2  }
0x462: {  	v2 =	vld [tilespmem:s19+$0xFFFFFFE0];
	v0 =	vadd.f32 v8, v0;
	[tilespmem:s20+$0xFFFFFFC0] =	vst v9;
	s20 =	smov.u32 s23  }
0x463: {  	v6 =	vld [tilespmem:s23+$0xFFFFFFF0];
	v1 =	vmov v4  }
0x464: {  	v8 =	vld [tilespmem:s19+$0xFFFFFFF0];
	[tilespmem:s23+$0x30] =	vst v0  }
0x465: {  	v0 =	vadd.f32 v3, v7;
	v7 =	vld [tilespmem:s23+$0x0]  }
0x466: {  	v9 =	vld [tilespmem:s19+$0x0]  }
.Ltmp11:
0x467: {  	[tilespmem:s23+$0xFFFFFFD0] =	vst v0;
	v0 =	vadd.f32 v2, v5;
	v2 =	vld [tilespmem:s23+$0x10];
	(pc) =	sbr.rel @p0 .LBB2_23-.Ltmp11, $4  }
0x468: {  	v4 =	vld [tilespmem:s19+$0x10]  }
0x469: {  	[tilespmem:s23+$0xFFFFFFE0] =	vst v0;
	v0 =	vadd.f32 v8, v6;
	v3 =	vld [tilespmem:s23+$0x20]  }
0x46a: {  	v6 =	vld [tilespmem:s19+$0x20]  }
0x46b: {  	s23 =	sadd.s32 $0x80, s23;
	v5 =	vld [tilespmem:s20+$0xFFFFFFC0];
	[tilespmem:s20+$0xFFFFFFF0] =	vst v0;
	v7 =	vadd.f32 v9, v7  }
0x46c: {  	_ =	sdelay $0x1  }
0x46d: {  	v0 =	vadd.f32 v4, v2  }
0x46e: {  	[tilespmem:s20+$0x0] =	vst v7;
	v2 =	vadd.f32 v6, v3  }
0x46f: {  	[tilespmem:s20+$0x10] =	vst v0;
	v0 =	vadd.f32 v1, v5  }
0x470: {  	[tilespmem:s20+$0x20] =	vst v2  }
0x471: {  	[tilespmem:s20+$0xFFFFFFC0] =	vst v0  }
0x472: {  	s19 =	rddreg [dreg:$0xf]  }
0x473: {  	[tilespmem:s6], [sflag:$0x1] =	stream.strided.gather [hbm4b:s19+s14], $0x1000, s15, s14, $0x38;
	[tilespmem:$0x1E000] =	vst v63  }
0x474: {  	_ =	swait.ge [sflag:s13], $0x1000  }
0x475: {  	[sflag:s13] =	ssyncset.done $0x0  }
0x476: {  	[sflag:s13] =	ssyncadd.s32 $0xFFFFF000  }
0x477: {  	s19 =	simm.s32 $0x1D040;
	v0 =	vld [tilespmem:s3+$0x30]  }
0x478: {  	v2 =	vld [tilespmem:s19+$0x30]  }
0x479: {  	v1 =	vld [tilespmem:s19+$0xFFFFFFC0]  }
0x47a: {  	v3 =	vld [tilespmem:s3+$0xFFFFFFD0]  }
0x47b: {  	v4 =	vld [tilespmem:s19+$0xFFFFFFD0]  }
0x47c: {  	v5 =	vld [tilespmem:s3+$0xFFFFFFE0]  }
0x47d: {  	v7 =	vld [tilespmem:s3+$0xFFFFFFF0]  }
0x47e: {  	v8 =	vld [tilespmem:s19+$0xFFFFFFF0]  }
0x47f: {  	v6 =	vld [tilespmem:s19+$0xFFFFFFE0]  }
0x480: {  	v9 =	vld [tilespmem:s3+$0x0]  }
0x481: {  	v10 =	vld [tilespmem:s19+$0x0];
	v0 =	vadd.f32 v2, v0  }
0x482: {  	v3 =	vadd.f32 v4, v3;
	v2 =	vld [tilespmem:s3+$0x10]  }
0x483: {  	v4 =	vld [tilespmem:s19+$0x10];
	v7 =	vadd.f32 v8, v7;
	[tilespmem:s3+$0x30] =	vst v0  }
0x484: {  	v0 =	vadd.f32 v6, v5;
	[tilespmem:s3+$0xFFFFFFD0] =	vst v3;
	v3 =	vld [tilespmem:s3+$0x20]  }
0x485: {  	v6 =	vld [tilespmem:s19+$0x20];
	[tilespmem:s3+$0xFFFFFFF0] =	vst v7  }
0x486: {  	s22 =	simm.s32 $0x0;
	s23 =	sadd.s32 $0x80, s3;
	s20 =	smov.u32 s3;
	v5 =	vld [tilespmem:s3+$0xFFFFFFC0];
	v7 =	vadd.f32 v10, v9;
	[tilespmem:s3+$0xFFFFFFE0] =	vst v0  }
.LBB2_25:
0x487: {  	v0 =	vld [tilespmem:s23+$0x30];
	s19 =	sadd.s32 $0x80, s19  }
0x488: {  	s22 =	sadd.s32 $0x8, s22;
	v8 =	vld [tilespmem:s19+$0x30];
	[tilespmem:s20+$0x0] =	vst v7;
	v2 =	vadd.f32 v4, v2  }
0x489: {  	p0 =	slt.u32 s22, $0xF8;
	v4 =	vld [tilespmem:s19+$0xFFFFFFC0]  }
0x48a: {  	v7 =	vld [tilespmem:s23+$0xFFFFFFD0];
	[tilespmem:s20+$0x10] =	vst v2;
	v2 =	vadd.f32 v6, v3  }
0x48b: {  	v3 =	vld [tilespmem:s19+$0xFFFFFFD0];
	v9 =	vadd.f32 v1, v5  }
0x48c: {  	v5 =	vld [tilespmem:s23+$0xFFFFFFE0];
	[tilespmem:s20+$0x20] =	vst v2  }
0x48d: {  	v2 =	vld [tilespmem:s19+$0xFFFFFFE0];
	v0 =	vadd.f32 v8, v0;
	[tilespmem:s20+$0xFFFFFFC0] =	vst v9;
	s20 =	smov.u32 s23  }
0x48e: {  	v6 =	vld [tilespmem:s23+$0xFFFFFFF0];
	v1 =	vmov v4  }
0x48f: {  	v8 =	vld [tilespmem:s19+$0xFFFFFFF0];
	[tilespmem:s23+$0x30] =	vst v0  }
0x490: {  	v0 =	vadd.f32 v3, v7;
	v7 =	vld [tilespmem:s23+$0x0]  }
0x491: {  	v9 =	vld [tilespmem:s19+$0x0]  }
.Ltmp12:
0x492: {  	[tilespmem:s23+$0xFFFFFFD0] =	vst v0;
	v0 =	vadd.f32 v2, v5;
	v2 =	vld [tilespmem:s23+$0x10];
	(pc) =	sbr.rel @p0 .LBB2_25-.Ltmp12, $4  }
0x493: {  	v4 =	vld [tilespmem:s19+$0x10]  }
0x494: {  	[tilespmem:s23+$0xFFFFFFE0] =	vst v0;
	v0 =	vadd.f32 v8, v6;
	v3 =	vld [tilespmem:s23+$0x20]  }
0x495: {  	v6 =	vld [tilespmem:s19+$0x20]  }
0x496: {  	s23 =	sadd.s32 $0x80, s23;
	v5 =	vld [tilespmem:s20+$0xFFFFFFC0];
	[tilespmem:s20+$0xFFFFFFF0] =	vst v0;
	v7 =	vadd.f32 v9, v7  }
0x497: {  	_ =	sdelay $0x1  }
0x498: {  	v0 =	vadd.f32 v4, v2  }
0x499: {  	[tilespmem:s20+$0x0] =	vst v7;
	v2 =	vadd.f32 v6, v3  }
0x49a: {  	[tilespmem:s20+$0x10] =	vst v0;
	v0 =	vadd.f32 v1, v5  }
0x49b: {  	[tilespmem:s20+$0x20] =	vst v2  }
0x49c: {  	[tilespmem:s20+$0xFFFFFFC0] =	vst v0  }
0x49d: {  	s19 =	rddreg [dreg:$0x10]  }
0x49e: {  	[tilespmem:s9], [sflag:$0x2] =	stream.strided.gather [hbm4b:s19+s14], $0x1000, s15, s14, $0x38;
	[tilespmem:$0x1E000] =	vst v63  }
0x49f: {  	_ =	swait.ge [sflag:s11], $0x1000  }
0x4a0: {  	[sflag:s11] =	ssyncset.done $0x0  }
0x4a1: {  	[sflag:s11] =	ssyncadd.s32 $0xFFFFF000  }
0x4a2: {  	s19 =	simm.s32 $0x1A040;
	v0 =	vld [tilespmem:s3+$0x30]  }
0x4a3: {  	v2 =	vld [tilespmem:s19+$0x30]  }
0x4a4: {  	v1 =	vld [tilespmem:s19+$0xFFFFFFC0]  }
0x4a5: {  	v3 =	vld [tilespmem:s3+$0xFFFFFFD0]  }
0x4a6: {  	v4 =	vld [tilespmem:s19+$0xFFFFFFD0]  }
0x4a7: {  	v5 =	vld [tilespmem:s3+$0xFFFFFFE0]  }
0x4a8: {  	v7 =	vld [tilespmem:s3+$0xFFFFFFF0]  }
0x4a9: {  	v8 =	vld [tilespmem:s19+$0xFFFFFFF0]  }
0x4aa: {  	v6 =	vld [tilespmem:s19+$0xFFFFFFE0]  }
0x4ab: {  	v9 =	vld [tilespmem:s3+$0x0]  }
0x4ac: {  	v10 =	vld [tilespmem:s19+$0x0];
	v0 =	vadd.f32 v2, v0  }
0x4ad: {  	v3 =	vadd.f32 v4, v3;
	v2 =	vld [tilespmem:s3+$0x10]  }
0x4ae: {  	v4 =	vld [tilespmem:s19+$0x10];
	v7 =	vadd.f32 v8, v7;
	[tilespmem:s3+$0x30] =	vst v0  }
0x4af: {  	v0 =	vadd.f32 v6, v5;
	[tilespmem:s3+$0xFFFFFFD0] =	vst v3;
	v3 =	vld [tilespmem:s3+$0x20]  }
0x4b0: {  	v6 =	vld [tilespmem:s19+$0x20];
	[tilespmem:s3+$0xFFFFFFF0] =	vst v7  }
0x4b1: {  	s22 =	simm.s32 $0x0;
	s23 =	sadd.s32 $0x80, s3;
	s20 =	smov.u32 s3;
	v5 =	vld [tilespmem:s3+$0xFFFFFFC0];
	v7 =	vadd.f32 v10, v9;
	[tilespmem:s3+$0xFFFFFFE0] =	vst v0  }
.LBB2_27:
0x4b2: {  	v0 =	vld [tilespmem:s23+$0x30];
	s19 =	sadd.s32 $0x80, s19  }
0x4b3: {  	s22 =	sadd.s32 $0x8, s22;
	v8 =	vld [tilespmem:s19+$0x30];
	[tilespmem:s20+$0x0] =	vst v7;
	v2 =	vadd.f32 v4, v2  }
0x4b4: {  	p0 =	slt.u32 s22, $0xF8;
	v4 =	vld [tilespmem:s19+$0xFFFFFFC0]  }
0x4b5: {  	v7 =	vld [tilespmem:s23+$0xFFFFFFD0];
	[tilespmem:s20+$0x10] =	vst v2;
	v2 =	vadd.f32 v6, v3  }
0x4b6: {  	v3 =	vld [tilespmem:s19+$0xFFFFFFD0];
	v9 =	vadd.f32 v1, v5  }
0x4b7: {  	v5 =	vld [tilespmem:s23+$0xFFFFFFE0];
	[tilespmem:s20+$0x20] =	vst v2  }
0x4b8: {  	v2 =	vld [tilespmem:s19+$0xFFFFFFE0];
	v0 =	vadd.f32 v8, v0;
	[tilespmem:s20+$0xFFFFFFC0] =	vst v9;
	s20 =	smov.u32 s23  }
0x4b9: {  	v6 =	vld [tilespmem:s23+$0xFFFFFFF0];
	v1 =	vmov v4  }
0x4ba: {  	v8 =	vld [tilespmem:s19+$0xFFFFFFF0];
	[tilespmem:s23+$0x30] =	vst v0  }
0x4bb: {  	v0 =	vadd.f32 v3, v7;
	v7 =	vld [tilespmem:s23+$0x0]  }
0x4bc: {  	v9 =	vld [tilespmem:s19+$0x0]  }
.Ltmp13:
0x4bd: {  	[tilespmem:s23+$0xFFFFFFD0] =	vst v0;
	v0 =	vadd.f32 v2, v5;
	v2 =	vld [tilespmem:s23+$0x10];
	(pc) =	sbr.rel @p0 .LBB2_27-.Ltmp13, $4  }
0x4be: {  	v4 =	vld [tilespmem:s19+$0x10]  }
0x4bf: {  	[tilespmem:s23+$0xFFFFFFE0] =	vst v0;
	v0 =	vadd.f32 v8, v6;
	v3 =	vld [tilespmem:s23+$0x20]  }
0x4c0: {  	v6 =	vld [tilespmem:s19+$0x20]  }
0x4c1: {  	s23 =	sadd.s32 $0x80, s23;
	v5 =	vld [tilespmem:s20+$0xFFFFFFC0];
	[tilespmem:s20+$0xFFFFFFF0] =	vst v0;
	v7 =	vadd.f32 v9, v7  }
0x4c2: {  	_ =	sdelay $0x1  }
0x4c3: {  	v0 =	vadd.f32 v4, v2  }
0x4c4: {  	[tilespmem:s20+$0x0] =	vst v7;
	v2 =	vadd.f32 v6, v3  }
0x4c5: {  	[tilespmem:s20+$0x10] =	vst v0;
	v0 =	vadd.f32 v1, v5  }
0x4c6: {  	[tilespmem:s20+$0x20] =	vst v2  }
0x4c7: {  	[tilespmem:s20+$0xFFFFFFC0] =	vst v0  }
0x4c8: {  	s19 =	rddreg [dreg:$0x11]  }
0x4c9: {  	[tilespmem:s6], [sflag:$0x1] =	stream.strided.gather [hbm4b:s19+s14], $0x1000, s15, s14, $0x38;
	[tilespmem:$0x1E000] =	vst v63  }
0x4ca: {  	_ =	swait.ge [sflag:s13], $0x1000  }
0x4cb: {  	[sflag:s13] =	ssyncset.done $0x0  }
0x4cc: {  	[sflag:s13] =	ssyncadd.s32 $0xFFFFF000  }
0x4cd: {  	s19 =	simm.s32 $0x1D040;
	v0 =	vld [tilespmem:s3+$0x30]  }
0x4ce: {  	v2 =	vld [tilespmem:s19+$0x30]  }
0x4cf: {  	v1 =	vld [tilespmem:s19+$0xFFFFFFC0]  }
0x4d0: {  	v3 =	vld [tilespmem:s3+$0xFFFFFFD0]  }
0x4d1: {  	v4 =	vld [tilespmem:s19+$0xFFFFFFD0]  }
0x4d2: {  	v5 =	vld [tilespmem:s3+$0xFFFFFFE0]  }
0x4d3: {  	v7 =	vld [tilespmem:s3+$0xFFFFFFF0]  }
0x4d4: {  	v8 =	vld [tilespmem:s19+$0xFFFFFFF0]  }
0x4d5: {  	v6 =	vld [tilespmem:s19+$0xFFFFFFE0]  }
0x4d6: {  	v9 =	vld [tilespmem:s3+$0x0]  }
0x4d7: {  	v10 =	vld [tilespmem:s19+$0x0];
	v0 =	vadd.f32 v2, v0  }
0x4d8: {  	v3 =	vadd.f32 v4, v3;
	v2 =	vld [tilespmem:s3+$0x10]  }
0x4d9: {  	v4 =	vld [tilespmem:s19+$0x10];
	v7 =	vadd.f32 v8, v7;
	[tilespmem:s3+$0x30] =	vst v0  }
0x4da: {  	v0 =	vadd.f32 v6, v5;
	[tilespmem:s3+$0xFFFFFFD0] =	vst v3;
	v3 =	vld [tilespmem:s3+$0x20]  }
0x4db: {  	v6 =	vld [tilespmem:s19+$0x20];
	[tilespmem:s3+$0xFFFFFFF0] =	vst v7  }
0x4dc: {  	s22 =	simm.s32 $0x0;
	s23 =	sadd.s32 $0x80, s3;
	s20 =	smov.u32 s3;
	v5 =	vld [tilespmem:s3+$0xFFFFFFC0];
	v7 =	vadd.f32 v10, v9;
	[tilespmem:s3+$0xFFFFFFE0] =	vst v0  }
.LBB2_29:
0x4dd: {  	v0 =	vld [tilespmem:s23+$0x30];
	s19 =	sadd.s32 $0x80, s19  }
0x4de: {  	s22 =	sadd.s32 $0x8, s22;
	v8 =	vld [tilespmem:s19+$0x30];
	[tilespmem:s20+$0x0] =	vst v7;
	v2 =	vadd.f32 v4, v2  }
0x4df: {  	p0 =	slt.u32 s22, $0xF8;
	v4 =	vld [tilespmem:s19+$0xFFFFFFC0]  }
0x4e0: {  	v7 =	vld [tilespmem:s23+$0xFFFFFFD0];
	[tilespmem:s20+$0x10] =	vst v2;
	v2 =	vadd.f32 v6, v3  }
0x4e1: {  	v3 =	vld [tilespmem:s19+$0xFFFFFFD0];
	v9 =	vadd.f32 v1, v5  }
0x4e2: {  	v5 =	vld [tilespmem:s23+$0xFFFFFFE0];
	[tilespmem:s20+$0x20] =	vst v2  }
0x4e3: {  	v2 =	vld [tilespmem:s19+$0xFFFFFFE0];
	v0 =	vadd.f32 v8, v0;
	[tilespmem:s20+$0xFFFFFFC0] =	vst v9;
	s20 =	smov.u32 s23  }
0x4e4: {  	v6 =	vld [tilespmem:s23+$0xFFFFFFF0];
	v1 =	vmov v4  }
0x4e5: {  	v8 =	vld [tilespmem:s19+$0xFFFFFFF0];
	[tilespmem:s23+$0x30] =	vst v0  }
0x4e6: {  	v0 =	vadd.f32 v3, v7;
	v7 =	vld [tilespmem:s23+$0x0]  }
0x4e7: {  	v9 =	vld [tilespmem:s19+$0x0]  }
.Ltmp14:
0x4e8: {  	[tilespmem:s23+$0xFFFFFFD0] =	vst v0;
	v0 =	vadd.f32 v2, v5;
	v2 =	vld [tilespmem:s23+$0x10];
	(pc) =	sbr.rel @p0 .LBB2_29-.Ltmp14, $4  }
0x4e9: {  	v4 =	vld [tilespmem:s19+$0x10]  }
0x4ea: {  	[tilespmem:s23+$0xFFFFFFE0] =	vst v0;
	v0 =	vadd.f32 v8, v6;
	v3 =	vld [tilespmem:s23+$0x20]  }
0x4eb: {  	v6 =	vld [tilespmem:s19+$0x20]  }
0x4ec: {  	s23 =	sadd.s32 $0x80, s23;
	v5 =	vld [tilespmem:s20+$0xFFFFFFC0];
	[tilespmem:s20+$0xFFFFFFF0] =	vst v0;
	v7 =	vadd.f32 v9, v7  }
0x4ed: {  	_ =	sdelay $0x1  }
0x4ee: {  	v0 =	vadd.f32 v4, v2  }
0x4ef: {  	[tilespmem:s20+$0x0] =	vst v7;
	v2 =	vadd.f32 v6, v3  }
0x4f0: {  	[tilespmem:s20+$0x10] =	vst v0;
	v0 =	vadd.f32 v1, v5  }
0x4f1: {  	[tilespmem:s20+$0x20] =	vst v2  }
0x4f2: {  	[tilespmem:s20+$0xFFFFFFC0] =	vst v0  }
0x4f3: {  	s19 =	rddreg [dreg:$0x12]  }
0x4f4: {  	[tilespmem:s9], [sflag:$0x2] =	stream.strided.gather [hbm4b:s19+s14], $0x1000, s15, s14, $0x38;
	[tilespmem:$0x1E000] =	vst v63  }
0x4f5: {  	_ =	swait.ge [sflag:s11], $0x1000  }
0x4f6: {  	[sflag:s11] =	ssyncset.done $0x0  }
0x4f7: {  	[sflag:s11] =	ssyncadd.s32 $0xFFFFF000  }
0x4f8: {  	s19 =	simm.s32 $0x1A040;
	v0 =	vld [tilespmem:s3+$0x30]  }
0x4f9: {  	v2 =	vld [tilespmem:s19+$0x30]  }
0x4fa: {  	v1 =	vld [tilespmem:s19+$0xFFFFFFC0]  }
0x4fb: {  	v3 =	vld [tilespmem:s3+$0xFFFFFFD0]  }
0x4fc: {  	v4 =	vld [tilespmem:s19+$0xFFFFFFD0]  }
0x4fd: {  	v5 =	vld [tilespmem:s3+$0xFFFFFFE0]  }
0x4fe: {  	v7 =	vld [tilespmem:s3+$0xFFFFFFF0]  }
0x4ff: {  	v8 =	vld [tilespmem:s19+$0xFFFFFFF0]  }
0x500: {  	v6 =	vld [tilespmem:s19+$0xFFFFFFE0]  }
0x501: {  	v9 =	vld [tilespmem:s3+$0x0]  }
0x502: {  	v10 =	vld [tilespmem:s19+$0x0];
	v0 =	vadd.f32 v2, v0  }
0x503: {  	v3 =	vadd.f32 v4, v3;
	v2 =	vld [tilespmem:s3+$0x10]  }
0x504: {  	v4 =	vld [tilespmem:s19+$0x10];
	v7 =	vadd.f32 v8, v7;
	[tilespmem:s3+$0x30] =	vst v0  }
0x505: {  	v0 =	vadd.f32 v6, v5;
	[tilespmem:s3+$0xFFFFFFD0] =	vst v3;
	v3 =	vld [tilespmem:s3+$0x20]  }
0x506: {  	v6 =	vld [tilespmem:s19+$0x20];
	[tilespmem:s3+$0xFFFFFFF0] =	vst v7  }
0x507: {  	s22 =	simm.s32 $0x0;
	s23 =	sadd.s32 $0x80, s3;
	s20 =	smov.u32 s3;
	v5 =	vld [tilespmem:s3+$0xFFFFFFC0];
	v7 =	vadd.f32 v10, v9;
	[tilespmem:s3+$0xFFFFFFE0] =	vst v0  }
.LBB2_31:
0x508: {  	v0 =	vld [tilespmem:s23+$0x30];
	s19 =	sadd.s32 $0x80, s19  }
0x509: {  	s22 =	sadd.s32 $0x8, s22;
	v8 =	vld [tilespmem:s19+$0x30];
	[tilespmem:s20+$0x0] =	vst v7;
	v2 =	vadd.f32 v4, v2  }
0x50a: {  	p0 =	slt.u32 s22, $0xF8;
	v4 =	vld [tilespmem:s19+$0xFFFFFFC0]  }
0x50b: {  	v7 =	vld [tilespmem:s23+$0xFFFFFFD0];
	[tilespmem:s20+$0x10] =	vst v2;
	v2 =	vadd.f32 v6, v3  }
0x50c: {  	v3 =	vld [tilespmem:s19+$0xFFFFFFD0];
	v9 =	vadd.f32 v1, v5  }
0x50d: {  	v5 =	vld [tilespmem:s23+$0xFFFFFFE0];
	[tilespmem:s20+$0x20] =	vst v2  }
0x50e: {  	v2 =	vld [tilespmem:s19+$0xFFFFFFE0];
	v0 =	vadd.f32 v8, v0;
	[tilespmem:s20+$0xFFFFFFC0] =	vst v9;
	s20 =	smov.u32 s23  }
0x50f: {  	v6 =	vld [tilespmem:s23+$0xFFFFFFF0];
	v1 =	vmov v4  }
0x510: {  	v8 =	vld [tilespmem:s19+$0xFFFFFFF0];
	[tilespmem:s23+$0x30] =	vst v0  }
0x511: {  	v0 =	vadd.f32 v3, v7;
	v7 =	vld [tilespmem:s23+$0x0]  }
0x512: {  	v9 =	vld [tilespmem:s19+$0x0]  }
.Ltmp15:
0x513: {  	[tilespmem:s23+$0xFFFFFFD0] =	vst v0;
	v0 =	vadd.f32 v2, v5;
	v2 =	vld [tilespmem:s23+$0x10];
	(pc) =	sbr.rel @p0 .LBB2_31-.Ltmp15, $4  }
0x514: {  	v4 =	vld [tilespmem:s19+$0x10]  }
0x515: {  	[tilespmem:s23+$0xFFFFFFE0] =	vst v0;
	v0 =	vadd.f32 v8, v6;
	v3 =	vld [tilespmem:s23+$0x20]  }
0x516: {  	v6 =	vld [tilespmem:s19+$0x20]  }
0x517: {  	s23 =	sadd.s32 $0x80, s23;
	v5 =	vld [tilespmem:s20+$0xFFFFFFC0];
	[tilespmem:s20+$0xFFFFFFF0] =	vst v0;
	v7 =	vadd.f32 v9, v7  }
0x518: {  	_ =	sdelay $0x1  }
0x519: {  	v0 =	vadd.f32 v4, v2  }
0x51a: {  	[tilespmem:s20+$0x0] =	vst v7;
	v2 =	vadd.f32 v6, v3  }
0x51b: {  	[tilespmem:s20+$0x10] =	vst v0;
	v0 =	vadd.f32 v1, v5  }
0x51c: {  	[tilespmem:s20+$0x20] =	vst v2  }
0x51d: {  	[tilespmem:s20+$0xFFFFFFC0] =	vst v0  }
0x51e: {  	s19 =	rddreg [dreg:$0x13]  }
0x51f: {  	[tilespmem:s6], [sflag:$0x1] =	stream.strided.gather [hbm4b:s19+s14], $0x1000, s15, s14, $0x38;
	[tilespmem:$0x1E000] =	vst v63  }
0x520: {  	_ =	swait.ge [sflag:s13], $0x1000  }
0x521: {  	[sflag:s13] =	ssyncset.done $0x0  }
0x522: {  	[sflag:s13] =	ssyncadd.s32 $0xFFFFF000  }
0x523: {  	s19 =	simm.s32 $0x1D040;
	v0 =	vld [tilespmem:s3+$0x30]  }
0x524: {  	v2 =	vld [tilespmem:s19+$0x30]  }
0x525: {  	v1 =	vld [tilespmem:s19+$0xFFFFFFC0]  }
0x526: {  	v3 =	vld [tilespmem:s3+$0xFFFFFFD0]  }
0x527: {  	v4 =	vld [tilespmem:s19+$0xFFFFFFD0]  }
0x528: {  	v5 =	vld [tilespmem:s3+$0xFFFFFFE0]  }
0x529: {  	v7 =	vld [tilespmem:s3+$0xFFFFFFF0]  }
0x52a: {  	v8 =	vld [tilespmem:s19+$0xFFFFFFF0]  }
0x52b: {  	v6 =	vld [tilespmem:s19+$0xFFFFFFE0]  }
0x52c: {  	v9 =	vld [tilespmem:s3+$0x0]  }
0x52d: {  	v10 =	vld [tilespmem:s19+$0x0];
	v0 =	vadd.f32 v2, v0  }
0x52e: {  	v3 =	vadd.f32 v4, v3;
	v2 =	vld [tilespmem:s3+$0x10]  }
0x52f: {  	v4 =	vld [tilespmem:s19+$0x10];
	v7 =	vadd.f32 v8, v7;
	[tilespmem:s3+$0x30] =	vst v0  }
0x530: {  	v0 =	vadd.f32 v6, v5;
	[tilespmem:s3+$0xFFFFFFD0] =	vst v3;
	v3 =	vld [tilespmem:s3+$0x20]  }
0x531: {  	v6 =	vld [tilespmem:s19+$0x20];
	[tilespmem:s3+$0xFFFFFFF0] =	vst v7  }
0x532: {  	s22 =	simm.s32 $0x0;
	s23 =	sadd.s32 $0x80, s3;
	s20 =	smov.u32 s3;
	v5 =	vld [tilespmem:s3+$0xFFFFFFC0];
	v7 =	vadd.f32 v10, v9;
	[tilespmem:s3+$0xFFFFFFE0] =	vst v0  }
.LBB2_33:
0x533: {  	v0 =	vld [tilespmem:s23+$0x30];
	s19 =	sadd.s32 $0x80, s19  }
0x534: {  	s22 =	sadd.s32 $0x8, s22;
	v8 =	vld [tilespmem:s19+$0x30];
	[tilespmem:s20+$0x0] =	vst v7;
	v2 =	vadd.f32 v4, v2  }
0x535: {  	p0 =	slt.u32 s22, $0xF8;
	v4 =	vld [tilespmem:s19+$0xFFFFFFC0]  }
0x536: {  	v7 =	vld [tilespmem:s23+$0xFFFFFFD0];
	[tilespmem:s20+$0x10] =	vst v2;
	v2 =	vadd.f32 v6, v3  }
0x537: {  	v3 =	vld [tilespmem:s19+$0xFFFFFFD0];
	v9 =	vadd.f32 v1, v5  }
0x538: {  	v5 =	vld [tilespmem:s23+$0xFFFFFFE0];
	[tilespmem:s20+$0x20] =	vst v2  }
0x539: {  	v2 =	vld [tilespmem:s19+$0xFFFFFFE0];
	v0 =	vadd.f32 v8, v0;
	[tilespmem:s20+$0xFFFFFFC0] =	vst v9;
	s20 =	smov.u32 s23  }
0x53a: {  	v6 =	vld [tilespmem:s23+$0xFFFFFFF0];
	v1 =	vmov v4  }
0x53b: {  	v8 =	vld [tilespmem:s19+$0xFFFFFFF0];
	[tilespmem:s23+$0x30] =	vst v0  }
0x53c: {  	v0 =	vadd.f32 v3, v7;
	v7 =	vld [tilespmem:s23+$0x0]  }
0x53d: {  	v9 =	vld [tilespmem:s19+$0x0]  }
.Ltmp16:
0x53e: {  	[tilespmem:s23+$0xFFFFFFD0] =	vst v0;
	v0 =	vadd.f32 v2, v5;
	v2 =	vld [tilespmem:s23+$0x10];
	(pc) =	sbr.rel @p0 .LBB2_33-.Ltmp16, $4  }
0x53f: {  	v4 =	vld [tilespmem:s19+$0x10]  }
0x540: {  	[tilespmem:s23+$0xFFFFFFE0] =	vst v0;
	v0 =	vadd.f32 v8, v6;
	v3 =	vld [tilespmem:s23+$0x20]  }
0x541: {  	v6 =	vld [tilespmem:s19+$0x20]  }
0x542: {  	s23 =	sadd.s32 $0x80, s23;
	v5 =	vld [tilespmem:s20+$0xFFFFFFC0];
	[tilespmem:s20+$0xFFFFFFF0] =	vst v0;
	v7 =	vadd.f32 v9, v7  }
0x543: {  	_ =	sdelay $0x1  }
0x544: {  	v0 =	vadd.f32 v4, v2  }
0x545: {  	[tilespmem:s20+$0x0] =	vst v7;
	v2 =	vadd.f32 v6, v3  }
0x546: {  	[tilespmem:s20+$0x10] =	vst v0;
	v0 =	vadd.f32 v1, v5  }
0x547: {  	[tilespmem:s20+$0x20] =	vst v2  }
0x548: {  	[tilespmem:s20+$0xFFFFFFC0] =	vst v0  }
0x549: {  	s19 =	rddreg [dreg:$0x14]  }
0x54a: {  	[tilespmem:s9], [sflag:$0x2] =	stream.strided.gather [hbm4b:s19+s14], $0x1000, s15, s14, $0x38;
	[tilespmem:$0x1E000] =	vst v63  }
0x54b: {  	_ =	swait.ge [sflag:s11], $0x1000  }
0x54c: {  	[sflag:s11] =	ssyncset.done $0x0  }
0x54d: {  	[sflag:s11] =	ssyncadd.s32 $0xFFFFF000  }
0x54e: {  	s19 =	simm.s32 $0x1A040;
	v0 =	vld [tilespmem:s3+$0x30]  }
0x54f: {  	v2 =	vld [tilespmem:s19+$0x30]  }
0x550: {  	v1 =	vld [tilespmem:s19+$0xFFFFFFC0]  }
0x551: {  	v3 =	vld [tilespmem:s3+$0xFFFFFFD0]  }
0x552: {  	v4 =	vld [tilespmem:s19+$0xFFFFFFD0]  }
0x553: {  	v5 =	vld [tilespmem:s3+$0xFFFFFFE0]  }
0x554: {  	v7 =	vld [tilespmem:s3+$0xFFFFFFF0]  }
0x555: {  	v8 =	vld [tilespmem:s19+$0xFFFFFFF0]  }
0x556: {  	v6 =	vld [tilespmem:s19+$0xFFFFFFE0]  }
0x557: {  	v9 =	vld [tilespmem:s3+$0x0]  }
0x558: {  	v10 =	vld [tilespmem:s19+$0x0];
	v0 =	vadd.f32 v2, v0  }
0x559: {  	v3 =	vadd.f32 v4, v3;
	v2 =	vld [tilespmem:s3+$0x10]  }
0x55a: {  	v4 =	vld [tilespmem:s19+$0x10];
	v7 =	vadd.f32 v8, v7;
	[tilespmem:s3+$0x30] =	vst v0  }
0x55b: {  	v0 =	vadd.f32 v6, v5;
	[tilespmem:s3+$0xFFFFFFD0] =	vst v3;
	v3 =	vld [tilespmem:s3+$0x20]  }
0x55c: {  	v6 =	vld [tilespmem:s19+$0x20];
	[tilespmem:s3+$0xFFFFFFF0] =	vst v7  }
0x55d: {  	s22 =	simm.s32 $0x0;
	s23 =	sadd.s32 $0x80, s3;
	s20 =	smov.u32 s3;
	v5 =	vld [tilespmem:s3+$0xFFFFFFC0];
	v7 =	vadd.f32 v10, v9;
	[tilespmem:s3+$0xFFFFFFE0] =	vst v0  }
.LBB2_35:
0x55e: {  	v0 =	vld [tilespmem:s23+$0x30];
	s19 =	sadd.s32 $0x80, s19  }
0x55f: {  	s22 =	sadd.s32 $0x8, s22;
	v8 =	vld [tilespmem:s19+$0x30];
	[tilespmem:s20+$0x0] =	vst v7;
	v2 =	vadd.f32 v4, v2  }
0x560: {  	p0 =	slt.u32 s22, $0xF8;
	v4 =	vld [tilespmem:s19+$0xFFFFFFC0]  }
0x561: {  	v7 =	vld [tilespmem:s23+$0xFFFFFFD0];
	[tilespmem:s20+$0x10] =	vst v2;
	v2 =	vadd.f32 v6, v3  }
0x562: {  	v3 =	vld [tilespmem:s19+$0xFFFFFFD0];
	v9 =	vadd.f32 v1, v5  }
0x563: {  	v5 =	vld [tilespmem:s23+$0xFFFFFFE0];
	[tilespmem:s20+$0x20] =	vst v2  }
0x564: {  	v2 =	vld [tilespmem:s19+$0xFFFFFFE0];
	v0 =	vadd.f32 v8, v0;
	[tilespmem:s20+$0xFFFFFFC0] =	vst v9;
	s20 =	smov.u32 s23  }
0x565: {  	v6 =	vld [tilespmem:s23+$0xFFFFFFF0];
	v1 =	vmov v4  }
0x566: {  	v8 =	vld [tilespmem:s19+$0xFFFFFFF0];
	[tilespmem:s23+$0x30] =	vst v0  }
0x567: {  	v0 =	vadd.f32 v3, v7;
	v7 =	vld [tilespmem:s23+$0x0]  }
0x568: {  	v9 =	vld [tilespmem:s19+$0x0]  }
.Ltmp17:
0x569: {  	[tilespmem:s23+$0xFFFFFFD0] =	vst v0;
	v0 =	vadd.f32 v2, v5;
	v2 =	vld [tilespmem:s23+$0x10];
	(pc) =	sbr.rel @p0 .LBB2_35-.Ltmp17, $4  }
0x56a: {  	v4 =	vld [tilespmem:s19+$0x10]  }
0x56b: {  	[tilespmem:s23+$0xFFFFFFE0] =	vst v0;
	v0 =	vadd.f32 v8, v6;
	v3 =	vld [tilespmem:s23+$0x20]  }
0x56c: {  	v6 =	vld [tilespmem:s19+$0x20]  }
0x56d: {  	s23 =	sadd.s32 $0x80, s23;
	v5 =	vld [tilespmem:s20+$0xFFFFFFC0];
	[tilespmem:s20+$0xFFFFFFF0] =	vst v0;
	v7 =	vadd.f32 v9, v7  }
0x56e: {  	_ =	sdelay $0x1  }
0x56f: {  	v0 =	vadd.f32 v4, v2  }
0x570: {  	[tilespmem:s20+$0x0] =	vst v7;
	v2 =	vadd.f32 v6, v3  }
0x571: {  	[tilespmem:s20+$0x10] =	vst v0;
	v0 =	vadd.f32 v1, v5  }
0x572: {  	[tilespmem:s20+$0x20] =	vst v2  }
0x573: {  	[tilespmem:s20+$0xFFFFFFC0] =	vst v0  }
0x574: {  	s19 =	rddreg [dreg:$0x15]  }
0x575: {  	[tilespmem:s6], [sflag:$0x1] =	stream.strided.gather [hbm4b:s19+s14], $0x1000, s15, s14, $0x38;
	[tilespmem:$0x1E000] =	vst v63  }
0x576: {  	_ =	swait.ge [sflag:s13], $0x1000  }
0x577: {  	[sflag:s13] =	ssyncset.done $0x0  }
0x578: {  	[sflag:s13] =	ssyncadd.s32 $0xFFFFF000  }
0x579: {  	s19 =	simm.s32 $0x1D040;
	v0 =	vld [tilespmem:s3+$0x30]  }
0x57a: {  	v2 =	vld [tilespmem:s19+$0x30]  }
0x57b: {  	v1 =	vld [tilespmem:s19+$0xFFFFFFC0]  }
0x57c: {  	v3 =	vld [tilespmem:s3+$0xFFFFFFD0]  }
0x57d: {  	v4 =	vld [tilespmem:s19+$0xFFFFFFD0]  }
0x57e: {  	v5 =	vld [tilespmem:s3+$0xFFFFFFE0]  }
0x57f: {  	v7 =	vld [tilespmem:s3+$0xFFFFFFF0]  }
0x580: {  	v8 =	vld [tilespmem:s19+$0xFFFFFFF0]  }
0x581: {  	v6 =	vld [tilespmem:s19+$0xFFFFFFE0]  }
0x582: {  	v9 =	vld [tilespmem:s3+$0x0]  }
0x583: {  	v10 =	vld [tilespmem:s19+$0x0];
	v0 =	vadd.f32 v2, v0  }
0x584: {  	v3 =	vadd.f32 v4, v3;
	v2 =	vld [tilespmem:s3+$0x10]  }
0x585: {  	v4 =	vld [tilespmem:s19+$0x10];
	v7 =	vadd.f32 v8, v7;
	[tilespmem:s3+$0x30] =	vst v0  }
0x586: {  	v0 =	vadd.f32 v6, v5;
	[tilespmem:s3+$0xFFFFFFD0] =	vst v3;
	v3 =	vld [tilespmem:s3+$0x20]  }
0x587: {  	v6 =	vld [tilespmem:s19+$0x20];
	[tilespmem:s3+$0xFFFFFFF0] =	vst v7  }
0x588: {  	s22 =	simm.s32 $0x0;
	s23 =	sadd.s32 $0x80, s3;
	s20 =	smov.u32 s3;
	v5 =	vld [tilespmem:s3+$0xFFFFFFC0];
	v7 =	vadd.f32 v10, v9;
	[tilespmem:s3+$0xFFFFFFE0] =	vst v0  }
.LBB2_37:
0x589: {  	v0 =	vld [tilespmem:s23+$0x30];
	s19 =	sadd.s32 $0x80, s19  }
0x58a: {  	s22 =	sadd.s32 $0x8, s22;
	v8 =	vld [tilespmem:s19+$0x30];
	[tilespmem:s20+$0x0] =	vst v7;
	v2 =	vadd.f32 v4, v2  }
0x58b: {  	p0 =	slt.u32 s22, $0xF8;
	v4 =	vld [tilespmem:s19+$0xFFFFFFC0]  }
0x58c: {  	v7 =	vld [tilespmem:s23+$0xFFFFFFD0];
	[tilespmem:s20+$0x10] =	vst v2;
	v2 =	vadd.f32 v6, v3  }
0x58d: {  	v3 =	vld [tilespmem:s19+$0xFFFFFFD0];
	v9 =	vadd.f32 v1, v5  }
0x58e: {  	v5 =	vld [tilespmem:s23+$0xFFFFFFE0];
	[tilespmem:s20+$0x20] =	vst v2  }
0x58f: {  	v2 =	vld [tilespmem:s19+$0xFFFFFFE0];
	v0 =	vadd.f32 v8, v0;
	[tilespmem:s20+$0xFFFFFFC0] =	vst v9;
	s20 =	smov.u32 s23  }
0x590: {  	v6 =	vld [tilespmem:s23+$0xFFFFFFF0];
	v1 =	vmov v4  }
0x591: {  	v8 =	vld [tilespmem:s19+$0xFFFFFFF0];
	[tilespmem:s23+$0x30] =	vst v0  }
0x592: {  	v0 =	vadd.f32 v3, v7;
	v7 =	vld [tilespmem:s23+$0x0]  }
0x593: {  	v9 =	vld [tilespmem:s19+$0x0]  }
.Ltmp18:
0x594: {  	[tilespmem:s23+$0xFFFFFFD0] =	vst v0;
	v0 =	vadd.f32 v2, v5;
	v2 =	vld [tilespmem:s23+$0x10];
	(pc) =	sbr.rel @p0 .LBB2_37-.Ltmp18, $4  }
0x595: {  	v4 =	vld [tilespmem:s19+$0x10]  }
0x596: {  	[tilespmem:s23+$0xFFFFFFE0] =	vst v0;
	v0 =	vadd.f32 v8, v6;
	v3 =	vld [tilespmem:s23+$0x20]  }
0x597: {  	v6 =	vld [tilespmem:s19+$0x20]  }
0x598: {  	s23 =	sadd.s32 $0x80, s23;
	v5 =	vld [tilespmem:s20+$0xFFFFFFC0];
	[tilespmem:s20+$0xFFFFFFF0] =	vst v0;
	v7 =	vadd.f32 v9, v7  }
0x599: {  	_ =	sdelay $0x1  }
0x59a: {  	v0 =	vadd.f32 v4, v2  }
0x59b: {  	[tilespmem:s20+$0x0] =	vst v7;
	v2 =	vadd.f32 v6, v3  }
0x59c: {  	[tilespmem:s20+$0x10] =	vst v0;
	v0 =	vadd.f32 v1, v5  }
0x59d: {  	[tilespmem:s20+$0x20] =	vst v2  }
0x59e: {  	[tilespmem:s20+$0xFFFFFFC0] =	vst v0  }
0x59f: {  	_ =	swait.ge [sflag:s11], $0x1000  }
0x5a0: {  	[sflag:s11] =	ssyncset.done $0x0  }
0x5a1: {  	[sflag:s11] =	ssyncadd.s32 $0xFFFFF000  }
0x5a2: {  	s19 =	simm.s32 $0x1A040;
	v0 =	vld [tilespmem:s3+$0x30]  }
0x5a3: {  	v2 =	vld [tilespmem:s19+$0x30]  }
0x5a4: {  	v1 =	vld [tilespmem:s19+$0xFFFFFFC0]  }
0x5a5: {  	v3 =	vld [tilespmem:s3+$0xFFFFFFD0]  }
0x5a6: {  	v4 =	vld [tilespmem:s19+$0xFFFFFFD0]  }
0x5a7: {  	v5 =	vld [tilespmem:s3+$0xFFFFFFE0]  }
0x5a8: {  	v7 =	vld [tilespmem:s3+$0xFFFFFFF0]  }
0x5a9: {  	v8 =	vld [tilespmem:s19+$0xFFFFFFF0]  }
0x5aa: {  	v6 =	vld [tilespmem:s19+$0xFFFFFFE0]  }
0x5ab: {  	v9 =	vld [tilespmem:s3+$0x0]  }
0x5ac: {  	v10 =	vld [tilespmem:s19+$0x0];
	v0 =	vadd.f32 v2, v0  }
0x5ad: {  	v3 =	vadd.f32 v4, v3;
	v2 =	vld [tilespmem:s3+$0x10]  }
0x5ae: {  	v4 =	vld [tilespmem:s19+$0x10];
	v7 =	vadd.f32 v8, v7;
	[tilespmem:s3+$0x30] =	vst v0  }
0x5af: {  	v0 =	vadd.f32 v6, v5;
	[tilespmem:s3+$0xFFFFFFD0] =	vst v3;
	v3 =	vld [tilespmem:s3+$0x20]  }
0x5b0: {  	v6 =	vld [tilespmem:s19+$0x20];
	[tilespmem:s3+$0xFFFFFFF0] =	vst v7  }
0x5b1: {  	s22 =	simm.s32 $0x0;
	s23 =	sadd.s32 $0x80, s3;
	s20 =	smov.u32 s3;
	v5 =	vld [tilespmem:s3+$0xFFFFFFC0];
	v7 =	vadd.f32 v10, v9;
	[tilespmem:s3+$0xFFFFFFE0] =	vst v0  }
.LBB2_39:
0x5b2: {  	v0 =	vld [tilespmem:s23+$0x30];
	s19 =	sadd.s32 $0x80, s19  }
0x5b3: {  	s22 =	sadd.s32 $0x8, s22;
	v8 =	vld [tilespmem:s19+$0x30];
	[tilespmem:s20+$0x0] =	vst v7;
	v2 =	vadd.f32 v4, v2  }
0x5b4: {  	p0 =	slt.u32 s22, $0xF8;
	v4 =	vld [tilespmem:s19+$0xFFFFFFC0]  }
0x5b5: {  	v7 =	vld [tilespmem:s23+$0xFFFFFFD0];
	[tilespmem:s20+$0x10] =	vst v2;
	v2 =	vadd.f32 v6, v3  }
0x5b6: {  	v3 =	vld [tilespmem:s19+$0xFFFFFFD0];
	v9 =	vadd.f32 v1, v5  }
0x5b7: {  	v5 =	vld [tilespmem:s23+$0xFFFFFFE0];
	[tilespmem:s20+$0x20] =	vst v2  }
0x5b8: {  	v2 =	vld [tilespmem:s19+$0xFFFFFFE0];
	v0 =	vadd.f32 v8, v0;
	[tilespmem:s20+$0xFFFFFFC0] =	vst v9;
	s20 =	smov.u32 s23  }
0x5b9: {  	v6 =	vld [tilespmem:s23+$0xFFFFFFF0];
	v1 =	vmov v4  }
0x5ba: {  	v8 =	vld [tilespmem:s19+$0xFFFFFFF0];
	[tilespmem:s23+$0x30] =	vst v0  }
0x5bb: {  	v0 =	vadd.f32 v3, v7;
	v7 =	vld [tilespmem:s23+$0x0]  }
0x5bc: {  	v9 =	vld [tilespmem:s19+$0x0]  }
.Ltmp19:
0x5bd: {  	[tilespmem:s23+$0xFFFFFFD0] =	vst v0;
	v0 =	vadd.f32 v2, v5;
	v2 =	vld [tilespmem:s23+$0x10];
	(pc) =	sbr.rel @p0 .LBB2_39-.Ltmp19, $4  }
0x5be: {  	v4 =	vld [tilespmem:s19+$0x10]  }
0x5bf: {  	[tilespmem:s23+$0xFFFFFFE0] =	vst v0;
	v0 =	vadd.f32 v8, v6;
	v3 =	vld [tilespmem:s23+$0x20]  }
0x5c0: {  	v6 =	vld [tilespmem:s19+$0x20]  }
0x5c1: {  	s23 =	sadd.s32 $0x80, s23;
	v5 =	vld [tilespmem:s20+$0xFFFFFFC0];
	[tilespmem:s20+$0xFFFFFFF0] =	vst v0;
	v7 =	vadd.f32 v9, v7  }
0x5c2: {  	_ =	sdelay $0x1  }
0x5c3: {  	v0 =	vadd.f32 v4, v2  }
0x5c4: {  	[tilespmem:s20+$0x0] =	vst v7;
	v2 =	vadd.f32 v6, v3  }
0x5c5: {  	s17 =	sadd.s32 $0x1, s17;
	[tilespmem:s20+$0x10] =	vst v0;
	v0 =	vadd.f32 v1, v5  }
0x5c6: {  	p0 =	sne.s32 s17, s1;
	[tilespmem:s20+$0x20] =	vst v2  }
.Ltmp20:
0x5c7: {  	s19 =	simm.s32 $0x100;
	[tilespmem:s20+$0xFFFFFFC0] =	vst v0;
	(pc) =	sbr.rel @p0 .LBB2_1-.Ltmp20, $4  }
0x5c8: {  	[hbm4b:s18+s14] =	stream.strided.scatter [tilespmem:s21], [sflag:$0x4], $0x1000, s19, s14, $0x38;
	[tilespmem:$0x1E000] =	vst v63  }
0x5c9: {  	_ =	swait.ge [sflag:s16], $0x1000  }
0x5ca: {  	[sflag:s16] =	ssyncset.done $0x0  }
0x5cb: {  	v0 =	vimm.f32 $0.0e+00;
	[sflag:s16] =	ssyncadd.s32 $0xFFFFF000  }
0x5cc: {  	_ =	sfence.sel $0x180000  }
0x5cd: {  	[bflag:$0x0] =	sbarrier.arrive $0xFFFF  }
0x5ce: {  	_ =	strace $0x90000047  }
0x5cf: {  	s0 =	stileid.u32;
	[bflag:$0x2] =	sbarrier.arrive $0xFFFF  }
0x5d0: {  	p0 =	sne.s32 s0, $0x0;
	s0 =	rddreg [dreg:$0x5]  }
0x5d1: {  	s0 =	sadd.s32 @!p0 $0x100000, s0  }
0x5d2: {  	[sflag:s0] =	ssyncadd.tile.s32 @!p0 $0x1;
	_ =	shalt  }
.Lfunc_end2:
_tile_overlayer_lowered:
.L_overlay_start_2:
0x5d3: {  	(tag) =	ssettag $0x2  }
0x5d4: {  	s0 =	rddreg [dreg:$0x0];
	s2 =	stileid.u32  }
0x5d5: {  	s1 =	rddreg [dreg:$0x1];
	p0 =	sne.s32 s2, $0x0  }
0x5d6: {  	s3 =	rddreg [dreg:$0x2];
	[bflag:$0x3] =	sbarrier.arrive $0xFFFF;
	s2 =	simm.s32 @!p0 $0x1C04  }
0x5d7: {  	[timem:s3], [sflag:s2] =	dma.local @!p0 [hbm:s0], s1  }
0x5d8: {  	s0 =	simm.s32 @!p0 $0x4  }
0x5d9: {  	_ =	swait.ge @!p0 [sflag:s0], s1  }
0x5da: {  	s1 =	ssub.s32 @!p0 $0x0, s1;
	[sflag:s0] =	ssyncset.done @!p0 $0x0  }
0x5db: {  	[sflag:s0] =	ssyncadd.s32 @!p0 s1  }
0x5dc: {  	[bflag:$0x3] =	sbarrier.arrive $0xFFFF  }
0x5dd: {  	_ =	shalt  }

</sc_bundles>
